<compile_context>
chip_gen: v7x
topology: tpu7x:2x2x1
jax: 0.10.2.dev20260603
libtpu: 0.0.44.dev20260713+nightly
codegen_flags: <defaults>
</compile_context>

<pallas_src>
import functools

import jax
import jax.numpy as jnp
from jax import lax
from jax.experimental import pallas as pl
from jax.experimental.pallas import tpu as pltpu
from jax.experimental.pallas import tpu_sc as plsc

N_NODES = 10000
N_PAD = 10112
D_FEAT = 128
D_EDGE = 16

NC = 2
NS = 16
NW = NC * NS

CHUNK = 128
GROUP = 8
ROWS_PER_TILE = N_PAD // NS


def _edge_weights(phys, e_pad):
    blk_e = 4096
    n_rows = e_pad // 128
    grid = n_rows // 32
    last = phys.shape[0] // blk_e - (phys.shape[0] % blk_e == 0)

    def wk(p_ref, o_ref):
        x = p_ref[...].reshape(32, 128, D_EDGE)
        o_ref[...] = jnp.sum(x, axis=-1)

    return pl.pallas_call(
        wk,
        grid=(grid,),
        in_specs=[pl.BlockSpec((blk_e, D_EDGE),
                               lambda i: (jnp.minimum(i, last), 0))],
        out_specs=pl.BlockSpec((32, 128), lambda i: (i, 0)),
        out_shape=jax.ShapeDtypeStruct((n_rows, 128), jnp.float32),
    )(phys)


def _sc_aggregate(features, src2d, dst2d, w2d, n_edges, edges_per_tile):
    n_chunks = edges_per_tile // CHUNK
    n_groups = n_chunks // GROUP

    mesh = plsc.VectorSubcoreMesh(core_axis_name="c", subcore_axis_name="s")

    @functools.partial(
        pl.kernel,
        mesh=mesh,
        out_type=jax.ShapeDtypeStruct((NC, N_PAD, D_FEAT), jnp.float32),
        scratch_types=[
            pltpu.VMEM((CHUNK, D_FEAT), jnp.float32),
            pltpu.VMEM((GROUP, 128), jnp.float32),
            pltpu.VMEM((GROUP, 128), jnp.int32),
            pltpu.VMEM((GROUP, 128), jnp.int32),
            pltpu.SemaphoreType.DMA,
            pltpu.VMEM_SHARED((N_PAD, D_FEAT), jnp.float32),
        ],
    )
    def k(feat_hbm, src_hbm, dst_hbm, w_hbm, out_hbm,
          gbuf, w_v, src_v, dst_v, gsem, acc_sh):
        c = lax.axis_index("c")
        s = lax.axis_index("s")
        wid = s * NC + c
        edge_base = wid * edges_per_tile
        idx_base = pl.multiple_of(edge_base // 128, 8)
        nv = jnp.clip((n_edges - edge_base) // CHUNK, 0, n_chunks)

        zeros16 = jnp.zeros((16,), jnp.float32)

        def zero_body(r, _):
            for g in range(D_FEAT // 16):
                gbuf[r, pl.ds(g * 16, 16)] = zeros16
            return 0
        lax.fori_loop(0, CHUNK, zero_body, 0)

        base_row = pl.multiple_of(s * ROWS_PER_TILE, 8)
        done = 0
        while done < ROWS_PER_TILE:
            n = min(CHUNK, ROWS_PER_TILE - done)
            pltpu.sync_copy(gbuf.at[pl.ds(0, n)],
                            acc_sh.at[pl.ds(base_row + done, n)])
            done += n
        plsc.subcore_barrier()

        def load_idx(g):
            row0 = pl.multiple_of(idx_base + g * GROUP, 8)
            pltpu.sync_copy(src_hbm.at[pl.ds(row0, GROUP)], src_v)
            pltpu.sync_copy(dst_hbm.at[pl.ds(row0, GROUP)], dst_v)
            pltpu.sync_copy(w_hbm.at[pl.ds(row0, GROUP)], w_v)

        def scale(r):
            def scale_body(gi, _):
                off = pl.multiple_of(gi * 16, 16)
                w16 = w_v[r, pl.ds(off, 16)]
                for e in range(16):
                    row = off + e
                    w = w16[e]
                    for g in range(D_FEAT // 16):
                        sl = pl.ds(g * 16, 16)
                        gbuf[row, sl] = gbuf[row, sl] * w
                return 0
            lax.fori_loop(0, CHUNK // 16, scale_body, 0)

        def chunk_body(j, _):
            @pl.when(j % GROUP == 0)
            def _():
                load_idx(j // GROUP)

            @pl.when(j < nv)
            def _():
                r = j % GROUP
                pltpu.async_copy(feat_hbm.at[src_v.at[r]], gbuf, gsem)
                pltpu.make_async_copy(feat_hbm.at[pl.ds(0, CHUNK)], gbuf,
                                      gsem).wait()
                scale(r)
                pltpu.sync_copy(gbuf, acc_sh.at[dst_v.at[r]], add=True)
            return 0

        lax.fori_loop(0, n_chunks, chunk_body, 0)
        plsc.subcore_barrier()

        pltpu.sync_copy(acc_sh.at[pl.ds(base_row, ROWS_PER_TILE)],
                        out_hbm.at[c, pl.ds(base_row, ROWS_PER_TILE)])

    return k(features, src2d, dst2d, w2d)


def _combine_partials(partials):
    blk = 1000

    def add_k(p_ref, o_ref):
        o_ref[...] = p_ref[0] + p_ref[1]

    return pl.pallas_call(
        add_k,
        grid=(N_NODES // blk,),
        in_specs=[pl.BlockSpec((NC, blk, D_FEAT), lambda i: (0, i, 0))],
        out_specs=pl.BlockSpec((blk, D_FEAT), lambda i: (i, 0)),
        out_shape=jax.ShapeDtypeStruct((N_NODES, D_FEAT), jnp.float32),
    )(partials)


@jax.jit
def kernel(features, adjacency_list, physics_features):
    n_edges = adjacency_list.shape[1]
    align = GROUP * 128
    edges_per_tile = -(-n_edges // (NW * align)) * align
    e_pad = edges_per_tile * NW
    pad = e_pad - n_edges

    src = adjacency_list[0].astype(jnp.int32)
    dst = adjacency_list[1].astype(jnp.int32)
    if pad:
        src = jnp.concatenate([src, jnp.zeros((pad,), jnp.int32)])
        dst = jnp.concatenate([dst, jnp.zeros((pad,), jnp.int32)])

    src2d = src.reshape(e_pad // 128, 128)
    dst2d = dst.reshape(e_pad // 128, 128)
    w2d = _edge_weights(physics_features.astype(jnp.float32), e_pad)

    partials = _sc_aggregate(features, src2d, dst2d, w2d,
                             n_edges, edges_per_tile)
    return _combine_partials(partials)

# --- scband reference (transcript-rebuilt; emitter-appended) ---
"""Pipeline reference for scband-multi-graph-conv-layer-33139967656351 (READ-ONLY COPY).

The authoritative reference and input builder live on the scoring server;
editing this copy changes nothing except your own understanding.
"""

import jax, jax.numpy as jnp
import numpy as np

N_NODES = 10000
N_EDGES = 320000
D_FEAT = 128
D_EDGE = 16


def setup_inputs(seed: int = 0) -> dict:
    key = jax.random.key(seed)
    k1, k2, k3 = jax.random.split(key, 3)
    features = jax.random.normal(k1, (N_NODES, D_FEAT), dtype=jnp.float32)
    adjacency_list = jax.random.randint(k2, (2, N_EDGES), 0, N_NODES).astype(jnp.int64)
    physics_features = jax.random.normal(k3, (N_EDGES, D_EDGE), dtype=jnp.float32)
    return {"features": features, "adjacency_list": adjacency_list, "physics_features": physics_features}


def reference(features, adjacency_list, physics_features):
    # MultiGraphConvLayer with operations=[[-1], [reduce_sum]]:
    # per-edge physics features are reduced (sum) over the last axis (-1)
    # to produce a scalar edge weight; source-node features are gathered
    # along edges, scaled by the physics edge weight, and scatter-added
    # (sum-aggregated) into destination nodes.
    src = adjacency_list[0]
    dst = adjacency_list[1]
    # operation axis = -1, operation fn = reduce_sum
    edge_weight = jnp.sum(physics_features, axis=-1, keepdims=True)  # [E, 1]
    gathered = jnp.take(features, src, axis=0)                        # [E, d_feat] gather
    messages = gathered * edge_weight                                 # [E, d_feat]
    aggregated = jax.ops.segment_sum(messages, dst, num_segments=features.shape[0])  # scatter-add
    return aggregated

if __name__ == "__main__":
    import jax
    _d = setup_inputs()
    print(jax.jit(kernel)(*tuple(_d.values())))

</pallas_src>

<mosaic_0001>
#map = affine_map<(d0, d1) -> (0, 0)>
#map1 = affine_map<(d0, d1) -> (0, 0, 0)>
module attributes {stable_mosaic.version = 14 : i64} {
  func.func @k(%arg0: i32, %arg1: i32, %arg2: memref<10000x128xf32, #tpu.memory_space<hbm>>, %arg3: memref<2560x128xi32, #tpu.memory_space<hbm>>, %arg4: memref<2560x128xi32, #tpu.memory_space<hbm>>, %arg5: memref<2560x128xf32, #tpu.memory_space<hbm>>, %arg6: memref<2x10112x128xf32, #tpu.memory_space<hbm>>, %arg7: memref<128x128xf32, #tpu.memory_space<vmem>>, %arg8: memref<8x128xf32, #tpu.memory_space<vmem>>, %arg9: memref<8x128xi32, #tpu.memory_space<vmem>>, %arg10: memref<8x128xi32, #tpu.memory_space<vmem>>, %arg11: memref<!tpu.dma_semaphore, #tpu.memory_space<semaphore_mem>>, %arg12: memref<10112x128xf32, #tpu.memory_space<vmem_shared>>) attributes {dimension_semantics = [#tpu.dimension_semantics<core_parallel>, #tpu.dimension_semantics<subcore_parallel>], iteration_bounds = array<i64: 2, 16>, scalar_prefetch = 0 : i64, scratch_operands = 6 : i64, tpu.core_type = #tpu.core_type<sc_vector_subcore>, window_params = [{transform_indices = #map}, {transform_indices = #map}, {transform_indices = #map}, {transform_indices = #map}, {transform_indices = #map1}]} {
    %mul3A = arith.constant 2 : i32
    %mul3A_0 = arith.muli %arg1, %mul3A : i32
    %add3A = arith.addi %mul3A_0, %arg0 : i32
    %mul3A_1 = arith.constant 10240 : i32
    %mul3A_2 = arith.muli %add3A, %mul3A_1 : i32
    %jit3A = arith.constant 128 : i32
    %div3A = arith.divsi %mul3A_2, %jit3A : i32
    %sign3A = arith.constant 0 : i32
    %sign3A_3 = arith.cmpi sgt, %mul3A_2, %sign3A : i32
    %sign3A_4 = arith.extui %sign3A_3 : i1 to i32
    %sign3A_5 = arith.constant 0 : i32
    %sign3A_6 = arith.cmpi slt, %mul3A_2, %sign3A_5 : i32
    %sign3A_7 = arith.extui %sign3A_6 : i1 to i32
    %sign3A_8 = arith.subi %sign3A_4, %sign3A_7 : i32
    %sign3A_9 = arith.constant 0 : i32
    %sign3A_10 = arith.cmpi sgt, %jit3A, %sign3A_9 : i32
    %sign3A_11 = arith.extui %sign3A_10 : i1 to i32
    %sign3A_12 = arith.constant 0 : i32
    %sign3A_13 = arith.cmpi slt, %jit3A, %sign3A_12 : i32
    %sign3A_14 = arith.extui %sign3A_13 : i1 to i32
    %sign3A_15 = arith.subi %sign3A_11, %sign3A_14 : i32
    %ne3A = arith.cmpi ne, %sign3A_8, %sign3A_15 : i32
    %rem3A = arith.remsi %mul3A_2, %jit3A : i32
    %ne3A_16 = arith.constant 0 : i32
    %ne3A_17 = arith.cmpi ne, %rem3A, %ne3A_16 : i32
    %and3A = arith.andi %ne3A, %ne3A_17 : i1
    %sub3A = arith.constant 1 : i32
    %sub3A_18 = arith.subi %div3A, %sub3A : i32
    %select_n3A = arith.select %and3A, %sub3A_18, %div3A : i32
    %multiple_of3A = tpu.assume_multiple %select_n3A, 8 : i32
    %sub3A_19 = arith.constant 320000 : i32
    %sub3A_20 = arith.subi %sub3A_19, %mul3A_2 : i32
    %jit3A_21 = arith.constant 128 : i32
    %div3A_22 = arith.divsi %sub3A_20, %jit3A_21 : i32
    %sign3A_23 = arith.constant 0 : i32
    %sign3A_24 = arith.cmpi sgt, %sub3A_20, %sign3A_23 : i32
    %sign3A_25 = arith.extui %sign3A_24 : i1 to i32
    %sign3A_26 = arith.constant 0 : i32
    %sign3A_27 = arith.cmpi slt, %sub3A_20, %sign3A_26 : i32
    %sign3A_28 = arith.extui %sign3A_27 : i1 to i32
    %sign3A_29 = arith.subi %sign3A_25, %sign3A_28 : i32
    %sign3A_30 = arith.constant 0 : i32
    %sign3A_31 = arith.cmpi sgt, %jit3A_21, %sign3A_30 : i32
    %sign3A_32 = arith.extui %sign3A_31 : i1 to i32
    %sign3A_33 = arith.constant 0 : i32
    %sign3A_34 = arith.cmpi slt, %jit3A_21, %sign3A_33 : i32
    %sign3A_35 = arith.extui %sign3A_34 : i1 to i32
    %sign3A_36 = arith.subi %sign3A_32, %sign3A_35 : i32
    %ne3A_37 = arith.cmpi ne, %sign3A_29, %sign3A_36 : i32
    %rem3A_38 = arith.remsi %sub3A_20, %jit3A_21 : i32
    %ne3A_39 = arith.constant 0 : i32
    %ne3A_40 = arith.cmpi ne, %rem3A_38, %ne3A_39 : i32
    %and3A_41 = arith.andi %ne3A_37, %ne3A_40 : i1
    %sub3A_42 = arith.constant 1 : i32
    %sub3A_43 = arith.subi %div3A_22, %sub3A_42 : i32
    %select_n3A_44 = arith.select %and3A_41, %sub3A_43, %div3A_22 : i32
    %jit3A_45 = arith.constant 0 : i32
    %jit3A_46 = arith.constant 80 : i32
    %max3A = arith.maxsi %jit3A_45, %select_n3A_44 : i32
    %min3A = arith.minsi %jit3A_46, %max3A : i32
    %broadcast_in_dim3A = arith.constant 0.000000e+00 : f32
    %broadcast_in_dim3A_47 = vector.broadcast %broadcast_in_dim3A : f32 to vector<16xf32>
    %scan3A = arith.constant 0 : i32
    %scan3A_48 = arith.constant 0 : i32
    %scan3A_49 = arith.constant 128 : i32
    %scan3A_50 = arith.addi %scan3A_48, %scan3A_49 : i32
    %scan3A_51 = arith.constant 1 : i32
    %scan3A_52 = scf.for %scan3A_75 = %scan3A_48 to %scan3A_50 step %scan3A_51 iter_args(%scan3A_76 = %scan3A) -> (i32)  : i32 {
      %swap3A = arith.index_cast %scan3A_75 : i32 to index
      %swap3A_77 = arith.constant 0 : index
      %swap3A_78 = tpu.vector_load %arg7[%swap3A, %swap3A_77] {strides = array<i32>} : memref<128x128xf32, #tpu.memory_space<vmem>>, vector<1x16xf32>,
      %swap3A_79 = vector.shape_cast %swap3A_78 : vector<1x16xf32> to vector<16xf32>
      %swap3A_80 = vector.shape_cast %broadcast_in_dim3A_47 : vector<16xf32> to vector<1x16xf32>
      tpu.vector_store %arg7[%swap3A, %swap3A_77], %swap3A_80 {strides = array<i32>} : memref<128x128xf32, #tpu.memory_space<vmem>>, vector<1x16xf32>,
      %swap3A_81 = arith.index_cast %scan3A_75 : i32 to index
      %swap3A_82 = arith.constant 16 : index
      %swap3A_83 = tpu.vector_load %arg7[%swap3A_81, %swap3A_82] {strides = array<i32>} : memref<128x128xf32, #tpu.memory_space<vmem>>, vector<1x16xf32>,
      %swap3A_84 = vector.shape_cast %swap3A_83 : vector<1x16xf32> to vector<16xf32>
      %swap3A_85 = vector.shape_cast %broadcast_in_dim3A_47 : vector<16xf32> to vector<1x16xf32>
      tpu.vector_store %arg7[%swap3A_81, %swap3A_82], %swap3A_85 {strides = array<i32>} : memref<128x128xf32, #tpu.memory_space<vmem>>, vector<1x16xf32>,
      %swap3A_86 = arith.index_cast %scan3A_75 : i32 to index
      %swap3A_87 = arith.constant 32 : index
      %swap3A_88 = tpu.vector_load %arg7[%swap3A_86, %swap3A_87] {strides = array<i32>} : memref<128x128xf32, #tpu.memory_space<vmem>>, vector<1x16xf32>,
      %swap3A_89 = vector.shape_cast %swap3A_88 : vector<1x16xf32> to vector<16xf32>
      %swap3A_90 = vector.shape_cast %broadcast_in_dim3A_47 : vector<16xf32> to vector<1x16xf32>
      tpu.vector_store %arg7[%swap3A_86, %swap3A_87], %swap3A_90 {strides = array<i32>} : memref<128x128xf32, #tpu.memory_space<vmem>>, vector<1x16xf32>,
      %swap3A_91 = arith.index_cast %scan3A_75 : i32 to index
      %swap3A_92 = arith.constant 48 : index
      %swap3A_93 = tpu.vector_load %arg7[%swap3A_91, %swap3A_92] {strides = array<i32>} : memref<128x128xf32, #tpu.memory_space<vmem>>, vector<1x16xf32>,
      %swap3A_94 = vector.shape_cast %swap3A_93 : vector<1x16xf32> to vector<16xf32>
      %swap3A_95 = vector.shape_cast %broadcast_in_dim3A_47 : vector<16xf32> to vector<1x16xf32>
      tpu.vector_store %arg7[%swap3A_91, %swap3A_92], %swap3A_95 {strides = array<i32>} : memref<128x128xf32, #tpu.memory_space<vmem>>, vector<1x16xf32>,
      %swap3A_96 = arith.index_cast %scan3A_75 : i32 to index
      %swap3A_97 = arith.constant 64 : index
      %swap3A_98 = tpu.vector_load %arg7[%swap3A_96, %swap3A_97] {strides = array<i32>} : memref<128x128xf32, #tpu.memory_space<vmem>>, vector<1x16xf32>,
      %swap3A_99 = vector.shape_cast %swap3A_98 : vector<1x16xf32> to vector<16xf32>
      %swap3A_100 = vector.shape_cast %broadcast_in_dim3A_47 : vector<16xf32> to vector<1x16xf32>
      tpu.vector_store %arg7[%swap3A_96, %swap3A_97], %swap3A_100 {strides = array<i32>} : memref<128x128xf32, #tpu.memory_space<vmem>>, vector<1x16xf32>,
      %swap3A_101 = arith.index_cast %scan3A_75 : i32 to index
      %swap3A_102 = arith.constant 80 : index
      %swap3A_103 = tpu.vector_load %arg7[%swap3A_101, %swap3A_102] {strides = array<i32>} : memref<128x128xf32, #tpu.memory_space<vmem>>, vector<1x16xf32>,
      %swap3A_104 = vector.shape_cast %swap3A_103 : vector<1x16xf32> to vector<16xf32>
      %swap3A_105 = vector.shape_cast %broadcast_in_dim3A_47 : vector<16xf32> to vector<1x16xf32>
      tpu.vector_store %arg7[%swap3A_101, %swap3A_102], %swap3A_105 {strides = array<i32>} : memref<128x128xf32, #tpu.memory_space<vmem>>, vector<1x16xf32>,
      %swap3A_106 = arith.index_cast %scan3A_75 : i32 to index
      %swap3A_107 = arith.constant 96 : index
      %swap3A_108 = tpu.vector_load %arg7[%swap3A_106, %swap3A_107] {strides = array<i32>} : memref<128x128xf32, #tpu.memory_space<vmem>>, vector<1x16xf32>,
      %swap3A_109 = vector.shape_cast %swap3A_108 : vector<1x16xf32> to vector<16xf32>
      %swap3A_110 = vector.shape_cast %broadcast_in_dim3A_47 : vector<16xf32> to vector<1x16xf32>
      tpu.vector_store %arg7[%swap3A_106, %swap3A_107], %swap3A_110 {strides = array<i32>} : memref<128x128xf32, #tpu.memory_space<vmem>>, vector<1x16xf32>,
      %swap3A_111 = arith.index_cast %scan3A_75 : i32 to index
      %swap3A_112 = arith.constant 112 : index
      %swap3A_113 = tpu.vector_load %arg7[%swap3A_111, %swap3A_112] {strides = array<i32>} : memref<128x128xf32, #tpu.memory_space<vmem>>, vector<1x16xf32>,
      %swap3A_114 = vector.shape_cast %swap3A_113 : vector<1x16xf32> to vector<16xf32>
      %swap3A_115 = vector.shape_cast %broadcast_in_dim3A_47 : vector<16xf32> to vector<1x16xf32>
      tpu.vector_store %arg7[%swap3A_111, %swap3A_112], %swap3A_115 {strides = array<i32>} : memref<128x128xf32, #tpu.memory_space<vmem>>, vector<1x16xf32>,
      %scan3A_116 = arith.constant 0 : i32
      scf.yield %scan3A_116 : i32
    }
    %scan3A_53 = arith.constant 128 : i32
    %mul3A_54 = arith.constant 632 : i32
    %mul3A_55 = arith.muli %arg1, %mul3A_54 : i32
    %multiple_of3A_56 = tpu.assume_multiple %mul3A_55, 8 : i32
    %add3A_57 = arith.constant 0 : i32
    %add3A_58 = arith.addi %multiple_of3A_56, %add3A_57 : i32
    "tpu.region"() ({
      %run_scoped3A = tpu.sem_alloc : memref<!tpu.dma_semaphore, #tpu.memory_space<semaphore_mem>>
      %dma_start3A = arith.constant 0 : i32
      %dma_start3A_75 = arith.constant 0 : i32
      %dma_start3A_76 = tpu.memref_slice %arg7[%dma_start3A, %dma_start3A_75] : memref<128x128xf32, #tpu.memory_space<vmem>> -> memref<128x128xf32, #tpu.memory_space<vmem>>
      %dma_start3A_77 = arith.constant 0 : i32
      %dma_start3A_78 = tpu.memref_slice %arg12[%add3A_58, %dma_start3A_77] : memref<10112x128xf32, #tpu.memory_space<vmem_shared>> -> memref<128x128xf32, #tpu.memory_space<vmem_shared>>
      %dma_start3A_79 = arith.constant 0 : i32
      %dma_start3A_80 = tpu.memref_slice %arg12[%add3A_58, %dma_start3A_79] : memref<10112x128xf32, #tpu.memory_space<vmem_shared>> -> memref<128x128xf32, #tpu.memory_space<vmem_shared>>
      %dma_start3A_81 = arith.constant 0 : i32
      %dma_start3A_82 = arith.constant 0 : i32
      %dma_start3A_83 = tpu.memref_slice %arg7[%dma_start3A_81, %dma_start3A_82] : memref<128x128xf32, #tpu.memory_space<vmem>> -> memref<128x128xf32, #tpu.memory_space<vmem>>
      tpu.enqueue_dma source(%dma_start3A_83 : memref<128x128xf32, #tpu.memory_space<vmem>>) target(%dma_start3A_80 : memref<128x128xf32, #tpu.memory_space<vmem_shared>>) target_semaphore(%run_scoped3A : memref<!tpu.dma_semaphore, #tpu.memory_space<semaphore_mem>>)
      %dma_wait3A = arith.constant 0 : i32
      %dma_wait3A_84 = arith.constant 0 : i32
      %dma_wait3A_85 = tpu.memref_slice %arg7[%dma_wait3A, %dma_wait3A_84] : memref<128x128xf32, #tpu.memory_space<vmem>> -> memref<128x128xf32, #tpu.memory_space<vmem>>
      %dma_wait3A_86 = arith.constant 0 : i32
      %dma_wait3A_87 = tpu.memref_slice %arg12[%add3A_58, %dma_wait3A_86] : memref<10112x128xf32, #tpu.memory_space<vmem_shared>> -> memref<128x128xf32, #tpu.memory_space<vmem_shared>>
      %dma_wait3A_88 = arith.constant 0 : i32
      %dma_wait3A_89 = tpu.memref_slice %arg12[%add3A_58, %dma_wait3A_88] : memref<10112x128xf32, #tpu.memory_space<vmem_shared>> -> memref<128x128xf32, #tpu.memory_space<vmem_shared>>
      %dma_wait3A_90 = arith.constant 0 : i32
      %dma_wait3A_91 = arith.constant 0 : i32
      %dma_wait3A_92 = tpu.memref_slice %arg7[%dma_wait3A_90, %dma_wait3A_91] : memref<128x128xf32, #tpu.memory_space<vmem>> -> memref<128x128xf32, #tpu.memory_space<vmem>>
      tpu.wait_dma2 semaphore(%run_scoped3A : memref<!tpu.dma_semaphore, #tpu.memory_space<semaphore_mem>>) src(%dma_wait3A_92 : memref<128x128xf32, #tpu.memory_space<vmem>>) dst(%dma_wait3A_89 : memref<128x128xf32, #tpu.memory_space<vmem_shared>>)
      tpu.yield
    }) : () -> ()
    %add3A_59 = arith.constant 128 : i32
    %add3A_60 = arith.addi %multiple_of3A_56, %add3A_59 : i32
    "tpu.region"() ({
      %run_scoped3A = tpu.sem_alloc : memref<!tpu.dma_semaphore, #tpu.memory_space<semaphore_mem>>
      %dma_start3A = arith.constant 0 : i32
      %dma_start3A_75 = arith.constant 0 : i32
      %dma_start3A_76 = tpu.memref_slice %arg7[%dma_start3A, %dma_start3A_75] : memref<128x128xf32, #tpu.memory_space<vmem>> -> memref<128x128xf32, #tpu.memory_space<vmem>>
      %dma_start3A_77 = arith.constant 0 : i32
      %dma_start3A_78 = tpu.memref_slice %arg12[%add3A_60, %dma_start3A_77] : memref<10112x128xf32, #tpu.memory_space<vmem_shared>> -> memref<128x128xf32, #tpu.memory_space<vmem_shared>>
      %dma_start3A_79 = arith.constant 0 : i32
      %dma_start3A_80 = tpu.memref_slice %arg12[%add3A_60, %dma_start3A_79] : memref<10112x128xf32, #tpu.memory_space<vmem_shared>> -> memref<128x128xf32, #tpu.memory_space<vmem_shared>>
      %dma_start3A_81 = arith.constant 0 : i32
      %dma_start3A_82 = arith.constant 0 : i32
      %dma_start3A_83 = tpu.memref_slice %arg7[%dma_start3A_81, %dma_start3A_82] : memref<128x128xf32, #tpu.memory_space<vmem>> -> memref<128x128xf32, #tpu.memory_space<vmem>>
      tpu.enqueue_dma source(%dma_start3A_83 : memref<128x128xf32, #tpu.memory_space<vmem>>) target(%dma_start3A_80 : memref<128x128xf32, #tpu.memory_space<vmem_shared>>) target_semaphore(%run_scoped3A : memref<!tpu.dma_semaphore, #tpu.memory_space<semaphore_mem>>)
      %dma_wait3A = arith.constant 0 : i32
      %dma_wait3A_84 = arith.constant 0 : i32
      %dma_wait3A_85 = tpu.memref_slice %arg7[%dma_wait3A, %dma_wait3A_84] : memref<128x128xf32, #tpu.memory_space<vmem>> -> memref<128x128xf32, #tpu.memory_space<vmem>>
      %dma_wait3A_86 = arith.constant 0 : i32
      %dma_wait3A_87 = tpu.memref_slice %arg12[%add3A_60, %dma_wait3A_86] : memref<10112x128xf32, #tpu.memory_space<vmem_shared>> -> memref<128x128xf32, #tpu.memory_space<vmem_shared>>
      %dma_wait3A_88 = arith.constant 0 : i32
      %dma_wait3A_89 = tpu.memref_slice %arg12[%add3A_60, %dma_wait3A_88] : memref<10112x128xf32, #tpu.memory_space<vmem_shared>> -> memref<128x128xf32, #tpu.memory_space<vmem_shared>>
      %dma_wait3A_90 = arith.constant 0 : i32
      %dma_wait3A_91 = arith.constant 0 : i32
      %dma_wait3A_92 = tpu.memref_slice %arg7[%dma_wait3A_90, %dma_wait3A_91] : memref<128x128xf32, #tpu.memory_space<vmem>> -> memref<128x128xf32, #tpu.memory_space<vmem>>
      tpu.wait_dma2 semaphore(%run_scoped3A : memref<!tpu.dma_semaphore, #tpu.memory_space<semaphore_mem>>) src(%dma_wait3A_92 : memref<128x128xf32, #tpu.memory_space<vmem>>) dst(%dma_wait3A_89 : memref<128x128xf32, #tpu.memory_space<vmem_shared>>)
      tpu.yield
    }) : () -> ()
    %add3A_61 = arith.constant 256 : i32
    %add3A_62 = arith.addi %multiple_of3A_56, %add3A_61 : i32
    "tpu.region"() ({
      %run_scoped3A = tpu.sem_alloc : memref<!tpu.dma_semaphore, #tpu.memory_space<semaphore_mem>>
      %dma_start3A = arith.constant 0 : i32
      %dma_start3A_75 = arith.constant 0 : i32
      %dma_start3A_76 = tpu.memref_slice %arg7[%dma_start3A, %dma_start3A_75] : memref<128x128xf32, #tpu.memory_space<vmem>> -> memref<128x128xf32, #tpu.memory_space<vmem>>
      %dma_start3A_77 = arith.constant 0 : i32
      %dma_start3A_78 = tpu.memref_slice %arg12[%add3A_62, %dma_start3A_77] : memref<10112x128xf32, #tpu.memory_space<vmem_shared>> -> memref<128x128xf32, #tpu.memory_space<vmem_shared>>
      %dma_start3A_79 = arith.constant 0 : i32
      %dma_start3A_80 = tpu.memref_slice %arg12[%add3A_62, %dma_start3A_79] : memref<10112x128xf32, #tpu.memory_space<vmem_shared>> -> memref<128x128xf32, #tpu.memory_space<vmem_shared>>
      %dma_start3A_81 = arith.constant 0 : i32
      %dma_start3A_82 = arith.constant 0 : i32
      %dma_start3A_83 = tpu.memref_slice %arg7[%dma_start3A_81, %dma_start3A_82] : memref<128x128xf32, #tpu.memory_space<vmem>> -> memref<128x128xf32, #tpu.memory_space<vmem>>
      tpu.enqueue_dma source(%dma_start3A_83 : memref<128x128xf32, #tpu.memory_space<vmem>>) target(%dma_start3A_80 : memref<128x128xf32, #tpu.memory_space<vmem_shared>>) target_semaphore(%run_scoped3A : memref<!tpu.dma_semaphore, #tpu.memory_space<semaphore_mem>>)
      %dma_wait3A = arith.constant 0 : i32
      %dma_wait3A_84 = arith.constant 0 : i32
      %dma_wait3A_85 = tpu.memref_slice %arg7[%dma_wait3A, %dma_wait3A_84] : memref<128x128xf32, #tpu.memory_space<vmem>> -> memref<128x128xf32, #tpu.memory_space<vmem>>
      %dma_wait3A_86 = arith.constant 0 : i32
      %dma_wait3A_87 = tpu.memref_slice %arg12[%add3A_62, %dma_wait3A_86] : memref<10112x128xf32, #tpu.memory_space<vmem_shared>> -> memref<128x128xf32, #tpu.memory_space<vmem_shared>>
      %dma_wait3A_88 = arith.constant 0 : i32
      %dma_wait3A_89 = tpu.memref_slice %arg12[%add3A_62, %dma_wait3A_88] : memref<10112x128xf32, #tpu.memory_space<vmem_shared>> -> memref<128x128xf32, #tpu.memory_space<vmem_shared>>
      %dma_wait3A_90 = arith.constant 0 : i32
      %dma_wait3A_91 = arith.constant 0 : i32
      %dma_wait3A_92 = tpu.memref_slice %arg7[%dma_wait3A_90, %dma_wait3A_91] : memref<128x128xf32, #tpu.memory_space<vmem>> -> memref<128x128xf32, #tpu.memory_space<vmem>>
      tpu.wait_dma2 semaphore(%run_scoped3A : memref<!tpu.dma_semaphore, #tpu.memory_space<semaphore_mem>>) src(%dma_wait3A_92 : memref<128x128xf32, #tpu.memory_space<vmem>>) dst(%dma_wait3A_89 : memref<128x128xf32, #tpu.memory_space<vmem_shared>>)
      tpu.yield
    }) : () -> ()
    %add3A_63 = arith.constant 384 : i32
    %add3A_64 = arith.addi %multiple_of3A_56, %add3A_63 : i32
    "tpu.region"() ({
      %run_scoped3A = tpu.sem_alloc : memref<!tpu.dma_semaphore, #tpu.memory_space<semaphore_mem>>
      %dma_start3A = arith.constant 0 : i32
      %dma_start3A_75 = arith.constant 0 : i32
      %dma_start3A_76 = tpu.memref_slice %arg7[%dma_start3A, %dma_start3A_75] : memref<128x128xf32, #tpu.memory_space<vmem>> -> memref<128x128xf32, #tpu.memory_space<vmem>>
      %dma_start3A_77 = arith.constant 0 : i32
      %dma_start3A_78 = tpu.memref_slice %arg12[%add3A_64, %dma_start3A_77] : memref<10112x128xf32, #tpu.memory_space<vmem_shared>> -> memref<128x128xf32, #tpu.memory_space<vmem_shared>>
      %dma_start3A_79 = arith.constant 0 : i32
      %dma_start3A_80 = tpu.memref_slice %arg12[%add3A_64, %dma_start3A_79] : memref<10112x128xf32, #tpu.memory_space<vmem_shared>> -> memref<128x128xf32, #tpu.memory_space<vmem_shared>>
      %dma_start3A_81 = arith.constant 0 : i32
      %dma_start3A_82 = arith.constant 0 : i32
      %dma_start3A_83 = tpu.memref_slice %arg7[%dma_start3A_81, %dma_start3A_82] : memref<128x128xf32, #tpu.memory_space<vmem>> -> memref<128x128xf32, #tpu.memory_space<vmem>>
      tpu.enqueue_dma source(%dma_start3A_83 : memref<128x128xf32, #tpu.memory_space<vmem>>) target(%dma_start3A_80 : memref<128x128xf32, #tpu.memory_space<vmem_shared>>) target_semaphore(%run_scoped3A : memref<!tpu.dma_semaphore, #tpu.memory_space<semaphore_mem>>)
      %dma_wait3A = arith.constant 0 : i32
      %dma_wait3A_84 = arith.constant 0 : i32
      %dma_wait3A_85 = tpu.memref_slice %arg7[%dma_wait3A, %dma_wait3A_84] : memref<128x128xf32, #tpu.memory_space<vmem>> -> memref<128x128xf32, #tpu.memory_space<vmem>>
      %dma_wait3A_86 = arith.constant 0 : i32
      %dma_wait3A_87 = tpu.memref_slice %arg12[%add3A_64, %dma_wait3A_86] : memref<10112x128xf32, #tpu.memory_space<vmem_shared>> -> memref<128x128xf32, #tpu.memory_space<vmem_shared>>
      %dma_wait3A_88 = arith.constant 0 : i32
      %dma_wait3A_89 = tpu.memref_slice %arg12[%add3A_64, %dma_wait3A_88] : memref<10112x128xf32, #tpu.memory_space<vmem_shared>> -> memref<128x128xf32, #tpu.memory_space<vmem_shared>>
      %dma_wait3A_90 = arith.constant 0 : i32
      %dma_wait3A_91 = arith.constant 0 : i32
      %dma_wait3A_92 = tpu.memref_slice %arg7[%dma_wait3A_90, %dma_wait3A_91] : memref<128x128xf32, #tpu.memory_space<vmem>> -> memref<128x128xf32, #tpu.memory_space<vmem>>
      tpu.wait_dma2 semaphore(%run_scoped3A : memref<!tpu.dma_semaphore, #tpu.memory_space<semaphore_mem>>) src(%dma_wait3A_92 : memref<128x128xf32, #tpu.memory_space<vmem>>) dst(%dma_wait3A_89 : memref<128x128xf32, #tpu.memory_space<vmem_shared>>)
      tpu.yield
    }) : () -> ()
    %add3A_65 = arith.constant 512 : i32
    %add3A_66 = arith.addi %multiple_of3A_56, %add3A_65 : i32
    "tpu.region"() ({
      %run_scoped3A = tpu.sem_alloc : memref<!tpu.dma_semaphore, #tpu.memory_space<semaphore_mem>>
      %dma_start3A = arith.constant 0 : i32
      %dma_start3A_75 = arith.constant 0 : i32
      %dma_start3A_76 = tpu.memref_slice %arg7[%dma_start3A, %dma_start3A_75] : memref<128x128xf32, #tpu.memory_space<vmem>> -> memref<120x128xf32, #tpu.memory_space<vmem>>
      %dma_start3A_77 = arith.constant 0 : i32
      %dma_start3A_78 = tpu.memref_slice %arg12[%add3A_66, %dma_start3A_77] : memref<10112x128xf32, #tpu.memory_space<vmem_shared>> -> memref<120x128xf32, #tpu.memory_space<vmem_shared>>
      %dma_start3A_79 = arith.constant 0 : i32
      %dma_start3A_80 = tpu.memref_slice %arg12[%add3A_66, %dma_start3A_79] : memref<10112x128xf32, #tpu.memory_space<vmem_shared>> -> memref<120x128xf32, #tpu.memory_space<vmem_shared>>
      %dma_start3A_81 = arith.constant 0 : i32
      %dma_start3A_82 = arith.constant 0 : i32
      %dma_start3A_83 = tpu.memref_slice %arg7[%dma_start3A_81, %dma_start3A_82] : memref<128x128xf32, #tpu.memory_space<vmem>> -> memref<120x128xf32, #tpu.memory_space<vmem>>
      tpu.enqueue_dma source(%dma_start3A_83 : memref<120x128xf32, #tpu.memory_space<vmem>>) target(%dma_start3A_80 : memref<120x128xf32, #tpu.memory_space<vmem_shared>>) target_semaphore(%run_scoped3A : memref<!tpu.dma_semaphore, #tpu.memory_space<semaphore_mem>>)
      %dma_wait3A = arith.constant 0 : i32
      %dma_wait3A_84 = arith.constant 0 : i32
      %dma_wait3A_85 = tpu.memref_slice %arg7[%dma_wait3A, %dma_wait3A_84] : memref<128x128xf32, #tpu.memory_space<vmem>> -> memref<120x128xf32, #tpu.memory_space<vmem>>
      %dma_wait3A_86 = arith.constant 0 : i32
      %dma_wait3A_87 = tpu.memref_slice %arg12[%add3A_66, %dma_wait3A_86] : memref<10112x128xf32, #tpu.memory_space<vmem_shared>> -> memref<120x128xf32, #tpu.memory_space<vmem_shared>>
      %dma_wait3A_88 = arith.constant 0 : i32
      %dma_wait3A_89 = tpu.memref_slice %arg12[%add3A_66, %dma_wait3A_88] : memref<10112x128xf32, #tpu.memory_space<vmem_shared>> -> memref<120x128xf32, #tpu.memory_space<vmem_shared>>
      %dma_wait3A_90 = arith.constant 0 : i32
      %dma_wait3A_91 = arith.constant 0 : i32
      %dma_wait3A_92 = tpu.memref_slice %arg7[%dma_wait3A_90, %dma_wait3A_91] : memref<128x128xf32, #tpu.memory_space<vmem>> -> memref<120x128xf32, #tpu.memory_space<vmem>>
      tpu.wait_dma2 semaphore(%run_scoped3A : memref<!tpu.dma_semaphore, #tpu.memory_space<semaphore_mem>>) src(%dma_wait3A_92 : memref<120x128xf32, #tpu.memory_space<vmem>>) dst(%dma_wait3A_89 : memref<120x128xf32, #tpu.memory_space<vmem_shared>>)
      tpu.yield
    }) : () -> ()
    %barrier3A = arith.constant 0 : index
    tpu.barrier barrier_id(%barrier3A)
    %scan3A_67 = arith.constant 0 : i32
    %scan3A_68 = arith.constant 0 : i32
    %scan3A_69 = arith.constant 80 : i32
    %scan3A_70 = arith.addi %scan3A_68, %scan3A_69 : i32
    %scan3A_71 = arith.constant 1 : i32
    %scan3A_72 = scf.for %scan3A_75 = %scan3A_68 to %scan3A_70 step %scan3A_71 iter_args(%scan3A_76 = %scan3A_67) -> (i32)  : i32 {
      %jit3A_77 = arith.constant 8 : i32
      %eq3A = arith.constant 0 : i32
      %eq3A_78 = arith.cmpi eq, %jit3A_77, %eq3A : i32
      %jit3A_79 = arith.constant 1 : i32
      %select_n3A_80 = arith.select %eq3A_78, %jit3A_79, %jit3A_77 : i32
      %rem3A_81 = arith.remsi %scan3A_75, %select_n3A_80 : i32
      %ne3A_82 = arith.constant 0 : i32
      %ne3A_83 = arith.cmpi ne, %rem3A_81, %ne3A_82 : i32
      %lt3A = arith.constant 0 : i32
      %lt3A_84 = arith.cmpi slt, %rem3A_81, %lt3A : i32
      %lt3A_85 = arith.constant 0 : i32
      %lt3A_86 = arith.cmpi slt, %select_n3A_80, %lt3A_85 : i32
      %ne3A_87 = arith.xori %lt3A_84, %lt3A_86 : i1
      %and3A_88 = arith.andi %ne3A_87, %ne3A_83 : i1
      %add3A_89 = arith.addi %rem3A_81, %select_n3A_80 : i32
      %select_n3A_90 = arith.select %and3A_88, %add3A_89, %rem3A_81 : i32
      %eq3A_91 = arith.constant 0 : i32
      %eq3A_92 = arith.cmpi eq, %select_n3A_90, %eq3A_91 : i32
      %convert_element_type3A = arith.extui %eq3A_92 : i1 to i32
      %cond3A = arith.constant 0 : i32
      %cond3A_93 = arith.cmpi ne, %convert_element_type3A, %cond3A : i32
      scf.if %cond3A_93 {
        %jit3A_99 = arith.constant 8 : i32
        %div3A_100 = arith.divsi %scan3A_75, %jit3A_99 : i32
        %sign3A_101 = arith.constant 0 : i32
        %sign3A_102 = arith.cmpi sgt, %scan3A_75, %sign3A_101 : i32
        %sign3A_103 = arith.extui %sign3A_102 : i1 to i32
        %sign3A_104 = arith.constant 0 : i32
        %sign3A_105 = arith.cmpi slt, %scan3A_75, %sign3A_104 : i32
        %sign3A_106 = arith.extui %sign3A_105 : i1 to i32
        %sign3A_107 = arith.subi %sign3A_103, %sign3A_106 : i32
        %sign3A_108 = arith.constant 0 : i32
        %sign3A_109 = arith.cmpi sgt, %jit3A_99, %sign3A_108 : i32
        %sign3A_110 = arith.extui %sign3A_109 : i1 to i32
        %sign3A_111 = arith.constant 0 : i32
        %sign3A_112 = arith.cmpi slt, %jit3A_99, %sign3A_111 : i32
        %sign3A_113 = arith.extui %sign3A_112 : i1 to i32
        %sign3A_114 = arith.subi %sign3A_110, %sign3A_113 : i32
        %ne3A_115 = arith.cmpi ne, %sign3A_107, %sign3A_114 : i32
        %rem3A_116 = arith.remsi %scan3A_75, %jit3A_99 : i32
        %ne3A_117 = arith.constant 0 : i32
        %ne3A_118 = arith.cmpi ne, %rem3A_116, %ne3A_117 : i32
        %and3A_119 = arith.andi %ne3A_115, %ne3A_118 : i1
        %sub3A_120 = arith.constant 1 : i32
        %sub3A_121 = arith.subi %div3A_100, %sub3A_120 : i32
        %select_n3A_122 = arith.select %and3A_119, %sub3A_121, %div3A_100 : i32
        %mul3A_123 = arith.constant 8 : i32
        %mul3A_124 = arith.muli %select_n3A_122, %mul3A_123 : i32
        %add3A_125 = arith.addi %multiple_of3A, %mul3A_124 : i32
        %multiple_of3A_126 = tpu.assume_multiple %add3A_125, 8 : i32
        "tpu.region"() ({
          %run_scoped3A = tpu.sem_alloc : memref<!tpu.dma_semaphore, #tpu.memory_space<semaphore_mem>>
          %dma_start3A = arith.constant 0 : i32
          %dma_start3A_127 = tpu.memref_slice %arg3[%multiple_of3A_126, %dma_start3A] : memref<2560x128xi32, #tpu.memory_space<hbm>> -> memref<8x128xi32, #tpu.memory_space<hbm>>
          %dma_start3A_128 = arith.constant 0 : i32
          %dma_start3A_129 = tpu.memref_slice %arg3[%multiple_of3A_126, %dma_start3A_128] : memref<2560x128xi32, #tpu.memory_space<hbm>> -> memref<8x128xi32, #tpu.memory_space<hbm>>
          tpu.enqueue_dma source(%dma_start3A_129 : memref<8x128xi32, #tpu.memory_space<hbm>>) target(%arg9 : memref<8x128xi32, #tpu.memory_space<vmem>>) target_semaphore(%run_scoped3A : memref<!tpu.dma_semaphore, #tpu.memory_space<semaphore_mem>>)
          %dma_wait3A = arith.constant 0 : i32
          %dma_wait3A_130 = tpu.memref_slice %arg3[%multiple_of3A_126, %dma_wait3A] : memref<2560x128xi32, #tpu.memory_space<hbm>> -> memref<8x128xi32, #tpu.memory_space<hbm>>
          %dma_wait3A_131 = arith.constant 0 : i32
          %dma_wait3A_132 = tpu.memref_slice %arg3[%multiple_of3A_126, %dma_wait3A_131] : memref<2560x128xi32, #tpu.memory_space<hbm>> -> memref<8x128xi32, #tpu.memory_space<hbm>>
          tpu.wait_dma2 semaphore(%run_scoped3A : memref<!tpu.dma_semaphore, #tpu.memory_space<semaphore_mem>>) src(%dma_wait3A_132 : memref<8x128xi32, #tpu.memory_space<hbm>>) dst(%arg9 : memref<8x128xi32, #tpu.memory_space<vmem>>)
          tpu.yield
        }) : () -> ()
        "tpu.region"() ({
          %run_scoped3A = tpu.sem_alloc : memref<!tpu.dma_semaphore, #tpu.memory_space<semaphore_mem>>
          %dma_start3A = arith.constant 0 : i32
          %dma_start3A_127 = tpu.memref_slice %arg4[%multiple_of3A_126, %dma_start3A] : memref<2560x128xi32, #tpu.memory_space<hbm>> -> memref<8x128xi32, #tpu.memory_space<hbm>>
          %dma_start3A_128 = arith.constant 0 : i32
          %dma_start3A_129 = tpu.memref_slice %arg4[%multiple_of3A_126, %dma_start3A_128] : memref<2560x128xi32, #tpu.memory_space<hbm>> -> memref<8x128xi32, #tpu.memory_space<hbm>>
          tpu.enqueue_dma source(%dma_start3A_129 : memref<8x128xi32, #tpu.memory_space<hbm>>) target(%arg10 : memref<8x128xi32, #tpu.memory_space<vmem>>) target_semaphore(%run_scoped3A : memref<!tpu.dma_semaphore, #tpu.memory_space<semaphore_mem>>)
          %dma_wait3A = arith.constant 0 : i32
          %dma_wait3A_130 = tpu.memref_slice %arg4[%multiple_of3A_126, %dma_wait3A] : memref<2560x128xi32, #tpu.memory_space<hbm>> -> memref<8x128xi32, #tpu.memory_space<hbm>>
          %dma_wait3A_131 = arith.constant 0 : i32
          %dma_wait3A_132 = tpu.memref_slice %arg4[%multiple_of3A_126, %dma_wait3A_131] : memref<2560x128xi32, #tpu.memory_space<hbm>> -> memref<8x128xi32, #tpu.memory_space<hbm>>
          tpu.wait_dma2 semaphore(%run_scoped3A : memref<!tpu.dma_semaphore, #tpu.memory_space<semaphore_mem>>) src(%dma_wait3A_132 : memref<8x128xi32, #tpu.memory_space<hbm>>) dst(%arg10 : memref<8x128xi32, #tpu.memory_space<vmem>>)
          tpu.yield
        }) : () -> ()
        "tpu.region"() ({
          %run_scoped3A = tpu.sem_alloc : memref<!tpu.dma_semaphore, #tpu.memory_space<semaphore_mem>>
          %dma_start3A = arith.constant 0 : i32
          %dma_start3A_127 = tpu.memref_slice %arg5[%multiple_of3A_126, %dma_start3A] : memref<2560x128xf32, #tpu.memory_space<hbm>> -> memref<8x128xf32, #tpu.memory_space<hbm>>
          %dma_start3A_128 = arith.constant 0 : i32
          %dma_start3A_129 = tpu.memref_slice %arg5[%multiple_of3A_126, %dma_start3A_128] : memref<2560x128xf32, #tpu.memory_space<hbm>> -> memref<8x128xf32, #tpu.memory_space<hbm>>
          tpu.enqueue_dma source(%dma_start3A_129 : memref<8x128xf32, #tpu.memory_space<hbm>>) target(%arg8 : memref<8x128xf32, #tpu.memory_space<vmem>>) target_semaphore(%run_scoped3A : memref<!tpu.dma_semaphore, #tpu.memory_space<semaphore_mem>>)
          %dma_wait3A = arith.constant 0 : i32
          %dma_wait3A_130 = tpu.memref_slice %arg5[%multiple_of3A_126, %dma_wait3A] : memref<2560x128xf32, #tpu.memory_space<hbm>> -> memref<8x128xf32, #tpu.memory_space<hbm>>
          %dma_wait3A_131 = arith.constant 0 : i32
          %dma_wait3A_132 = tpu.memref_slice %arg5[%multiple_of3A_126, %dma_wait3A_131] : memref<2560x128xf32, #tpu.memory_space<hbm>> -> memref<8x128xf32, #tpu.memory_space<hbm>>
          tpu.wait_dma2 semaphore(%run_scoped3A : memref<!tpu.dma_semaphore, #tpu.memory_space<semaphore_mem>>) src(%dma_wait3A_132 : memref<8x128xf32, #tpu.memory_space<hbm>>) dst(%arg8 : memref<8x128xf32, #tpu.memory_space<vmem>>)
          tpu.yield
        }) : () -> ()
      } else {
      }
      %lt3A_94 = arith.cmpi slt, %scan3A_75, %min3A : i32
      %convert_element_type3A_95 = arith.extui %lt3A_94 : i1 to i32
      %cond3A_96 = arith.constant 0 : i32
      %cond3A_97 = arith.cmpi ne, %convert_element_type3A_95, %cond3A_96 : i32
      scf.if %cond3A_97 {
        %jit3A_99 = arith.constant 8 : i32
        %eq3A_100 = arith.constant 0 : i32
        %eq3A_101 = arith.cmpi eq, %jit3A_99, %eq3A_100 : i32
        %jit3A_102 = arith.constant 1 : i32
        %select_n3A_103 = arith.select %eq3A_101, %jit3A_102, %jit3A_99 : i32
        %rem3A_104 = arith.remsi %scan3A_75, %select_n3A_103 : i32
        %ne3A_105 = arith.constant 0 : i32
        %ne3A_106 = arith.cmpi ne, %rem3A_104, %ne3A_105 : i32
        %lt3A_107 = arith.constant 0 : i32
        %lt3A_108 = arith.cmpi slt, %rem3A_104, %lt3A_107 : i32
        %lt3A_109 = arith.constant 0 : i32
        %lt3A_110 = arith.cmpi slt, %select_n3A_103, %lt3A_109 : i32
        %ne3A_111 = arith.xori %lt3A_108, %lt3A_110 : i1
        %and3A_112 = arith.andi %ne3A_111, %ne3A_106 : i1
        %add3A_113 = arith.addi %rem3A_104, %select_n3A_103 : i32
        %select_n3A_114 = arith.select %and3A_112, %add3A_113, %rem3A_104 : i32
        %dma_start3A = arith.constant 0 : i32
        %dma_start3A_115 = tpu.memref_slice %arg9[%select_n3A_114, %dma_start3A] : memref<8x128xi32, #tpu.memory_space<vmem>> -> memref<1x128xi32, #tpu.memory_space<vmem>>
        %dma_start3A_116 = tpu.memref_squeeze %dma_start3A_115 : memref<1x128xi32, #tpu.memory_space<vmem>> -> memref<128xi32, #tpu.memory_space<vmem>>
        %dma_start3A_117 = arith.constant 0 : i32
        %dma_start3A_118 = arith.constant 0 : i32
        %dma_start3A_119 = tpu.memref_slice %arg2[%dma_start3A_117, %dma_start3A_118] : memref<10000x128xf32, #tpu.memory_space<hbm>> -> memref<10000x128xf32, #tpu.memory_space<hbm>>
        tpu.enqueue_indirect_dma source(%dma_start3A_119 : memref<10000x128xf32, #tpu.memory_space<hbm>>) target(%arg7 : memref<128x128xf32, #tpu.memory_space<vmem>>) offsets(%dma_start3A_116 : memref<128xi32, #tpu.memory_space<vmem>>) semaphore(%arg11 : memref<!tpu.dma_semaphore, #tpu.memory_space<semaphore_mem>>)
        %dma_wait3A = arith.constant 0 : i32
        %dma_wait3A_120 = arith.constant 0 : i32
        %dma_wait3A_121 = tpu.memref_slice %arg2[%dma_wait3A, %dma_wait3A_120] : memref<10000x128xf32, #tpu.memory_space<hbm>> -> memref<128x128xf32, #tpu.memory_space<hbm>>
        %dma_wait3A_122 = arith.constant 0 : i32
        %dma_wait3A_123 = arith.constant 0 : i32
        %dma_wait3A_124 = tpu.memref_slice %arg2[%dma_wait3A_122, %dma_wait3A_123] : memref<10000x128xf32, #tpu.memory_space<hbm>> -> memref<128x128xf32, #tpu.memory_space<hbm>>
        tpu.wait_dma2 semaphore(%arg11 : memref<!tpu.dma_semaphore, #tpu.memory_space<semaphore_mem>>) src(%dma_wait3A_124 : memref<128x128xf32, #tpu.memory_space<hbm>>) dst(%arg7 : memref<128x128xf32, #tpu.memory_space<vmem>>)
        %scan3A_125 = arith.constant 0 : i32
        %scan3A_126 = arith.constant 0 : i32
        %scan3A_127 = arith.constant 8 : i32
        %scan3A_128 = arith.addi %scan3A_126, %scan3A_127 : i32
        %scan3A_129 = arith.constant 1 : i32
        %scan3A_130 = scf.for %scan3A_132 = %scan3A_126 to %scan3A_128 step %scan3A_129 iter_args(%scan3A_133 = %scan3A_125) -> (i32)  : i32 {
          %mul3A_134 = arith.constant 16 : i32
          %mul3A_135 = arith.muli %scan3A_132, %mul3A_134 : i32
          %multiple_of3A_136 = tpu.assume_multiple %mul3A_135, 16 : i32
          %get3A = arith.index_cast %select_n3A_114 : i32 to index
          %get3A_137 = arith.index_cast %multiple_of3A_136 : i32 to index
          %get3A_138 = tpu.vector_load %arg8[%get3A, %get3A_137] {strides = array<i32>} : memref<8x128xf32, #tpu.memory_space<vmem>>, vector<1x16xf32>,
          %get3A_139 = vector.shape_cast %get3A_138 : vector<1x16xf32> to vector<16xf32>
          %add3A_140 = arith.constant 0 : i32
          %add3A_141 = arith.addi %multiple_of3A_136, %add3A_140 : i32
          %slice3A = vector.extract_strided_slice %get3A_139 {offsets = [0], sizes = [1], strides = [1]} : vector<16xf32> to vector<1xf32>
          %squeeze3A = vector.extract %slice3A[0] : f32 from vector<1xf32>
          %get3A_142 = arith.index_cast %add3A_141 : i32 to index
          %get3A_143 = arith.constant 0 : index
          %get3A_144 = tpu.vector_load %arg7[%get3A_142, %get3A_143] {strides = array<i32>} : memref<128x128xf32, #tpu.memory_space<vmem>>, vector<1x16xf32>,
          %get3A_145 = vector.shape_cast %get3A_144 : vector<1x16xf32> to vector<16xf32>
          %mul3A_146 = vector.broadcast %squeeze3A : f32 to vector<16xf32>
          %mul3A_147 = arith.mulf %get3A_145, %mul3A_146 : vector<16xf32>
          %swap3A = arith.index_cast %add3A_141 : i32 to index
          %swap3A_148 = arith.constant 0 : index
          %swap3A_149 = tpu.vector_load %arg7[%swap3A, %swap3A_148] {strides = array<i32>} : memref<128x128xf32, #tpu.memory_space<vmem>>, vector<1x16xf32>,
          %swap3A_150 = vector.shape_cast %swap3A_149 : vector<1x16xf32> to vector<16xf32>
          %swap3A_151 = vector.shape_cast %mul3A_147 : vector<16xf32> to vector<1x16xf32>
          tpu.vector_store %arg7[%swap3A, %swap3A_148], %swap3A_151 {strides = array<i32>} : memref<128x128xf32, #tpu.memory_space<vmem>>, vector<1x16xf32>,
          %get3A_152 = arith.index_cast %add3A_141 : i32 to index
          %get3A_153 = arith.constant 16 : index
          %get3A_154 = tpu.vector_load %arg7[%get3A_152, %get3A_153] {strides = array<i32>} : memref<128x128xf32, #tpu.memory_space<vmem>>, vector<1x16xf32>,
          %get3A_155 = vector.shape_cast %get3A_154 : vector<1x16xf32> to vector<16xf32>
          %mul3A_156 = vector.broadcast %squeeze3A : f32 to vector<16xf32>
          %mul3A_157 = arith.mulf %get3A_155, %mul3A_156 : vector<16xf32>
          %swap3A_158 = arith.index_cast %add3A_141 : i32 to index
          %swap3A_159 = arith.constant 16 : index
          %swap3A_160 = tpu.vector_load %arg7[%swap3A_158, %swap3A_159] {strides = array<i32>} : memref<128x128xf32, #tpu.memory_space<vmem>>, vector<1x16xf32>,
          %swap3A_161 = vector.shape_cast %swap3A_160 : vector<1x16xf32> to vector<16xf32>
          %swap3A_162 = vector.shape_cast %mul3A_157 : vector<16xf32> to vector<1x16xf32>
          tpu.vector_store %arg7[%swap3A_158, %swap3A_159], %swap3A_162 {strides = array<i32>} : memref<128x128xf32, #tpu.memory_space<vmem>>, vector<1x16xf32>,
          %get3A_163 = arith.index_cast %add3A_141 : i32 to index
          %get3A_164 = arith.constant 32 : index
          %get3A_165 = tpu.vector_load %arg7[%get3A_163, %get3A_164] {strides = array<i32>} : memref<128x128xf32, #tpu.memory_space<vmem>>, vector<1x16xf32>,
          %get3A_166 = vector.shape_cast %get3A_165 : vector<1x16xf32> to vector<16xf32>
          %mul3A_167 = vector.broadcast %squeeze3A : f32 to vector<16xf32>
          %mul3A_168 = arith.mulf %get3A_166, %mul3A_167 : vector<16xf32>
          %swap3A_169 = arith.index_cast %add3A_141 : i32 to index
          %swap3A_170 = arith.constant 32 : index
          %swap3A_171 = tpu.vector_load %arg7[%swap3A_169, %swap3A_170] {strides = array<i32>} : memref<128x128xf32, #tpu.memory_space<vmem>>, vector<1x16xf32>,
          %swap3A_172 = vector.shape_cast %swap3A_171 : vector<1x16xf32> to vector<16xf32>
          %swap3A_173 = vector.shape_cast %mul3A_168 : vector<16xf32> to vector<1x16xf32>
          tpu.vector_store %arg7[%swap3A_169, %swap3A_170], %swap3A_173 {strides = array<i32>} : memref<128x128xf32, #tpu.memory_space<vmem>>, vector<1x16xf32>,
          %get3A_174 = arith.index_cast %add3A_141 : i32 to index
          %get3A_175 = arith.constant 48 : index
          %get3A_176 = tpu.vector_load %arg7[%get3A_174, %get3A_175] {strides = array<i32>} : memref<128x128xf32, #tpu.memory_space<vmem>>, vector<1x16xf32>,
          %get3A_177 = vector.shape_cast %get3A_176 : vector<1x16xf32> to vector<16xf32>
          %mul3A_178 = vector.broadcast %squeeze3A : f32 to vector<16xf32>
          %mul3A_179 = arith.mulf %get3A_177, %mul3A_178 : vector<16xf32>
          %swap3A_180 = arith.index_cast %add3A_141 : i32 to index
          %swap3A_181 = arith.constant 48 : index
          %swap3A_182 = tpu.vector_load %arg7[%swap3A_180, %swap3A_181] {strides = array<i32>} : memref<128x128xf32, #tpu.memory_space<vmem>>, vector<1x16xf32>,
          %swap3A_183 = vector.shape_cast %swap3A_182 : vector<1x16xf32> to vector<16xf32>
          %swap3A_184 = vector.shape_cast %mul3A_179 : vector<16xf32> to vector<1x16xf32>
          tpu.vector_store %arg7[%swap3A_180, %swap3A_181], %swap3A_184 {strides = array<i32>} : memref<128x128xf32, #tpu.memory_space<vmem>>, vector<1x16xf32>,
          %get3A_185 = arith.index_cast %add3A_141 : i32 to index
          %get3A_186 = arith.constant 64 : index
          %get3A_187 = tpu.vector_load %arg7[%get3A_185, %get3A_186] {strides = array<i32>} : memref<128x128xf32, #tpu.memory_space<vmem>>, vector<1x16xf32>,
          %get3A_188 = vector.shape_cast %get3A_187 : vector<1x16xf32> to vector<16xf32>
          %mul3A_189 = vector.broadcast %squeeze3A : f32 to vector<16xf32>
          %mul3A_190 = arith.mulf %get3A_188, %mul3A_189 : vector<16xf32>
          %swap3A_191 = arith.index_cast %add3A_141 : i32 to index
          %swap3A_192 = arith.constant 64 : index
          %swap3A_193 = tpu.vector_load %arg7[%swap3A_191, %swap3A_192] {strides = array<i32>} : memref<128x128xf32, #tpu.memory_space<vmem>>, vector<1x16xf32>,
          %swap3A_194 = vector.shape_cast %swap3A_193 : vector<1x16xf32> to vector<16xf32>
          %swap3A_195 = vector.shape_cast %mul3A_190 : vector<16xf32> to vector<1x16xf32>
          tpu.vector_store %arg7[%swap3A_191, %swap3A_192], %swap3A_195 {strides = array<i32>} : memref<128x128xf32, #tpu.memory_space<vmem>>, vector<1x16xf32>,
          %get3A_196 = arith.index_cast %add3A_141 : i32 to index
          %get3A_197 = arith.constant 80 : index
          %get3A_198 = tpu.vector_load %arg7[%get3A_196, %get3A_197] {strides = array<i32>} : memref<128x128xf32, #tpu.memory_space<vmem>>, vector<1x16xf32>,
          %get3A_199 = vector.shape_cast %get3A_198 : vector<1x16xf32> to vector<16xf32>
          %mul3A_200 = vector.broadcast %squeeze3A : f32 to vector<16xf32>
          %mul3A_201 = arith.mulf %get3A_199, %mul3A_200 : vector<16xf32>
          %swap3A_202 = arith.index_cast %add3A_141 : i32 to index
          %swap3A_203 = arith.constant 80 : index
          %swap3A_204 = tpu.vector_load %arg7[%swap3A_202, %swap3A_203] {strides = array<i32>} : memref<128x128xf32, #tpu.memory_space<vmem>>, vector<1x16xf32>,
          %swap3A_205 = vector.shape_cast %swap3A_204 : vector<1x16xf32> to vector<16xf32>
          %swap3A_206 = vector.shape_cast %mul3A_201 : vector<16xf32> to vector<1x16xf32>
          tpu.vector_store %arg7[%swap3A_202, %swap3A_203], %swap3A_206 {strides = array<i32>} : memref<128x128xf32, #tpu.memory_space<vmem>>, vector<1x16xf32>,
          %get3A_207 = arith.index_cast %add3A_141 : i32 to index
          %get3A_208 = arith.constant 96 : index
          %get3A_209 = tpu.vector_load %arg7[%get3A_207, %get3A_208] {strides = array<i32>} : memref<128x128xf32, #tpu.memory_space<vmem>>, vector<1x16xf32>,
          %get3A_210 = vector.shape_cast %get3A_209 : vector<1x16xf32> to vector<16xf32>
          %mul3A_211 = vector.broadcast %squeeze3A : f32 to vector<16xf32>
          %mul3A_212 = arith.mulf %get3A_210, %mul3A_211 : vector<16xf32>
          %swap3A_213 = arith.index_cast %add3A_141 : i32 to index
          %swap3A_214 = arith.constant 96 : index
          %swap3A_215 = tpu.vector_load %arg7[%swap3A_213, %swap3A_214] {strides = array<i32>} : memref<128x128xf32, #tpu.memory_space<vmem>>, vector<1x16xf32>,
          %swap3A_216 = vector.shape_cast %swap3A_215 : vector<1x16xf32> to vector<16xf32>
          %swap3A_217 = vector.shape_cast %mul3A_212 : vector<16xf32> to vector<1x16xf32>
          tpu.vector_store %arg7[%swap3A_213, %swap3A_214], %swap3A_217 {strides = array<i32>} : memref<128x128xf32, #tpu.memory_space<vmem>>, vector<1x16xf32>,
          %get3A_218 = arith.index_cast %add3A_141 : i32 to index
          %get3A_219 = arith.constant 112 : index
          %get3A_220 = tpu.vector_load %arg7[%get3A_218, %get3A_219] {strides = array<i32>} : memref<128x128xf32, #tpu.memory_space<vmem>>, vector<1x16xf32>,
          %get3A_221 = vector.shape_cast %get3A_220 : vector<1x16xf32> to vector<16xf32>
          %mul3A_222 = vector.broadcast %squeeze3A : f32 to vector<16xf32>
          %mul3A_223 = arith.mulf %get3A_221, %mul3A_222 : vector<16xf32>
          %swap3A_224 = arith.index_cast %add3A_141 : i32 to index
          %swap3A_225 = arith.constant 112 : index
          %swap3A_226 = tpu.vector_load %arg7[%swap3A_224, %swap3A_225] {strides = array<i32>} : memref<128x128xf32, #tpu.memory_space<vmem>>, vector<1x16xf32>,
          %swap3A_227 = vector.shape_cast %swap3A_226 : vector<1x16xf32> to vector<16xf32>
          %swap3A_228 = vector.shape_cast %mul3A_223 : vector<16xf32> to vector<1x16xf32>
          tpu.vector_store %arg7[%swap3A_224, %swap3A_225], %swap3A_228 {strides = array<i32>} : memref<128x128xf32, #tpu.memory_space<vmem>>, vector<1x16xf32>,
          %add3A_229 = arith.constant 1 : i32
          %add3A_230 = arith.addi %multiple_of3A_136, %add3A_229 : i32
          %slice3A_231 = vector.extract_strided_slice %get3A_139 {offsets = [1], sizes = [1], strides = [1]} : vector<16xf32> to vector<1xf32>
          %squeeze3A_232 = vector.extract %slice3A_231[0] : f32 from vector<1xf32>
          %get3A_233 = arith.index_cast %add3A_230 : i32 to index
          %get3A_234 = arith.constant 0 : index
          %get3A_235 = tpu.vector_load %arg7[%get3A_233, %get3A_234] {strides = array<i32>} : memref<128x128xf32, #tpu.memory_space<vmem>>, vector<1x16xf32>,
          %get3A_236 = vector.shape_cast %get3A_235 : vector<1x16xf32> to vector<16xf32>
          %mul3A_237 = vector.broadcast %squeeze3A_232 : f32 to vector<16xf32>
          %mul3A_238 = arith.mulf %get3A_236, %mul3A_237 : vector<16xf32>
          %swap3A_239 = arith.index_cast %add3A_230 : i32 to index
          %swap3A_240 = arith.constant 0 : index
          %swap3A_241 = tpu.vector_load %arg7[%swap3A_239, %swap3A_240] {strides = array<i32>} : memref<128x128xf32, #tpu.memory_space<vmem>>, vector<1x16xf32>,
          %swap3A_242 = vector.shape_cast %swap3A_241 : vector<1x16xf32> to vector<16xf32>
          %swap3A_243 = vector.shape_cast %mul3A_238 : vector<16xf32> to vector<1x16xf32>
          tpu.vector_store %arg7[%swap3A_239, %swap3A_240], %swap3A_243 {strides = array<i32>} : memref<128x128xf32, #tpu.memory_space<vmem>>, vector<1x16xf32>,
          %get3A_244 = arith.index_cast %add3A_230 : i32 to index
          %get3A_245 = arith.constant 16 : index
          %get3A_246 = tpu.vector_load %arg7[%get3A_244, %get3A_245] {strides = array<i32>} : memref<128x128xf32, #tpu.memory_space<vmem>>, vector<1x16xf32>,
          %get3A_247 = vector.shape_cast %get3A_246 : vector<1x16xf32> to vector<16xf32>
          %mul3A_248 = vector.broadcast %squeeze3A_232 : f32 to vector<16xf32>
          %mul3A_249 = arith.mulf %get3A_247, %mul3A_248 : vector<16xf32>
          %swap3A_250 = arith.index_cast %add3A_230 : i32 to index
          %swap3A_251 = arith.constant 16 : index
          %swap3A_252 = tpu.vector_load %arg7[%swap3A_250, %swap3A_251] {strides = array<i32>} : memref<128x128xf32, #tpu.memory_space<vmem>>, vector<1x16xf32>,
          %swap3A_253 = vector.shape_cast %swap3A_252 : vector<1x16xf32> to vector<16xf32>
          %swap3A_254 = vector.shape_cast %mul3A_249 : vector<16xf32> to vector<1x16xf32>
          tpu.vector_store %arg7[%swap3A_250, %swap3A_251], %swap3A_254 {strides = array<i32>} : memref<128x128xf32, #tpu.memory_space<vmem>>, vector<1x16xf32>,
          %get3A_255 = arith.index_cast %add3A_230 : i32 to index
          %get3A_256 = arith.constant 32 : index
          %get3A_257 = tpu.vector_load %arg7[%get3A_255, %get3A_256] {strides = array<i32>} : memref<128x128xf32, #tpu.memory_space<vmem>>, vector<1x16xf32>,
          %get3A_258 = vector.shape_cast %get3A_257 : vector<1x16xf32> to vector<16xf32>
          %mul3A_259 = vector.broadcast %squeeze3A_232 : f32 to vector<16xf32>
          %mul3A_260 = arith.mulf %get3A_258, %mul3A_259 : vector<16xf32>
          %swap3A_261 = arith.index_cast %add3A_230 : i32 to index
          %swap3A_262 = arith.constant 32 : index
          %swap3A_263 = tpu.vector_load %arg7[%swap3A_261, %swap3A_262] {strides = array<i32>} : memref<128x128xf32, #tpu.memory_space<vmem>>, vector<1x16xf32>,
          %swap3A_264 = vector.shape_cast %swap3A_263 : vector<1x16xf32> to vector<16xf32>
          %swap3A_265 = vector.shape_cast %mul3A_260 : vector<16xf32> to vector<1x16xf32>
          tpu.vector_store %arg7[%swap3A_261, %swap3A_262], %swap3A_265 {strides = array<i32>} : memref<128x128xf32, #tpu.memory_space<vmem>>, vector<1x16xf32>,
          %get3A_266 = arith.index_cast %add3A_230 : i32 to index
          %get3A_267 = arith.constant 48 : index
          %get3A_268 = tpu.vector_load %arg7[%get3A_266, %get3A_267] {strides = array<i32>} : memref<128x128xf32, #tpu.memory_space<vmem>>, vector<1x16xf32>,
          %get3A_269 = vector.shape_cast %get3A_268 : vector<1x16xf32> to vector<16xf32>
          %mul3A_270 = vector.broadcast %squeeze3A_232 : f32 to vector<16xf32>
          %mul3A_271 = arith.mulf %get3A_269, %mul3A_270 : vector<16xf32>
          %swap3A_272 = arith.index_cast %add3A_230 : i32 to index
          %swap3A_273 = arith.constant 48 : index
          %swap3A_274 = tpu.vector_load %arg7[%swap3A_272, %swap3A_273] {strides = array<i32>} : memref<128x128xf32, #tpu.memory_space<vmem>>, vector<1x16xf32>,
          %swap3A_275 = vector.shape_cast %swap3A_274 : vector<1x16xf32> to vector<16xf32>
          %swap3A_276 = vector.shape_cast %mul3A_271 : vector<16xf32> to vector<1x16xf32>
          tpu.vector_store %arg7[%swap3A_272, %swap3A_273], %swap3A_276 {strides = array<i32>} : memref<128x128xf32, #tpu.memory_space<vmem>>, vector<1x16xf32>,
          %get3A_277 = arith.index_cast %add3A_230 : i32 to index
          %get3A_278 = arith.constant 64 : index
          %get3A_279 = tpu.vector_load %arg7[%get3A_277, %get3A_278] {strides = array<i32>} : memref<128x128xf32, #tpu.memory_space<vmem>>, vector<1x16xf32>,
          %get3A_280 = vector.shape_cast %get3A_279 : vector<1x16xf32> to vector<16xf32>
          %mul3A_281 = vector.broadcast %squeeze3A_232 : f32 to vector<16xf32>
          %mul3A_282 = arith.mulf %get3A_280, %mul3A_281 : vector<16xf32>
          %swap3A_283 = arith.index_cast %add3A_230 : i32 to index
          %swap3A_284 = arith.constant 64 : index
          %swap3A_285 = tpu.vector_load %arg7[%swap3A_283, %swap3A_284] {strides = array<i32>} : memref<128x128xf32, #tpu.memory_space<vmem>>, vector<1x16xf32>,
          %swap3A_286 = vector.shape_cast %swap3A_285 : vector<1x16xf32> to vector<16xf32>
          %swap3A_287 = vector.shape_cast %mul3A_282 : vector<16xf32> to vector<1x16xf32>
          tpu.vector_store %arg7[%swap3A_283, %swap3A_284], %swap3A_287 {strides = array<i32>} : memref<128x128xf32, #tpu.memory_space<vmem>>, vector<1x16xf32>,
          %get3A_288 = arith.index_cast %add3A_230 : i32 to index
          %get3A_289 = arith.constant 80 : index
          %get3A_290 = tpu.vector_load %arg7[%get3A_288, %get3A_289] {strides = array<i32>} : memref<128x128xf32, #tpu.memory_space<vmem>>, vector<1x16xf32>,
          %get3A_291 = vector.shape_cast %get3A_290 : vector<1x16xf32> to vector<16xf32>
          %mul3A_292 = vector.broadcast %squeeze3A_232 : f32 to vector<16xf32>
          %mul3A_293 = arith.mulf %get3A_291, %mul3A_292 : vector<16xf32>
          %swap3A_294 = arith.index_cast %add3A_230 : i32 to index
          %swap3A_295 = arith.constant 80 : index
          %swap3A_296 = tpu.vector_load %arg7[%swap3A_294, %swap3A_295] {strides = array<i32>} : memref<128x128xf32, #tpu.memory_space<vmem>>, vector<1x16xf32>,
          %swap3A_297 = vector.shape_cast %swap3A_296 : vector<1x16xf32> to vector<16xf32>
          %swap3A_298 = vector.shape_cast %mul3A_293 : vector<16xf32> to vector<1x16xf32>
          tpu.vector_store %arg7[%swap3A_294, %swap3A_295], %swap3A_298 {strides = array<i32>} : memref<128x128xf32, #tpu.memory_space<vmem>>, vector<1x16xf32>,
          %get3A_299 = arith.index_cast %add3A_230 : i32 to index
          %get3A_300 = arith.constant 96 : index
          %get3A_301 = tpu.vector_load %arg7[%get3A_299, %get3A_300] {strides = array<i32>} : memref<128x128xf32, #tpu.memory_space<vmem>>, vector<1x16xf32>,
          %get3A_302 = vector.shape_cast %get3A_301 : vector<1x16xf32> to vector<16xf32>
          %mul3A_303 = vector.broadcast %squeeze3A_232 : f32 to vector<16xf32>
          %mul3A_304 = arith.mulf %get3A_302, %mul3A_303 : vector<16xf32>
          %swap3A_305 = arith.index_cast %add3A_230 : i32 to index
          %swap3A_306 = arith.constant 96 : index
          %swap3A_307 = tpu.vector_load %arg7[%swap3A_305, %swap3A_306] {strides = array<i32>} : memref<128x128xf32, #tpu.memory_space<vmem>>, vector<1x16xf32>,
          %swap3A_308 = vector.shape_cast %swap3A_307 : vector<1x16xf32> to vector<16xf32>
          %swap3A_309 = vector.shape_cast %mul3A_304 : vector<16xf32> to vector<1x16xf32>
          tpu.vector_store %arg7[%swap3A_305, %swap3A_306], %swap3A_309 {strides = array<i32>} : memref<128x128xf32, #tpu.memory_space<vmem>>, vector<1x16xf32>,
          %get3A_310 = arith.index_cast %add3A_230 : i32 to index
          %get3A_311 = arith.constant 112 : index
          %get3A_312 = tpu.vector_load %arg7[%get3A_310, %get3A_311] {strides = array<i32>} : memref<128x128xf32, #tpu.memory_space<vmem>>, vector<1x16xf32>,
          %get3A_313 = vector.shape_cast %get3A_312 : vector<1x16xf32> to vector<16xf32>
          %mul3A_314 = vector.broadcast %squeeze3A_232 : f32 to vector<16xf32>
          %mul3A_315 = arith.mulf %get3A_313, %mul3A_314 : vector<16xf32>
          %swap3A_316 = arith.index_cast %add3A_230 : i32 to index
          %swap3A_317 = arith.constant 112 : index
          %swap3A_318 = tpu.vector_load %arg7[%swap3A_316, %swap3A_317] {strides = array<i32>} : memref<128x128xf32, #tpu.memory_space<vmem>>, vector<1x16xf32>,
          %swap3A_319 = vector.shape_cast %swap3A_318 : vector<1x16xf32> to vector<16xf32>
          %swap3A_320 = vector.shape_cast %mul3A_315 : vector<16xf32> to vector<1x16xf32>
          tpu.vector_store %arg7[%swap3A_316, %swap3A_317], %swap3A_320 {strides = array<i32>} : memref<128x128xf32, #tpu.memory_space<vmem>>, vector<1x16xf32>,
          %add3A_321 = arith.constant 2 : i32
          %add3A_322 = arith.addi %multiple_of3A_136, %add3A_321 : i32
          %slice3A_323 = vector.extract_strided_slice %get3A_139 {offsets = [2], sizes = [1], strides = [1]} : vector<16xf32> to vector<1xf32>
          %squeeze3A_324 = vector.extract %slice3A_323[0] : f32 from vector<1xf32>
          %get3A_325 = arith.index_cast %add3A_322 : i32 to index
          %get3A_326 = arith.constant 0 : index
          %get3A_327 = tpu.vector_load %arg7[%get3A_325, %get3A_326] {strides = array<i32>} : memref<128x128xf32, #tpu.memory_space<vmem>>, vector<1x16xf32>,
          %get3A_328 = vector.shape_cast %get3A_327 : vector<1x16xf32> to vector<16xf32>
          %mul3A_329 = vector.broadcast %squeeze3A_324 : f32 to vector<16xf32>
          %mul3A_330 = arith.mulf %get3A_328, %mul3A_329 : vector<16xf32>
          %swap3A_331 = arith.index_cast %add3A_322 : i32 to index
          %swap3A_332 = arith.constant 0 : index
          %swap3A_333 = tpu.vector_load %arg7[%swap3A_331, %swap3A_332] {strides = array<i32>} : memref<128x128xf32, #tpu.memory_space<vmem>>, vector<1x16xf32>,
          %swap3A_334 = vector.shape_cast %swap3A_333 : vector<1x16xf32> to vector<16xf32>
          %swap3A_335 = vector.shape_cast %mul3A_330 : vector<16xf32> to vector<1x16xf32>
          tpu.vector_store %arg7[%swap3A_331, %swap3A_332], %swap3A_335 {strides = array<i32>} : memref<128x128xf32, #tpu.memory_space<vmem>>, vector<1x16xf32>,
          %get3A_336 = arith.index_cast %add3A_322 : i32 to index
          %get3A_337 = arith.constant 16 : index
          %get3A_338 = tpu.vector_load %arg7[%get3A_336, %get3A_337] {strides = array<i32>} : memref<128x128xf32, #tpu.memory_space<vmem>>, vector<1x16xf32>,
          %get3A_339 = vector.shape_cast %get3A_338 : vector<1x16xf32> to vector<16xf32>
          %mul3A_340 = vector.broadcast %squeeze3A_324 : f32 to vector<16xf32>
          %mul3A_341 = arith.mulf %get3A_339, %mul3A_340 : vector<16xf32>
          %swap3A_342 = arith.index_cast %add3A_322 : i32 to index
          %swap3A_343 = arith.constant 16 : index
          %swap3A_344 = tpu.vector_load %arg7[%swap3A_342, %swap3A_343] {strides = array<i32>} : memref<128x128xf32, #tpu.memory_space<vmem>>, vector<1x16xf32>,
          %swap3A_345 = vector.shape_cast %swap3A_344 : vector<1x16xf32> to vector<16xf32>
          %swap3A_346 = vector.shape_cast %mul3A_341 : vector<16xf32> to vector<1x16xf32>
          tpu.vector_store %arg7[%swap3A_342, %swap3A_343], %swap3A_346 {strides = array<i32>} : memref<128x128xf32, #tpu.memory_space<vmem>>, vector<1x16xf32>,
          %get3A_347 = arith.index_cast %add3A_322 : i32 to index
          %get3A_348 = arith.constant 32 : index
          %get3A_349 = tpu.vector_load %arg7[%get3A_347, %get3A_348] {strides = array<i32>} : memref<128x128xf32, #tpu.memory_space<vmem>>, vector<1x16xf32>,
          %get3A_350 = vector.shape_cast %get3A_349 : vector<1x16xf32> to vector<16xf32>
          %mul3A_351 = vector.broadcast %squeeze3A_324 : f32 to vector<16xf32>
          %mul3A_352 = arith.mulf %get3A_350, %mul3A_351 : vector<16xf32>
          %swap3A_353 = arith.index_cast %add3A_322 : i32 to index
          %swap3A_354 = arith.constant 32 : index
          %swap3A_355 = tpu.vector_load %arg7[%swap3A_353, %swap3A_354] {strides = array<i32>} : memref<128x128xf32, #tpu.memory_space<vmem>>, vector<1x16xf32>,
          %swap3A_356 = vector.shape_cast %swap3A_355 : vector<1x16xf32> to vector<16xf32>
          %swap3A_357 = vector.shape_cast %mul3A_352 : vector<16xf32> to vector<1x16xf32>
          tpu.vector_store %arg7[%swap3A_353, %swap3A_354], %swap3A_357 {strides = array<i32>} : memref<128x128xf32, #tpu.memory_space<vmem>>, vector<1x16xf32>,
          %get3A_358 = arith.index_cast %add3A_322 : i32 to index
          %get3A_359 = arith.constant 48 : index
          %get3A_360 = tpu.vector_load %arg7[%get3A_358, %get3A_359] {strides = array<i32>} : memref<128x128xf32, #tpu.memory_space<vmem>>, vector<1x16xf32>,
          %get3A_361 = vector.shape_cast %get3A_360 : vector<1x16xf32> to vector<16xf32>
          %mul3A_362 = vector.broadcast %squeeze3A_324 : f32 to vector<16xf32>
          %mul3A_363 = arith.mulf %get3A_361, %mul3A_362 : vector<16xf32>
          %swap3A_364 = arith.index_cast %add3A_322 : i32 to index
          %swap3A_365 = arith.constant 48 : index
          %swap3A_366 = tpu.vector_load %arg7[%swap3A_364, %swap3A_365] {strides = array<i32>} : memref<128x128xf32, #tpu.memory_space<vmem>>, vector<1x16xf32>,
          %swap3A_367 = vector.shape_cast %swap3A_366 : vector<1x16xf32> to vector<16xf32>
          %swap3A_368 = vector.shape_cast %mul3A_363 : vector<16xf32> to vector<1x16xf32>
          tpu.vector_store %arg7[%swap3A_364, %swap3A_365], %swap3A_368 {strides = array<i32>} : memref<128x128xf32, #tpu.memory_space<vmem>>, vector<1x16xf32>,
          %get3A_369 = arith.index_cast %add3A_322 : i32 to index
          %get3A_370 = arith.constant 64 : index
          %get3A_371 = tpu.vector_load %arg7[%get3A_369, %get3A_370] {strides = array<i32>} : memref<128x128xf32, #tpu.memory_space<vmem>>, vector<1x16xf32>,
          %get3A_372 = vector.shape_cast %get3A_371 : vector<1x16xf32> to vector<16xf32>
          %mul3A_373 = vector.broadcast %squeeze3A_324 : f32 to vector<16xf32>
          %mul3A_374 = arith.mulf %get3A_372, %mul3A_373 : vector<16xf32>
          %swap3A_375 = arith.index_cast %add3A_322 : i32 to index
          %swap3A_376 = arith.constant 64 : index
          %swap3A_377 = tpu.vector_load %arg7[%swap3A_375, %swap3A_376] {strides = array<i32>} : memref<128x128xf32, #tpu.memory_space<vmem>>, vector<1x16xf32>,
          %swap3A_378 = vector.shape_cast %swap3A_377 : vector<1x16xf32> to vector<16xf32>
          %swap3A_379 = vector.shape_cast %mul3A_374 : vector<16xf32> to vector<1x16xf32>
          tpu.vector_store %arg7[%swap3A_375, %swap3A_376], %swap3A_379 {strides = array<i32>} : memref<128x128xf32, #tpu.memory_space<vmem>>, vector<1x16xf32>,
          %get3A_380 = arith.index_cast %add3A_322 : i32 to index
          %get3A_381 = arith.constant 80 : index
          %get3A_382 = tpu.vector_load %arg7[%get3A_380, %get3A_381] {strides = array<i32>} : memref<128x128xf32, #tpu.memory_space<vmem>>, vector<1x16xf32>,
          %get3A_383 = vector.shape_cast %get3A_382 : vector<1x16xf32> to vector<16xf32>
          %mul3A_384 = vector.broadcast %squeeze3A_324 : f32 to vector<16xf32>
          %mul3A_385 = arith.mulf %get3A_383, %mul3A_384 : vector<16xf32>
          %swap3A_386 = arith.index_cast %add3A_322 : i32 to index
          %swap3A_387 = arith.constant 80 : index
          %swap3A_388 = tpu.vector_load %arg7[%swap3A_386, %swap3A_387] {strides = array<i32>} : memref<128x128xf32, #tpu.memory_space<vmem>>, vector<1x16xf32>,
          %swap3A_389 = vector.shape_cast %swap3A_388 : vector<1x16xf32> to vector<16xf32>
          %swap3A_390 = vector.shape_cast %mul3A_385 : vector<16xf32> to vector<1x16xf32>
          tpu.vector_store %arg7[%swap3A_386, %swap3A_387], %swap3A_390 {strides = array<i32>} : memref<128x128xf32, #tpu.memory_space<vmem>>, vector<1x16xf32>,
          %get3A_391 = arith.index_cast %add3A_322 : i32 to index
          %get3A_392 = arith.constant 96 : index
          %get3A_393 = tpu.vector_load %arg7[%get3A_391, %get3A_392] {strides = array<i32>} : memref<128x128xf32, #tpu.memory_space<vmem>>, vector<1x16xf32>,
          %get3A_394 = vector.shape_cast %get3A_393 : vector<1x16xf32> to vector<16xf32>
          %mul3A_395 = vector.broadcast %squeeze3A_324 : f32 to vector<16xf32>
          %mul3A_396 = arith.mulf %get3A_394, %mul3A_395 : vector<16xf32>
          %swap3A_397 = arith.index_cast %add3A_322 : i32 to index
          %swap3A_398 = arith.constant 96 : index
          %swap3A_399 = tpu.vector_load %arg7[%swap3A_397, %swap3A_398] {strides = array<i32>} : memref<128x128xf32, #tpu.memory_space<vmem>>, vector<1x16xf32>,
          %swap3A_400 = vector.shape_cast %swap3A_399 : vector<1x16xf32> to vector<16xf32>
          %swap3A_401 = vector.shape_cast %mul3A_396 : vector<16xf32> to vector<1x16xf32>
          tpu.vector_store %arg7[%swap3A_397, %swap3A_398], %swap3A_401 {strides = array<i32>} : memref<128x128xf32, #tpu.memory_space<vmem>>, vector<1x16xf32>,
          %get3A_402 = arith.index_cast %add3A_322 : i32 to index
          %get3A_403 = arith.constant 112 : index
          %get3A_404 = tpu.vector_load %arg7[%get3A_402, %get3A_403] {strides = array<i32>} : memref<128x128xf32, #tpu.memory_space<vmem>>, vector<1x16xf32>,
          %get3A_405 = vector.shape_cast %get3A_404 : vector<1x16xf32> to vector<16xf32>
          %mul3A_406 = vector.broadcast %squeeze3A_324 : f32 to vector<16xf32>
          %mul3A_407 = arith.mulf %get3A_405, %mul3A_406 : vector<16xf32>
          %swap3A_408 = arith.index_cast %add3A_322 : i32 to index
          %swap3A_409 = arith.constant 112 : index
          %swap3A_410 = tpu.vector_load %arg7[%swap3A_408, %swap3A_409] {strides = array<i32>} : memref<128x128xf32, #tpu.memory_space<vmem>>, vector<1x16xf32>,
          %swap3A_411 = vector.shape_cast %swap3A_410 : vector<1x16xf32> to vector<16xf32>
          %swap3A_412 = vector.shape_cast %mul3A_407 : vector<16xf32> to vector<1x16xf32>
          tpu.vector_store %arg7[%swap3A_408, %swap3A_409], %swap3A_412 {strides = array<i32>} : memref<128x128xf32, #tpu.memory_space<vmem>>, vector<1x16xf32>,
          %add3A_413 = arith.constant 3 : i32
          %add3A_414 = arith.addi %multiple_of3A_136, %add3A_413 : i32
          %slice3A_415 = vector.extract_strided_slice %get3A_139 {offsets = [3], sizes = [1], strides = [1]} : vector<16xf32> to vector<1xf32>
          %squeeze3A_416 = vector.extract %slice3A_415[0] : f32 from vector<1xf32>
          %get3A_417 = arith.index_cast %add3A_414 : i32 to index
          %get3A_418 = arith.constant 0 : index
          %get3A_419 = tpu.vector_load %arg7[%get3A_417, %get3A_418] {strides = array<i32>} : memref<128x128xf32, #tpu.memory_space<vmem>>, vector<1x16xf32>,
          %get3A_420 = vector.shape_cast %get3A_419 : vector<1x16xf32> to vector<16xf32>
          %mul3A_421 = vector.broadcast %squeeze3A_416 : f32 to vector<16xf32>
          %mul3A_422 = arith.mulf %get3A_420, %mul3A_421 : vector<16xf32>
          %swap3A_423 = arith.index_cast %add3A_414 : i32 to index
          %swap3A_424 = arith.constant 0 : index
          %swap3A_425 = tpu.vector_load %arg7[%swap3A_423, %swap3A_424] {strides = array<i32>} : memref<128x128xf32, #tpu.memory_space<vmem>>, vector<1x16xf32>,
          %swap3A_426 = vector.shape_cast %swap3A_425 : vector<1x16xf32> to vector<16xf32>
          %swap3A_427 = vector.shape_cast %mul3A_422 : vector<16xf32> to vector<1x16xf32>
          tpu.vector_store %arg7[%swap3A_423, %swap3A_424], %swap3A_427 {strides = array<i32>} : memref<128x128xf32, #tpu.memory_space<vmem>>, vector<1x16xf32>,
          %get3A_428 = arith.index_cast %add3A_414 : i32 to index
          %get3A_429 = arith.constant 16 : index
          %get3A_430 = tpu.vector_load %arg7[%get3A_428, %get3A_429] {strides = array<i32>} : memref<128x128xf32, #tpu.memory_space<vmem>>, vector<1x16xf32>,
          %get3A_431 = vector.shape_cast %get3A_430 : vector<1x16xf32> to vector<16xf32>
          %mul3A_432 = vector.broadcast %squeeze3A_416 : f32 to vector<16xf32>
          %mul3A_433 = arith.mulf %get3A_431, %mul3A_432 : vector<16xf32>
          %swap3A_434 = arith.index_cast %add3A_414 : i32 to index
          %swap3A_435 = arith.constant 16 : index
          %swap3A_436 = tpu.vector_load %arg7[%swap3A_434, %swap3A_435] {strides = array<i32>} : memref<128x128xf32, #tpu.memory_space<vmem>>, vector<1x16xf32>,
          %swap3A_437 = vector.shape_cast %swap3A_436 : vector<1x16xf32> to vector<16xf32>
          %swap3A_438 = vector.shape_cast %mul3A_433 : vector<16xf32> to vector<1x16xf32>
          tpu.vector_store %arg7[%swap3A_434, %swap3A_435], %swap3A_438 {strides = array<i32>} : memref<128x128xf32, #tpu.memory_space<vmem>>, vector<1x16xf32>,
          %get3A_439 = arith.index_cast %add3A_414 : i32 to index
          %get3A_440 = arith.constant 32 : index
          %get3A_441 = tpu.vector_load %arg7[%get3A_439, %get3A_440] {strides = array<i32>} : memref<128x128xf32, #tpu.memory_space<vmem>>, vector<1x16xf32>,
          %get3A_442 = vector.shape_cast %get3A_441 : vector<1x16xf32> to vector<16xf32>
          %mul3A_443 = vector.broadcast %squeeze3A_416 : f32 to vector<16xf32>
          %mul3A_444 = arith.mulf %get3A_442, %mul3A_443 : vector<16xf32>
          %swap3A_445 = arith.index_cast %add3A_414 : i32 to index
          %swap3A_446 = arith.constant 32 : index
          %swap3A_447 = tpu.vector_load %arg7[%swap3A_445, %swap3A_446] {strides = array<i32>} : memref<128x128xf32, #tpu.memory_space<vmem>>, vector<1x16xf32>,
          %swap3A_448 = vector.shape_cast %swap3A_447 : vector<1x16xf32> to vector<16xf32>
          %swap3A_449 = vector.shape_cast %mul3A_444 : vector<16xf32> to vector<1x16xf32>
          tpu.vector_store %arg7[%swap3A_445, %swap3A_446], %swap3A_449 {strides = array<i32>} : memref<128x128xf32, #tpu.memory_space<vmem>>, vector<1x16xf32>,
          %get3A_450 = arith.index_cast %add3A_414 : i32 to index
          %get3A_451 = arith.constant 48 : index
          %get3A_452 = tpu.vector_load %arg7[%get3A_450, %get3A_451] {strides = array<i32>} : memref<128x128xf32, #tpu.memory_space<vmem>>, vector<1x16xf32>,
          %get3A_453 = vector.shape_cast %get3A_452 : vector<1x16xf32> to vector<16xf32>
          %mul3A_454 = vector.broadcast %squeeze3A_416 : f32 to vector<16xf32>
          %mul3A_455 = arith.mulf %get3A_453, %mul3A_454 : vector<16xf32>
          %swap3A_456 = arith.index_cast %add3A_414 : i32 to index
          %swap3A_457 = arith.constant 48 : index
          %swap3A_458 = tpu.vector_load %arg7[%swap3A_456, %swap3A_457] {strides = array<i32>} : memref<128x128xf32, #tpu.memory_space<vmem>>, vector<1x16xf32>,
          %swap3A_459 = vector.shape_cast %swap3A_458 : vector<1x16xf32> to vector<16xf32>
          %swap3A_460 = vector.shape_cast %mul3A_455 : vector<16xf32> to vector<1x16xf32>
          tpu.vector_store %arg7[%swap3A_456, %swap3A_457], %swap3A_460 {strides = array<i32>} : memref<128x128xf32, #tpu.memory_space<vmem>>, vector<1x16xf32>,
          %get3A_461 = arith.index_cast %add3A_414 : i32 to index
          %get3A_462 = arith.constant 64 : index
          %get3A_463 = tpu.vector_load %arg7[%get3A_461, %get3A_462] {strides = array<i32>} : memref<128x128xf32, #tpu.memory_space<vmem>>, vector<1x16xf32>,
          %get3A_464 = vector.shape_cast %get3A_463 : vector<1x16xf32> to vector<16xf32>
          %mul3A_465 = vector.broadcast %squeeze3A_416 : f32 to vector<16xf32>
          %mul3A_466 = arith.mulf %get3A_464, %mul3A_465 : vector<16xf32>
          %swap3A_467 = arith.index_cast %add3A_414 : i32 to index
          %swap3A_468 = arith.constant 64 : index
          %swap3A_469 = tpu.vector_load %arg7[%swap3A_467, %swap3A_468] {strides = array<i32>} : memref<128x128xf32, #tpu.memory_space<vmem>>, vector<1x16xf32>,
          %swap3A_470 = vector.shape_cast %swap3A_469 : vector<1x16xf32> to vector<16xf32>
          %swap3A_471 = vector.shape_cast %mul3A_466 : vector<16xf32> to vector<1x16xf32>
          tpu.vector_store %arg7[%swap3A_467, %swap3A_468], %swap3A_471 {strides = array<i32>} : memref<128x128xf32, #tpu.memory_space<vmem>>, vector<1x16xf32>,
          %get3A_472 = arith.index_cast %add3A_414 : i32 to index
          %get3A_473 = arith.constant 80 : index
          %get3A_474 = tpu.vector_load %arg7[%get3A_472, %get3A_473] {strides = array<i32>} : memref<128x128xf32, #tpu.memory_space<vmem>>, vector<1x16xf32>,
          %get3A_475 = vector.shape_cast %get3A_474 : vector<1x16xf32> to vector<16xf32>
          %mul3A_476 = vector.broadcast %squeeze3A_416 : f32 to vector<16xf32>
          %mul3A_477 = arith.mulf %get3A_475, %mul3A_476 : vector<16xf32>
          %swap3A_478 = arith.index_cast %add3A_414 : i32 to index
          %swap3A_479 = arith.constant 80 : index
          %swap3A_480 = tpu.vector_load %arg7[%swap3A_478, %swap3A_479] {strides = array<i32>} : memref<128x128xf32, #tpu.memory_space<vmem>>, vector<1x16xf32>,
          %swap3A_481 = vector.shape_cast %swap3A_480 : vector<1x16xf32> to vector<16xf32>
          %swap3A_482 = vector.shape_cast %mul3A_477 : vector<16xf32> to vector<1x16xf32>
          tpu.vector_store %arg7[%swap3A_478, %swap3A_479], %swap3A_482 {strides = array<i32>} : memref<128x128xf32, #tpu.memory_space<vmem>>, vector<1x16xf32>,
          %get3A_483 = arith.index_cast %add3A_414 : i32 to index
          %get3A_484 = arith.constant 96 : index
          %get3A_485 = tpu.vector_load %arg7[%get3A_483, %get3A_484] {strides = array<i32>} : memref<128x128xf32, #tpu.memory_space<vmem>>, vector<1x16xf32>,
          %get3A_486 = vector.shape_cast %get3A_485 : vector<1x16xf32> to vector<16xf32>
          %mul3A_487 = vector.broadcast %squeeze3A_416 : f32 to vector<16xf32>
          %mul3A_488 = arith.mulf %get3A_486, %mul3A_487 : vector<16xf32>
          %swap3A_489 = arith.index_cast %add3A_414 : i32 to index
          %swap3A_490 = arith.constant 96 : index
          %swap3A_491 = tpu.vector_load %arg7[%swap3A_489, %swap3A_490] {strides = array<i32>} : memref<128x128xf32, #tpu.memory_space<vmem>>, vector<1x16xf32>,
          %swap3A_492 = vector.shape_cast %swap3A_491 : vector<1x16xf32> to vector<16xf32>
          %swap3A_493 = vector.shape_cast %mul3A_488 : vector<16xf32> to vector<1x16xf32>
          tpu.vector_store %arg7[%swap3A_489, %swap3A_490], %swap3A_493 {strides = array<i32>} : memref<128x128xf32, #tpu.memory_space<vmem>>, vector<1x16xf32>,
          %get3A_494 = arith.index_cast %add3A_414 : i32 to index
          %get3A_495 = arith.constant 112 : index
          %get3A_496 = tpu.vector_load %arg7[%get3A_494, %get3A_495] {strides = array<i32>} : memref<128x128xf32, #tpu.memory_space<vmem>>, vector<1x16xf32>,
          %get3A_497 = vector.shape_cast %get3A_496 : vector<1x16xf32> to vector<16xf32>
          %mul3A_498 = vector.broadcast %squeeze3A_416 : f32 to vector<16xf32>
          %mul3A_499 = arith.mulf %get3A_497, %mul3A_498 : vector<16xf32>
          %swap3A_500 = arith.index_cast %add3A_414 : i32 to index
          %swap3A_501 = arith.constant 112 : index
          %swap3A_502 = tpu.vector_load %arg7[%swap3A_500, %swap3A_501] {strides = array<i32>} : memref<128x128xf32, #tpu.memory_space<vmem>>, vector<1x16xf32>,
          %swap3A_503 = vector.shape_cast %swap3A_502 : vector<1x16xf32> to vector<16xf32>
          %swap3A_504 = vector.shape_cast %mul3A_499 : vector<16xf32> to vector<1x16xf32>
          tpu.vector_store %arg7[%swap3A_500, %swap3A_501], %swap3A_504 {strides = array<i32>} : memref<128x128xf32, #tpu.memory_space<vmem>>, vector<1x16xf32>,
          %add3A_505 = arith.constant 4 : i32
          %add3A_506 = arith.addi %multiple_of3A_136, %add3A_505 : i32
          %slice3A_507 = vector.extract_strided_slice %get3A_139 {offsets = [4], sizes = [1], strides = [1]} : vector<16xf32> to vector<1xf32>
          %squeeze3A_508 = vector.extract %slice3A_507[0] : f32 from vector<1xf32>
          %get3A_509 = arith.index_cast %add3A_506 : i32 to index
          %get3A_510 = arith.constant 0 : index
          %get3A_511 = tpu.vector_load %arg7[%get3A_509, %get3A_510] {strides = array<i32>} : memref<128x128xf32, #tpu.memory_space<vmem>>, vector<1x16xf32>,
          %get3A_512 = vector.shape_cast %get3A_511 : vector<1x16xf32> to vector<16xf32>
          %mul3A_513 = vector.broadcast %squeeze3A_508 : f32 to vector<16xf32>
          %mul3A_514 = arith.mulf %get3A_512, %mul3A_513 : vector<16xf32>
          %swap3A_515 = arith.index_cast %add3A_506 : i32 to index
          %swap3A_516 = arith.constant 0 : index
          %swap3A_517 = tpu.vector_load %arg7[%swap3A_515, %swap3A_516] {strides = array<i32>} : memref<128x128xf32, #tpu.memory_space<vmem>>, vector<1x16xf32>,
          %swap3A_518 = vector.shape_cast %swap3A_517 : vector<1x16xf32> to vector<16xf32>
          %swap3A_519 = vector.shape_cast %mul3A_514 : vector<16xf32> to vector<1x16xf32>
          tpu.vector_store %arg7[%swap3A_515, %swap3A_516], %swap3A_519 {strides = array<i32>} : memref<128x128xf32, #tpu.memory_space<vmem>>, vector<1x16xf32>,
          %get3A_520 = arith.index_cast %add3A_506 : i32 to index
          %get3A_521 = arith.constant 16 : index
          %get3A_522 = tpu.vector_load %arg7[%get3A_520, %get3A_521] {strides = array<i32>} : memref<128x128xf32, #tpu.memory_space<vmem>>, vector<1x16xf32>,
          %get3A_523 = vector.shape_cast %get3A_522 : vector<1x16xf32> to vector<16xf32>
          %mul3A_524 = vector.broadcast %squeeze3A_508 : f32 to vector<16xf32>
          %mul3A_525 = arith.mulf %get3A_523, %mul3A_524 : vector<16xf32>
          %swap3A_526 = arith.index_cast %add3A_506 : i32 to index
          %swap3A_527 = arith.constant 16 : index
          %swap3A_528 = tpu.vector_load %arg7[%swap3A_526, %swap3A_527] {strides = array<i32>} : memref<128x128xf32, #tpu.memory_space<vmem>>, vector<1x16xf32>,
          %swap3A_529 = vector.shape_cast %swap3A_528 : vector<1x16xf32> to vector<16xf32>
          %swap3A_530 = vector.shape_cast %mul3A_525 : vector<16xf32> to vector<1x16xf32>
          tpu.vector_store %arg7[%swap3A_526, %swap3A_527], %swap3A_530 {strides = array<i32>} : memref<128x128xf32, #tpu.memory_space<vmem>>, vector<1x16xf32>,
          %get3A_531 = arith.index_cast %add3A_506 : i32 to index
          %get3A_532 = arith.constant 32 : index
          %get3A_533 = tpu.vector_load %arg7[%get3A_531, %get3A_532] {strides = array<i32>} : memref<128x128xf32, #tpu.memory_space<vmem>>, vector<1x16xf32>,
          %get3A_534 = vector.shape_cast %get3A_533 : vector<1x16xf32> to vector<16xf32>
          %mul3A_535 = vector.broadcast %squeeze3A_508 : f32 to vector<16xf32>
          %mul3A_536 = arith.mulf %get3A_534, %mul3A_535 : vector<16xf32>
          %swap3A_537 = arith.index_cast %add3A_506 : i32 to index
          %swap3A_538 = arith.constant 32 : index
          %swap3A_539 = tpu.vector_load %arg7[%swap3A_537, %swap3A_538] {strides = array<i32>} : memref<128x128xf32, #tpu.memory_space<vmem>>, vector<1x16xf32>,
          %swap3A_540 = vector.shape_cast %swap3A_539 : vector<1x16xf32> to vector<16xf32>
          %swap3A_541 = vector.shape_cast %mul3A_536 : vector<16xf32> to vector<1x16xf32>
          tpu.vector_store %arg7[%swap3A_537, %swap3A_538], %swap3A_541 {strides = array<i32>} : memref<128x128xf32, #tpu.memory_space<vmem>>, vector<1x16xf32>,
          %get3A_542 = arith.index_cast %add3A_506 : i32 to index
          %get3A_543 = arith.constant 48 : index
          %get3A_544 = tpu.vector_load %arg7[%get3A_542, %get3A_543] {strides = array<i32>} : memref<128x128xf32, #tpu.memory_space<vmem>>, vector<1x16xf32>,
          %get3A_545 = vector.shape_cast %get3A_544 : vector<1x16xf32> to vector<16xf32>
          %mul3A_546 = vector.broadcast %squeeze3A_508 : f32 to vector<16xf32>
          %mul3A_547 = arith.mulf %get3A_545, %mul3A_546 : vector<16xf32>
          %swap3A_548 = arith.index_cast %add3A_506 : i32 to index
          %swap3A_549 = arith.constant 48 : index
          %swap3A_550 = tpu.vector_load %arg7[%swap3A_548, %swap3A_549] {strides = array<i32>} : memref<128x128xf32, #tpu.memory_space<vmem>>, vector<1x16xf32>,
          %swap3A_551 = vector.shape_cast %swap3A_550 : vector<1x16xf32> to vector<16xf32>
          %swap3A_552 = vector.shape_cast %mul3A_547 : vector<16xf32> to vector<1x16xf32>
          tpu.vector_store %arg7[%swap3A_548, %swap3A_549], %swap3A_552 {strides = array<i32>} : memref<128x128xf32, #tpu.memory_space<vmem>>, vector<1x16xf32>,
          %get3A_553 = arith.index_cast %add3A_506 : i32 to index
          %get3A_554 = arith.constant 64 : index
          %get3A_555 = tpu.vector_load %arg7[%get3A_553, %get3A_554] {strides = array<i32>} : memref<128x128xf32, #tpu.memory_space<vmem>>, vector<1x16xf32>,
          %get3A_556 = vector.shape_cast %get3A_555 : vector<1x16xf32> to vector<16xf32>
          %mul3A_557 = vector.broadcast %squeeze3A_508 : f32 to vector<16xf32>
          %mul3A_558 = arith.mulf %get3A_556, %mul3A_557 : vector<16xf32>
          %swap3A_559 = arith.index_cast %add3A_506 : i32 to index
          %swap3A_560 = arith.constant 64 : index
          %swap3A_561 = tpu.vector_load %arg7[%swap3A_559, %swap3A_560] {strides = array<i32>} : memref<128x128xf32, #tpu.memory_space<vmem>>, vector<1x16xf32>,
          %swap3A_562 = vector.shape_cast %swap3A_561 : vector<1x16xf32> to vector<16xf32>
          %swap3A_563 = vector.shape_cast %mul3A_558 : vector<16xf32> to vector<1x16xf32>
          tpu.vector_store %arg7[%swap3A_559, %swap3A_560], %swap3A_563 {strides = array<i32>} : memref<128x128xf32, #tpu.memory_space<vmem>>, vector<1x16xf32>,
          %get3A_564 = arith.index_cast %add3A_506 : i32 to index
          %get3A_565 = arith.constant 80 : index
          %get3A_566 = tpu.vector_load %arg7[%get3A_564, %get3A_565] {strides = array<i32>} : memref<128x128xf32, #tpu.memory_space<vmem>>, vector<1x16xf32>,
          %get3A_567 = vector.shape_cast %get3A_566 : vector<1x16xf32> to vector<16xf32>
          %mul3A_568 = vector.broadcast %squeeze3A_508 : f32 to vector<16xf32>
          %mul3A_569 = arith.mulf %get3A_567, %mul3A_568 : vector<16xf32>
          %swap3A_570 = arith.index_cast %add3A_506 : i32 to index
          %swap3A_571 = arith.constant 80 : index
          %swap3A_572 = tpu.vector_load %arg7[%swap3A_570, %swap3A_571] {strides = array<i32>} : memref<128x128xf32, #tpu.memory_space<vmem>>, vector<1x16xf32>,
          %swap3A_573 = vector.shape_cast %swap3A_572 : vector<1x16xf32> to vector<16xf32>
          %swap3A_574 = vector.shape_cast %mul3A_569 : vector<16xf32> to vector<1x16xf32>
          tpu.vector_store %arg7[%swap3A_570, %swap3A_571], %swap3A_574 {strides = array<i32>} : memref<128x128xf32, #tpu.memory_space<vmem>>, vector<1x16xf32>,
          %get3A_575 = arith.index_cast %add3A_506 : i32 to index
          %get3A_576 = arith.constant 96 : index
          %get3A_577 = tpu.vector_load %arg7[%get3A_575, %get3A_576] {strides = array<i32>} : memref<128x128xf32, #tpu.memory_space<vmem>>, vector<1x16xf32>,
          %get3A_578 = vector.shape_cast %get3A_577 : vector<1x16xf32> to vector<16xf32>
          %mul3A_579 = vector.broadcast %squeeze3A_508 : f32 to vector<16xf32>
          %mul3A_580 = arith.mulf %get3A_578, %mul3A_579 : vector<16xf32>
          %swap3A_581 = arith.index_cast %add3A_506 : i32 to index
          %swap3A_582 = arith.constant 96 : index
          %swap3A_583 = tpu.vector_load %arg7[%swap3A_581, %swap3A_582] {strides = array<i32>} : memref<128x128xf32, #tpu.memory_space<vmem>>, vector<1x16xf32>,
          %swap3A_584 = vector.shape_cast %swap3A_583 : vector<1x16xf32> to vector<16xf32>
          %swap3A_585 = vector.shape_cast %mul3A_580 : vector<16xf32> to vector<1x16xf32>
          tpu.vector_store %arg7[%swap3A_581, %swap3A_582], %swap3A_585 {strides = array<i32>} : memref<128x128xf32, #tpu.memory_space<vmem>>, vector<1x16xf32>,
          %get3A_586 = arith.index_cast %add3A_506 : i32 to index
          %get3A_587 = arith.constant 112 : index
          %get3A_588 = tpu.vector_load %arg7[%get3A_586, %get3A_587] {strides = array<i32>} : memref<128x128xf32, #tpu.memory_space<vmem>>, vector<1x16xf32>,
          %get3A_589 = vector.shape_cast %get3A_588 : vector<1x16xf32> to vector<16xf32>
          %mul3A_590 = vector.broadcast %squeeze3A_508 : f32 to vector<16xf32>
          %mul3A_591 = arith.mulf %get3A_589, %mul3A_590 : vector<16xf32>
          %swap3A_592 = arith.index_cast %add3A_506 : i32 to index
          %swap3A_593 = arith.constant 112 : index
          %swap3A_594 = tpu.vector_load %arg7[%swap3A_592, %swap3A_593] {strides = array<i32>} : memref<128x128xf32, #tpu.memory_space<vmem>>, vector<1x16xf32>,
          %swap3A_595 = vector.shape_cast %swap3A_594 : vector<1x16xf32> to vector<16xf32>
          %swap3A_596 = vector.shape_cast %mul3A_591 : vector<16xf32> to vector<1x16xf32>
          tpu.vector_store %arg7[%swap3A_592, %swap3A_593], %swap3A_596 {strides = array<i32>} : memref<128x128xf32, #tpu.memory_space<vmem>>, vector<1x16xf32>,
          %add3A_597 = arith.constant 5 : i32
          %add3A_598 = arith.addi %multiple_of3A_136, %add3A_597 : i32
          %slice3A_599 = vector.extract_strided_slice %get3A_139 {offsets = [5], sizes = [1], strides = [1]} : vector<16xf32> to vector<1xf32>
          %squeeze3A_600 = vector.extract %slice3A_599[0] : f32 from vector<1xf32>
          %get3A_601 = arith.index_cast %add3A_598 : i32 to index
          %get3A_602 = arith.constant 0 : index
          %get3A_603 = tpu.vector_load %arg7[%get3A_601, %get3A_602] {strides = array<i32>} : memref<128x128xf32, #tpu.memory_space<vmem>>, vector<1x16xf32>,
          %get3A_604 = vector.shape_cast %get3A_603 : vector<1x16xf32> to vector<16xf32>
          %mul3A_605 = vector.broadcast %squeeze3A_600 : f32 to vector<16xf32>
          %mul3A_606 = arith.mulf %get3A_604, %mul3A_605 : vector<16xf32>
          %swap3A_607 = arith.index_cast %add3A_598 : i32 to index
          %swap3A_608 = arith.constant 0 : index
          %swap3A_609 = tpu.vector_load %arg7[%swap3A_607, %swap3A_608] {strides = array<i32>} : memref<128x128xf32, #tpu.memory_space<vmem>>, vector<1x16xf32>,
          %swap3A_610 = vector.shape_cast %swap3A_609 : vector<1x16xf32> to vector<16xf32>
          %swap3A_611 = vector.shape_cast %mul3A_606 : vector<16xf32> to vector<1x16xf32>
          tpu.vector_store %arg7[%swap3A_607, %swap3A_608], %swap3A_611 {strides = array<i32>} : memref<128x128xf32, #tpu.memory_space<vmem>>, vector<1x16xf32>,
          %get3A_612 = arith.index_cast %add3A_598 : i32 to index
          %get3A_613 = arith.constant 16 : index
          %get3A_614 = tpu.vector_load %arg7[%get3A_612, %get3A_613] {strides = array<i32>} : memref<128x128xf32, #tpu.memory_space<vmem>>, vector<1x16xf32>,
          %get3A_615 = vector.shape_cast %get3A_614 : vector<1x16xf32> to vector<16xf32>
          %mul3A_616 = vector.broadcast %squeeze3A_600 : f32 to vector<16xf32>
          %mul3A_617 = arith.mulf %get3A_615, %mul3A_616 : vector<16xf32>
          %swap3A_618 = arith.index_cast %add3A_598 : i32 to index
          %swap3A_619 = arith.constant 16 : index
          %swap3A_620 = tpu.vector_load %arg7[%swap3A_618, %swap3A_619] {strides = array<i32>} : memref<128x128xf32, #tpu.memory_space<vmem>>, vector<1x16xf32>,
          %swap3A_621 = vector.shape_cast %swap3A_620 : vector<1x16xf32> to vector<16xf32>
          %swap3A_622 = vector.shape_cast %mul3A_617 : vector<16xf32> to vector<1x16xf32>
          tpu.vector_store %arg7[%swap3A_618, %swap3A_619], %swap3A_622 {strides = array<i32>} : memref<128x128xf32, #tpu.memory_space<vmem>>, vector<1x16xf32>,
          %get3A_623 = arith.index_cast %add3A_598 : i32 to index
          %get3A_624 = arith.constant 32 : index
          %get3A_625 = tpu.vector_load %arg7[%get3A_623, %get3A_624] {strides = array<i32>} : memref<128x128xf32, #tpu.memory_space<vmem>>, vector<1x16xf32>,
          %get3A_626 = vector.shape_cast %get3A_625 : vector<1x16xf32> to vector<16xf32>
          %mul3A_627 = vector.broadcast %squeeze3A_600 : f32 to vector<16xf32>
          %mul3A_628 = arith.mulf %get3A_626, %mul3A_627 : vector<16xf32>
          %swap3A_629 = arith.index_cast %add3A_598 : i32 to index
          %swap3A_630 = arith.constant 32 : index
          %swap3A_631 = tpu.vector_load %arg7[%swap3A_629, %swap3A_630] {strides = array<i32>} : memref<128x128xf32, #tpu.memory_space<vmem>>, vector<1x16xf32>,
          %swap3A_632 = vector.shape_cast %swap3A_631 : vector<1x16xf32> to vector<16xf32>
          %swap3A_633 = vector.shape_cast %mul3A_628 : vector<16xf32> to vector<1x16xf32>
          tpu.vector_store %arg7[%swap3A_629, %swap3A_630], %swap3A_633 {strides = array<i32>} : memref<128x128xf32, #tpu.memory_space<vmem>>, vector<1x16xf32>,
          %get3A_634 = arith.index_cast %add3A_598 : i32 to index
          %get3A_635 = arith.constant 48 : index
          %get3A_636 = tpu.vector_load %arg7[%get3A_634, %get3A_635] {strides = array<i32>} : memref<128x128xf32, #tpu.memory_space<vmem>>, vector<1x16xf32>,
          %get3A_637 = vector.shape_cast %get3A_636 : vector<1x16xf32> to vector<16xf32>
          %mul3A_638 = vector.broadcast %squeeze3A_600 : f32 to vector<16xf32>
          %mul3A_639 = arith.mulf %get3A_637, %mul3A_638 : vector<16xf32>
          %swap3A_640 = arith.index_cast %add3A_598 : i32 to index
          %swap3A_641 = arith.constant 48 : index
          %swap3A_642 = tpu.vector_load %arg7[%swap3A_640, %swap3A_641] {strides = array<i32>} : memref<128x128xf32, #tpu.memory_space<vmem>>, vector<1x16xf32>,
          %swap3A_643 = vector.shape_cast %swap3A_642 : vector<1x16xf32> to vector<16xf32>
          %swap3A_644 = vector.shape_cast %mul3A_639 : vector<16xf32> to vector<1x16xf32>
          tpu.vector_store %arg7[%swap3A_640, %swap3A_641], %swap3A_644 {strides = array<i32>} : memref<128x128xf32, #tpu.memory_space<vmem>>, vector<1x16xf32>,
          %get3A_645 = arith.index_cast %add3A_598 : i32 to index
          %get3A_646 = arith.constant 64 : index
          %get3A_647 = tpu.vector_load %arg7[%get3A_645, %get3A_646] {strides = array<i32>} : memref<128x128xf32, #tpu.memory_space<vmem>>, vector<1x16xf32>,
          %get3A_648 = vector.shape_cast %get3A_647 : vector<1x16xf32> to vector<16xf32>
          %mul3A_649 = vector.broadcast %squeeze3A_600 : f32 to vector<16xf32>
          %mul3A_650 = arith.mulf %get3A_648, %mul3A_649 : vector<16xf32>
          %swap3A_651 = arith.index_cast %add3A_598 : i32 to index
          %swap3A_652 = arith.constant 64 : index
          %swap3A_653 = tpu.vector_load %arg7[%swap3A_651, %swap3A_652] {strides = array<i32>} : memref<128x128xf32, #tpu.memory_space<vmem>>, vector<1x16xf32>,
          %swap3A_654 = vector.shape_cast %swap3A_653 : vector<1x16xf32> to vector<16xf32>
          %swap3A_655 = vector.shape_cast %mul3A_650 : vector<16xf32> to vector<1x16xf32>
          tpu.vector_store %arg7[%swap3A_651, %swap3A_652], %swap3A_655 {strides = array<i32>} : memref<128x128xf32, #tpu.memory_space<vmem>>, vector<1x16xf32>,
          %get3A_656 = arith.index_cast %add3A_598 : i32 to index
          %get3A_657 = arith.constant 80 : index
          %get3A_658 = tpu.vector_load %arg7[%get3A_656, %get3A_657] {strides = array<i32>} : memref<128x128xf32, #tpu.memory_space<vmem>>, vector<1x16xf32>,
          %get3A_659 = vector.shape_cast %get3A_658 : vector<1x16xf32> to vector<16xf32>
          %mul3A_660 = vector.broadcast %squeeze3A_600 : f32 to vector<16xf32>
          %mul3A_661 = arith.mulf %get3A_659, %mul3A_660 : vector<16xf32>
          %swap3A_662 = arith.index_cast %add3A_598 : i32 to index
          %swap3A_663 = arith.constant 80 : index
          %swap3A_664 = tpu.vector_load %arg7[%swap3A_662, %swap3A_663] {strides = array<i32>} : memref<128x128xf32, #tpu.memory_space<vmem>>, vector<1x16xf32>,
          %swap3A_665 = vector.shape_cast %swap3A_664 : vector<1x16xf32> to vector<16xf32>
          %swap3A_666 = vector.shape_cast %mul3A_661 : vector<16xf32> to vector<1x16xf32>
          tpu.vector_store %arg7[%swap3A_662, %swap3A_663], %swap3A_666 {strides = array<i32>} : memref<128x128xf32, #tpu.memory_space<vmem>>, vector<1x16xf32>,
          %get3A_667 = arith.index_cast %add3A_598 : i32 to index
          %get3A_668 = arith.constant 96 : index
          %get3A_669 = tpu.vector_load %arg7[%get3A_667, %get3A_668] {strides = array<i32>} : memref<128x128xf32, #tpu.memory_space<vmem>>, vector<1x16xf32>,
          %get3A_670 = vector.shape_cast %get3A_669 : vector<1x16xf32> to vector<16xf32>
          %mul3A_671 = vector.broadcast %squeeze3A_600 : f32 to vector<16xf32>
          %mul3A_672 = arith.mulf %get3A_670, %mul3A_671 : vector<16xf32>
          %swap3A_673 = arith.index_cast %add3A_598 : i32 to index
          %swap3A_674 = arith.constant 96 : index
          %swap3A_675 = tpu.vector_load %arg7[%swap3A_673, %swap3A_674] {strides = array<i32>} : memref<128x128xf32, #tpu.memory_space<vmem>>, vector<1x16xf32>,
          %swap3A_676 = vector.shape_cast %swap3A_675 : vector<1x16xf32> to vector<16xf32>
          %swap3A_677 = vector.shape_cast %mul3A_672 : vector<16xf32> to vector<1x16xf32>
          tpu.vector_store %arg7[%swap3A_673, %swap3A_674], %swap3A_677 {strides = array<i32>} : memref<128x128xf32, #tpu.memory_space<vmem>>, vector<1x16xf32>,
          %get3A_678 = arith.index_cast %add3A_598 : i32 to index
          %get3A_679 = arith.constant 112 : index
          %get3A_680 = tpu.vector_load %arg7[%get3A_678, %get3A_679] {strides = array<i32>} : memref<128x128xf32, #tpu.memory_space<vmem>>, vector<1x16xf32>,
          %get3A_681 = vector.shape_cast %get3A_680 : vector<1x16xf32> to vector<16xf32>
          %mul3A_682 = vector.broadcast %squeeze3A_600 : f32 to vector<16xf32>
          %mul3A_683 = arith.mulf %get3A_681, %mul3A_682 : vector<16xf32>
          %swap3A_684 = arith.index_cast %add3A_598 : i32 to index
          %swap3A_685 = arith.constant 112 : index
          %swap3A_686 = tpu.vector_load %arg7[%swap3A_684, %swap3A_685] {strides = array<i32>} : memref<128x128xf32, #tpu.memory_space<vmem>>, vector<1x16xf32>,
          %swap3A_687 = vector.shape_cast %swap3A_686 : vector<1x16xf32> to vector<16xf32>
          %swap3A_688 = vector.shape_cast %mul3A_683 : vector<16xf32> to vector<1x16xf32>
          tpu.vector_store %arg7[%swap3A_684, %swap3A_685], %swap3A_688 {strides = array<i32>} : memref<128x128xf32, #tpu.memory_space<vmem>>, vector<1x16xf32>,
          %add3A_689 = arith.constant 6 : i32
          %add3A_690 = arith.addi %multiple_of3A_136, %add3A_689 : i32
          %slice3A_691 = vector.extract_strided_slice %get3A_139 {offsets = [6], sizes = [1], strides = [1]} : vector<16xf32> to vector<1xf32>
          %squeeze3A_692 = vector.extract %slice3A_691[0] : f32 from vector<1xf32>
          %get3A_693 = arith.index_cast %add3A_690 : i32 to index
          %get3A_694 = arith.constant 0 : index
          %get3A_695 = tpu.vector_load %arg7[%get3A_693, %get3A_694] {strides = array<i32>} : memref<128x128xf32, #tpu.memory_space<vmem>>, vector<1x16xf32>,
          %get3A_696 = vector.shape_cast %get3A_695 : vector<1x16xf32> to vector<16xf32>
          %mul3A_697 = vector.broadcast %squeeze3A_692 : f32 to vector<16xf32>
          %mul3A_698 = arith.mulf %get3A_696, %mul3A_697 : vector<16xf32>
          %swap3A_699 = arith.index_cast %add3A_690 : i32 to index
          %swap3A_700 = arith.constant 0 : index
          %swap3A_701 = tpu.vector_load %arg7[%swap3A_699, %swap3A_700] {strides = array<i32>} : memref<128x128xf32, #tpu.memory_space<vmem>>, vector<1x16xf32>,
          %swap3A_702 = vector.shape_cast %swap3A_701 : vector<1x16xf32> to vector<16xf32>
          %swap3A_703 = vector.shape_cast %mul3A_698 : vector<16xf32> to vector<1x16xf32>
          tpu.vector_store %arg7[%swap3A_699, %swap3A_700], %swap3A_703 {strides = array<i32>} : memref<128x128xf32, #tpu.memory_space<vmem>>, vector<1x16xf32>,
          %get3A_704 = arith.index_cast %add3A_690 : i32 to index
          %get3A_705 = arith.constant 16 : index
          %get3A_706 = tpu.vector_load %arg7[%get3A_704, %get3A_705] {strides = array<i32>} : memref<128x128xf32, #tpu.memory_space<vmem>>, vector<1x16xf32>,
          %get3A_707 = vector.shape_cast %get3A_706 : vector<1x16xf32> to vector<16xf32>
          %mul3A_708 = vector.broadcast %squeeze3A_692 : f32 to vector<16xf32>
          %mul3A_709 = arith.mulf %get3A_707, %mul3A_708 : vector<16xf32>
          %swap3A_710 = arith.index_cast %add3A_690 : i32 to index
          %swap3A_711 = arith.constant 16 : index
          %swap3A_712 = tpu.vector_load %arg7[%swap3A_710, %swap3A_711] {strides = array<i32>} : memref<128x128xf32, #tpu.memory_space<vmem>>, vector<1x16xf32>,
          %swap3A_713 = vector.shape_cast %swap3A_712 : vector<1x16xf32> to vector<16xf32>
          %swap3A_714 = vector.shape_cast %mul3A_709 : vector<16xf32> to vector<1x16xf32>
          tpu.vector_store %arg7[%swap3A_710, %swap3A_711], %swap3A_714 {strides = array<i32>} : memref<128x128xf32, #tpu.memory_space<vmem>>, vector<1x16xf32>,
          %get3A_715 = arith.index_cast %add3A_690 : i32 to index
          %get3A_716 = arith.constant 32 : index
          %get3A_717 = tpu.vector_load %arg7[%get3A_715, %get3A_716] {strides = array<i32>} : memref<128x128xf32, #tpu.memory_space<vmem>>, vector<1x16xf32>,
          %get3A_718 = vector.shape_cast %get3A_717 : vector<1x16xf32> to vector<16xf32>
          %mul3A_719 = vector.broadcast %squeeze3A_692 : f32 to vector<16xf32>
          %mul3A_720 = arith.mulf %get3A_718, %mul3A_719 : vector<16xf32>
          %swap3A_721 = arith.index_cast %add3A_690 : i32 to index
          %swap3A_722 = arith.constant 32 : index
          %swap3A_723 = tpu.vector_load %arg7[%swap3A_721, %swap3A_722] {strides = array<i32>} : memref<128x128xf32, #tpu.memory_space<vmem>>, vector<1x16xf32>,
          %swap3A_724 = vector.shape_cast %swap3A_723 : vector<1x16xf32> to vector<16xf32>
          %swap3A_725 = vector.shape_cast %mul3A_720 : vector<16xf32> to vector<1x16xf32>
          tpu.vector_store %arg7[%swap3A_721, %swap3A_722], %swap3A_725 {strides = array<i32>} : memref<128x128xf32, #tpu.memory_space<vmem>>, vector<1x16xf32>,
          %get3A_726 = arith.index_cast %add3A_690 : i32 to index
          %get3A_727 = arith.constant 48 : index
          %get3A_728 = tpu.vector_load %arg7[%get3A_726, %get3A_727] {strides = array<i32>} : memref<128x128xf32, #tpu.memory_space<vmem>>, vector<1x16xf32>,
          %get3A_729 = vector.shape_cast %get3A_728 : vector<1x16xf32> to vector<16xf32>
          %mul3A_730 = vector.broadcast %squeeze3A_692 : f32 to vector<16xf32>
          %mul3A_731 = arith.mulf %get3A_729, %mul3A_730 : vector<16xf32>
          %swap3A_732 = arith.index_cast %add3A_690 : i32 to index
          %swap3A_733 = arith.constant 48 : index
          %swap3A_734 = tpu.vector_load %arg7[%swap3A_732, %swap3A_733] {strides = array<i32>} : memref<128x128xf32, #tpu.memory_space<vmem>>, vector<1x16xf32>,
          %swap3A_735 = vector.shape_cast %swap3A_734 : vector<1x16xf32> to vector<16xf32>
          %swap3A_736 = vector.shape_cast %mul3A_731 : vector<16xf32> to vector<1x16xf32>
          tpu.vector_store %arg7[%swap3A_732, %swap3A_733], %swap3A_736 {strides = array<i32>} : memref<128x128xf32, #tpu.memory_space<vmem>>, vector<1x16xf32>,
          %get3A_737 = arith.index_cast %add3A_690 : i32 to index
          %get3A_738 = arith.constant 64 : index
          %get3A_739 = tpu.vector_load %arg7[%get3A_737, %get3A_738] {strides = array<i32>} : memref<128x128xf32, #tpu.memory_space<vmem>>, vector<1x16xf32>,
          %get3A_740 = vector.shape_cast %get3A_739 : vector<1x16xf32> to vector<16xf32>
          %mul3A_741 = vector.broadcast %squeeze3A_692 : f32 to vector<16xf32>
          %mul3A_742 = arith.mulf %get3A_740, %mul3A_741 : vector<16xf32>
          %swap3A_743 = arith.index_cast %add3A_690 : i32 to index
          %swap3A_744 = arith.constant 64 : index
          %swap3A_745 = tpu.vector_load %arg7[%swap3A_743, %swap3A_744] {strides = array<i32>} : memref<128x128xf32, #tpu.memory_space<vmem>>, vector<1x16xf32>,
          %swap3A_746 = vector.shape_cast %swap3A_745 : vector<1x16xf32> to vector<16xf32>
          %swap3A_747 = vector.shape_cast %mul3A_742 : vector<16xf32> to vector<1x16xf32>
          tpu.vector_store %arg7[%swap3A_743, %swap3A_744], %swap3A_747 {strides = array<i32>} : memref<128x128xf32, #tpu.memory_space<vmem>>, vector<1x16xf32>,
          %get3A_748 = arith.index_cast %add3A_690 : i32 to index
          %get3A_749 = arith.constant 80 : index
          %get3A_750 = tpu.vector_load %arg7[%get3A_748, %get3A_749] {strides = array<i32>} : memref<128x128xf32, #tpu.memory_space<vmem>>, vector<1x16xf32>,
          %get3A_751 = vector.shape_cast %get3A_750 : vector<1x16xf32> to vector<16xf32>
          %mul3A_752 = vector.broadcast %squeeze3A_692 : f32 to vector<16xf32>
          %mul3A_753 = arith.mulf %get3A_751, %mul3A_752 : vector<16xf32>
          %swap3A_754 = arith.index_cast %add3A_690 : i32 to index
          %swap3A_755 = arith.constant 80 : index
          %swap3A_756 = tpu.vector_load %arg7[%swap3A_754, %swap3A_755] {strides = array<i32>} : memref<128x128xf32, #tpu.memory_space<vmem>>, vector<1x16xf32>,
          %swap3A_757 = vector.shape_cast %swap3A_756 : vector<1x16xf32> to vector<16xf32>
          %swap3A_758 = vector.shape_cast %mul3A_753 : vector<16xf32> to vector<1x16xf32>
          tpu.vector_store %arg7[%swap3A_754, %swap3A_755], %swap3A_758 {strides = array<i32>} : memref<128x128xf32, #tpu.memory_space<vmem>>, vector<1x16xf32>,
          %get3A_759 = arith.index_cast %add3A_690 : i32 to index
          %get3A_760 = arith.constant 96 : index
          %get3A_761 = tpu.vector_load %arg7[%get3A_759, %get3A_760] {strides = array<i32>} : memref<128x128xf32, #tpu.memory_space<vmem>>, vector<1x16xf32>,
          %get3A_762 = vector.shape_cast %get3A_761 : vector<1x16xf32> to vector<16xf32>
          %mul3A_763 = vector.broadcast %squeeze3A_692 : f32 to vector<16xf32>
          %mul3A_764 = arith.mulf %get3A_762, %mul3A_763 : vector<16xf32>
          %swap3A_765 = arith.index_cast %add3A_690 : i32 to index
          %swap3A_766 = arith.constant 96 : index
          %swap3A_767 = tpu.vector_load %arg7[%swap3A_765, %swap3A_766] {strides = array<i32>} : memref<128x128xf32, #tpu.memory_space<vmem>>, vector<1x16xf32>,
          %swap3A_768 = vector.shape_cast %swap3A_767 : vector<1x16xf32> to vector<16xf32>
          %swap3A_769 = vector.shape_cast %mul3A_764 : vector<16xf32> to vector<1x16xf32>
          tpu.vector_store %arg7[%swap3A_765, %swap3A_766], %swap3A_769 {strides = array<i32>} : memref<128x128xf32, #tpu.memory_space<vmem>>, vector<1x16xf32>,
          %get3A_770 = arith.index_cast %add3A_690 : i32 to index
          %get3A_771 = arith.constant 112 : index
          %get3A_772 = tpu.vector_load %arg7[%get3A_770, %get3A_771] {strides = array<i32>} : memref<128x128xf32, #tpu.memory_space<vmem>>, vector<1x16xf32>,
          %get3A_773 = vector.shape_cast %get3A_772 : vector<1x16xf32> to vector<16xf32>
          %mul3A_774 = vector.broadcast %squeeze3A_692 : f32 to vector<16xf32>
          %mul3A_775 = arith.mulf %get3A_773, %mul3A_774 : vector<16xf32>
          %swap3A_776 = arith.index_cast %add3A_690 : i32 to index
          %swap3A_777 = arith.constant 112 : index
          %swap3A_778 = tpu.vector_load %arg7[%swap3A_776, %swap3A_777] {strides = array<i32>} : memref<128x128xf32, #tpu.memory_space<vmem>>, vector<1x16xf32>,
          %swap3A_779 = vector.shape_cast %swap3A_778 : vector<1x16xf32> to vector<16xf32>
          %swap3A_780 = vector.shape_cast %mul3A_775 : vector<16xf32> to vector<1x16xf32>
          tpu.vector_store %arg7[%swap3A_776, %swap3A_777], %swap3A_780 {strides = array<i32>} : memref<128x128xf32, #tpu.memory_space<vmem>>, vector<1x16xf32>,
          %add3A_781 = arith.constant 7 : i32
          %add3A_782 = arith.addi %multiple_of3A_136, %add3A_781 : i32
          %slice3A_783 = vector.extract_strided_slice %get3A_139 {offsets = [7], sizes = [1], strides = [1]} : vector<16xf32> to vector<1xf32>
          %squeeze3A_784 = vector.extract %slice3A_783[0] : f32 from vector<1xf32>
          %get3A_785 = arith.index_cast %add3A_782 : i32 to index
          %get3A_786 = arith.constant 0 : index
          %get3A_787 = tpu.vector_load %arg7[%get3A_785, %get3A_786] {strides = array<i32>} : memref<128x128xf32, #tpu.memory_space<vmem>>, vector<1x16xf32>,
          %get3A_788 = vector.shape_cast %get3A_787 : vector<1x16xf32> to vector<16xf32>
          %mul3A_789 = vector.broadcast %squeeze3A_784 : f32 to vector<16xf32>
          %mul3A_790 = arith.mulf %get3A_788, %mul3A_789 : vector<16xf32>
          %swap3A_791 = arith.index_cast %add3A_782 : i32 to index
          %swap3A_792 = arith.constant 0 : index
          %swap3A_793 = tpu.vector_load %arg7[%swap3A_791, %swap3A_792] {strides = array<i32>} : memref<128x128xf32, #tpu.memory_space<vmem>>, vector<1x16xf32>,
          %swap3A_794 = vector.shape_cast %swap3A_793 : vector<1x16xf32> to vector<16xf32>
          %swap3A_795 = vector.shape_cast %mul3A_790 : vector<16xf32> to vector<1x16xf32>
          tpu.vector_store %arg7[%swap3A_791, %swap3A_792], %swap3A_795 {strides = array<i32>} : memref<128x128xf32, #tpu.memory_space<vmem>>, vector<1x16xf32>,
          %get3A_796 = arith.index_cast %add3A_782 : i32 to index
          %get3A_797 = arith.constant 16 : index
          %get3A_798 = tpu.vector_load %arg7[%get3A_796, %get3A_797] {strides = array<i32>} : memref<128x128xf32, #tpu.memory_space<vmem>>, vector<1x16xf32>,
          %get3A_799 = vector.shape_cast %get3A_798 : vector<1x16xf32> to vector<16xf32>
          %mul3A_800 = vector.broadcast %squeeze3A_784 : f32 to vector<16xf32>
          %mul3A_801 = arith.mulf %get3A_799, %mul3A_800 : vector<16xf32>
          %swap3A_802 = arith.index_cast %add3A_782 : i32 to index
          %swap3A_803 = arith.constant 16 : index
          %swap3A_804 = tpu.vector_load %arg7[%swap3A_802, %swap3A_803] {strides = array<i32>} : memref<128x128xf32, #tpu.memory_space<vmem>>, vector<1x16xf32>,
          %swap3A_805 = vector.shape_cast %swap3A_804 : vector<1x16xf32> to vector<16xf32>
          %swap3A_806 = vector.shape_cast %mul3A_801 : vector<16xf32> to vector<1x16xf32>
          tpu.vector_store %arg7[%swap3A_802, %swap3A_803], %swap3A_806 {strides = array<i32>} : memref<128x128xf32, #tpu.memory_space<vmem>>, vector<1x16xf32>,
          %get3A_807 = arith.index_cast %add3A_782 : i32 to index
          %get3A_808 = arith.constant 32 : index
          %get3A_809 = tpu.vector_load %arg7[%get3A_807, %get3A_808] {strides = array<i32>} : memref<128x128xf32, #tpu.memory_space<vmem>>, vector<1x16xf32>,
          %get3A_810 = vector.shape_cast %get3A_809 : vector<1x16xf32> to vector<16xf32>
          %mul3A_811 = vector.broadcast %squeeze3A_784 : f32 to vector<16xf32>
          %mul3A_812 = arith.mulf %get3A_810, %mul3A_811 : vector<16xf32>
          %swap3A_813 = arith.index_cast %add3A_782 : i32 to index
          %swap3A_814 = arith.constant 32 : index
          %swap3A_815 = tpu.vector_load %arg7[%swap3A_813, %swap3A_814] {strides = array<i32>} : memref<128x128xf32, #tpu.memory_space<vmem>>, vector<1x16xf32>,
          %swap3A_816 = vector.shape_cast %swap3A_815 : vector<1x16xf32> to vector<16xf32>
          %swap3A_817 = vector.shape_cast %mul3A_812 : vector<16xf32> to vector<1x16xf32>
          tpu.vector_store %arg7[%swap3A_813, %swap3A_814], %swap3A_817 {strides = array<i32>} : memref<128x128xf32, #tpu.memory_space<vmem>>, vector<1x16xf32>,
          %get3A_818 = arith.index_cast %add3A_782 : i32 to index
          %get3A_819 = arith.constant 48 : index
          %get3A_820 = tpu.vector_load %arg7[%get3A_818, %get3A_819] {strides = array<i32>} : memref<128x128xf32, #tpu.memory_space<vmem>>, vector<1x16xf32>,
          %get3A_821 = vector.shape_cast %get3A_820 : vector<1x16xf32> to vector<16xf32>
          %mul3A_822 = vector.broadcast %squeeze3A_784 : f32 to vector<16xf32>
          %mul3A_823 = arith.mulf %get3A_821, %mul3A_822 : vector<16xf32>
          %swap3A_824 = arith.index_cast %add3A_782 : i32 to index
          %swap3A_825 = arith.constant 48 : index
          %swap3A_826 = tpu.vector_load %arg7[%swap3A_824, %swap3A_825] {strides = array<i32>} : memref<128x128xf32, #tpu.memory_space<vmem>>, vector<1x16xf32>,
          %swap3A_827 = vector.shape_cast %swap3A_826 : vector<1x16xf32> to vector<16xf32>
          %swap3A_828 = vector.shape_cast %mul3A_823 : vector<16xf32> to vector<1x16xf32>
          tpu.vector_store %arg7[%swap3A_824, %swap3A_825], %swap3A_828 {strides = array<i32>} : memref<128x128xf32, #tpu.memory_space<vmem>>, vector<1x16xf32>,
          %get3A_829 = arith.index_cast %add3A_782 : i32 to index
          %get3A_830 = arith.constant 64 : index
          %get3A_831 = tpu.vector_load %arg7[%get3A_829, %get3A_830] {strides = array<i32>} : memref<128x128xf32, #tpu.memory_space<vmem>>, vector<1x16xf32>,
          %get3A_832 = vector.shape_cast %get3A_831 : vector<1x16xf32> to vector<16xf32>
          %mul3A_833 = vector.broadcast %squeeze3A_784 : f32 to vector<16xf32>
          %mul3A_834 = arith.mulf %get3A_832, %mul3A_833 : vector<16xf32>
          %swap3A_835 = arith.index_cast %add3A_782 : i32 to index
          %swap3A_836 = arith.constant 64 : index
          %swap3A_837 = tpu.vector_load %arg7[%swap3A_835, %swap3A_836] {strides = array<i32>} : memref<128x128xf32, #tpu.memory_space<vmem>>, vector<1x16xf32>,
          %swap3A_838 = vector.shape_cast %swap3A_837 : vector<1x16xf32> to vector<16xf32>
          %swap3A_839 = vector.shape_cast %mul3A_834 : vector<16xf32> to vector<1x16xf32>
          tpu.vector_store %arg7[%swap3A_835, %swap3A_836], %swap3A_839 {strides = array<i32>} : memref<128x128xf32, #tpu.memory_space<vmem>>, vector<1x16xf32>,
          %get3A_840 = arith.index_cast %add3A_782 : i32 to index
          %get3A_841 = arith.constant 80 : index
          %get3A_842 = tpu.vector_load %arg7[%get3A_840, %get3A_841] {strides = array<i32>} : memref<128x128xf32, #tpu.memory_space<vmem>>, vector<1x16xf32>,
          %get3A_843 = vector.shape_cast %get3A_842 : vector<1x16xf32> to vector<16xf32>
          %mul3A_844 = vector.broadcast %squeeze3A_784 : f32 to vector<16xf32>
          %mul3A_845 = arith.mulf %get3A_843, %mul3A_844 : vector<16xf32>
          %swap3A_846 = arith.index_cast %add3A_782 : i32 to index
          %swap3A_847 = arith.constant 80 : index
          %swap3A_848 = tpu.vector_load %arg7[%swap3A_846, %swap3A_847] {strides = array<i32>} : memref<128x128xf32, #tpu.memory_space<vmem>>, vector<1x16xf32>,
          %swap3A_849 = vector.shape_cast %swap3A_848 : vector<1x16xf32> to vector<16xf32>
          %swap3A_850 = vector.shape_cast %mul3A_845 : vector<16xf32> to vector<1x16xf32>
          tpu.vector_store %arg7[%swap3A_846, %swap3A_847], %swap3A_850 {strides = array<i32>} : memref<128x128xf32, #tpu.memory_space<vmem>>, vector<1x16xf32>,
          %get3A_851 = arith.index_cast %add3A_782 : i32 to index
          %get3A_852 = arith.constant 96 : index
          %get3A_853 = tpu.vector_load %arg7[%get3A_851, %get3A_852] {strides = array<i32>} : memref<128x128xf32, #tpu.memory_space<vmem>>, vector<1x16xf32>,
          %get3A_854 = vector.shape_cast %get3A_853 : vector<1x16xf32> to vector<16xf32>
          %mul3A_855 = vector.broadcast %squeeze3A_784 : f32 to vector<16xf32>
          %mul3A_856 = arith.mulf %get3A_854, %mul3A_855 : vector<16xf32>
          %swap3A_857 = arith.index_cast %add3A_782 : i32 to index
          %swap3A_858 = arith.constant 96 : index
          %swap3A_859 = tpu.vector_load %arg7[%swap3A_857, %swap3A_858] {strides = array<i32>} : memref<128x128xf32, #tpu.memory_space<vmem>>, vector<1x16xf32>,
          %swap3A_860 = vector.shape_cast %swap3A_859 : vector<1x16xf32> to vector<16xf32>
          %swap3A_861 = vector.shape_cast %mul3A_856 : vector<16xf32> to vector<1x16xf32>
          tpu.vector_store %arg7[%swap3A_857, %swap3A_858], %swap3A_861 {strides = array<i32>} : memref<128x128xf32, #tpu.memory_space<vmem>>, vector<1x16xf32>,
          %get3A_862 = arith.index_cast %add3A_782 : i32 to index
          %get3A_863 = arith.constant 112 : index
          %get3A_864 = tpu.vector_load %arg7[%get3A_862, %get3A_863] {strides = array<i32>} : memref<128x128xf32, #tpu.memory_space<vmem>>, vector<1x16xf32>,
          %get3A_865 = vector.shape_cast %get3A_864 : vector<1x16xf32> to vector<16xf32>
          %mul3A_866 = vector.broadcast %squeeze3A_784 : f32 to vector<16xf32>
          %mul3A_867 = arith.mulf %get3A_865, %mul3A_866 : vector<16xf32>
          %swap3A_868 = arith.index_cast %add3A_782 : i32 to index
          %swap3A_869 = arith.constant 112 : index
          %swap3A_870 = tpu.vector_load %arg7[%swap3A_868, %swap3A_869] {strides = array<i32>} : memref<128x128xf32, #tpu.memory_space<vmem>>, vector<1x16xf32>,
          %swap3A_871 = vector.shape_cast %swap3A_870 : vector<1x16xf32> to vector<16xf32>
          %swap3A_872 = vector.shape_cast %mul3A_867 : vector<16xf32> to vector<1x16xf32>
          tpu.vector_store %arg7[%swap3A_868, %swap3A_869], %swap3A_872 {strides = array<i32>} : memref<128x128xf32, #tpu.memory_space<vmem>>, vector<1x16xf32>,
          %add3A_873 = arith.constant 8 : i32
          %add3A_874 = arith.addi %multiple_of3A_136, %add3A_873 : i32
          %slice3A_875 = vector.extract_strided_slice %get3A_139 {offsets = [8], sizes = [1], strides = [1]} : vector<16xf32> to vector<1xf32>
          %squeeze3A_876 = vector.extract %slice3A_875[0] : f32 from vector<1xf32>
          %get3A_877 = arith.index_cast %add3A_874 : i32 to index
          %get3A_878 = arith.constant 0 : index
          %get3A_879 = tpu.vector_load %arg7[%get3A_877, %get3A_878] {strides = array<i32>} : memref<128x128xf32, #tpu.memory_space<vmem>>, vector<1x16xf32>,
          %get3A_880 = vector.shape_cast %get3A_879 : vector<1x16xf32> to vector<16xf32>
          %mul3A_881 = vector.broadcast %squeeze3A_876 : f32 to vector<16xf32>
          %mul3A_882 = arith.mulf %get3A_880, %mul3A_881 : vector<16xf32>
          %swap3A_883 = arith.index_cast %add3A_874 : i32 to index
          %swap3A_884 = arith.constant 0 : index
          %swap3A_885 = tpu.vector_load %arg7[%swap3A_883, %swap3A_884] {strides = array<i32>} : memref<128x128xf32, #tpu.memory_space<vmem>>, vector<1x16xf32>,
          %swap3A_886 = vector.shape_cast %swap3A_885 : vector<1x16xf32> to vector<16xf32>
          %swap3A_887 = vector.shape_cast %mul3A_882 : vector<16xf32> to vector<1x16xf32>
          tpu.vector_store %arg7[%swap3A_883, %swap3A_884], %swap3A_887 {strides = array<i32>} : memref<128x128xf32, #tpu.memory_space<vmem>>, vector<1x16xf32>,
          %get3A_888 = arith.index_cast %add3A_874 : i32 to index
          %get3A_889 = arith.constant 16 : index
          %get3A_890 = tpu.vector_load %arg7[%get3A_888, %get3A_889] {strides = array<i32>} : memref<128x128xf32, #tpu.memory_space<vmem>>, vector<1x16xf32>,
          %get3A_891 = vector.shape_cast %get3A_890 : vector<1x16xf32> to vector<16xf32>
          %mul3A_892 = vector.broadcast %squeeze3A_876 : f32 to vector<16xf32>
          %mul3A_893 = arith.mulf %get3A_891, %mul3A_892 : vector<16xf32>
          %swap3A_894 = arith.index_cast %add3A_874 : i32 to index
          %swap3A_895 = arith.constant 16 : index
          %swap3A_896 = tpu.vector_load %arg7[%swap3A_894, %swap3A_895] {strides = array<i32>} : memref<128x128xf32, #tpu.memory_space<vmem>>, vector<1x16xf32>,
          %swap3A_897 = vector.shape_cast %swap3A_896 : vector<1x16xf32> to vector<16xf32>
          %swap3A_898 = vector.shape_cast %mul3A_893 : vector<16xf32> to vector<1x16xf32>
          tpu.vector_store %arg7[%swap3A_894, %swap3A_895], %swap3A_898 {strides = array<i32>} : memref<128x128xf32, #tpu.memory_space<vmem>>, vector<1x16xf32>,
          %get3A_899 = arith.index_cast %add3A_874 : i32 to index
          %get3A_900 = arith.constant 32 : index
          %get3A_901 = tpu.vector_load %arg7[%get3A_899, %get3A_900] {strides = array<i32>} : memref<128x128xf32, #tpu.memory_space<vmem>>, vector<1x16xf32>,
          %get3A_902 = vector.shape_cast %get3A_901 : vector<1x16xf32> to vector<16xf32>
          %mul3A_903 = vector.broadcast %squeeze3A_876 : f32 to vector<16xf32>
          %mul3A_904 = arith.mulf %get3A_902, %mul3A_903 : vector<16xf32>
          %swap3A_905 = arith.index_cast %add3A_874 : i32 to index
          %swap3A_906 = arith.constant 32 : index
          %swap3A_907 = tpu.vector_load %arg7[%swap3A_905, %swap3A_906] {strides = array<i32>} : memref<128x128xf32, #tpu.memory_space<vmem>>, vector<1x16xf32>,
          %swap3A_908 = vector.shape_cast %swap3A_907 : vector<1x16xf32> to vector<16xf32>
          %swap3A_909 = vector.shape_cast %mul3A_904 : vector<16xf32> to vector<1x16xf32>
          tpu.vector_store %arg7[%swap3A_905, %swap3A_906], %swap3A_909 {strides = array<i32>} : memref<128x128xf32, #tpu.memory_space<vmem>>, vector<1x16xf32>,
          %get3A_910 = arith.index_cast %add3A_874 : i32 to index
          %get3A_911 = arith.constant 48 : index
          %get3A_912 = tpu.vector_load %arg7[%get3A_910, %get3A_911] {strides = array<i32>} : memref<128x128xf32, #tpu.memory_space<vmem>>, vector<1x16xf32>,
          %get3A_913 = vector.shape_cast %get3A_912 : vector<1x16xf32> to vector<16xf32>
          %mul3A_914 = vector.broadcast %squeeze3A_876 : f32 to vector<16xf32>
          %mul3A_915 = arith.mulf %get3A_913, %mul3A_914 : vector<16xf32>
          %swap3A_916 = arith.index_cast %add3A_874 : i32 to index
          %swap3A_917 = arith.constant 48 : index
          %swap3A_918 = tpu.vector_load %arg7[%swap3A_916, %swap3A_917] {strides = array<i32>} : memref<128x128xf32, #tpu.memory_space<vmem>>, vector<1x16xf32>,
          %swap3A_919 = vector.shape_cast %swap3A_918 : vector<1x16xf32> to vector<16xf32>
          %swap3A_920 = vector.shape_cast %mul3A_915 : vector<16xf32> to vector<1x16xf32>
          tpu.vector_store %arg7[%swap3A_916, %swap3A_917], %swap3A_920 {strides = array<i32>} : memref<128x128xf32, #tpu.memory_space<vmem>>, vector<1x16xf32>,
          %get3A_921 = arith.index_cast %add3A_874 : i32 to index
          %get3A_922 = arith.constant 64 : index
          %get3A_923 = tpu.vector_load %arg7[%get3A_921, %get3A_922] {strides = array<i32>} : memref<128x128xf32, #tpu.memory_space<vmem>>, vector<1x16xf32>,
          %get3A_924 = vector.shape_cast %get3A_923 : vector<1x16xf32> to vector<16xf32>
          %mul3A_925 = vector.broadcast %squeeze3A_876 : f32 to vector<16xf32>
          %mul3A_926 = arith.mulf %get3A_924, %mul3A_925 : vector<16xf32>
          %swap3A_927 = arith.index_cast %add3A_874 : i32 to index
          %swap3A_928 = arith.constant 64 : index
          %swap3A_929 = tpu.vector_load %arg7[%swap3A_927, %swap3A_928] {strides = array<i32>} : memref<128x128xf32, #tpu.memory_space<vmem>>, vector<1x16xf32>,
          %swap3A_930 = vector.shape_cast %swap3A_929 : vector<1x16xf32> to vector<16xf32>
          %swap3A_931 = vector.shape_cast %mul3A_926 : vector<16xf32> to vector<1x16xf32>
          tpu.vector_store %arg7[%swap3A_927, %swap3A_928], %swap3A_931 {strides = array<i32>} : memref<128x128xf32, #tpu.memory_space<vmem>>, vector<1x16xf32>,
          %get3A_932 = arith.index_cast %add3A_874 : i32 to index
          %get3A_933 = arith.constant 80 : index
          %get3A_934 = tpu.vector_load %arg7[%get3A_932, %get3A_933] {strides = array<i32>} : memref<128x128xf32, #tpu.memory_space<vmem>>, vector<1x16xf32>,
          %get3A_935 = vector.shape_cast %get3A_934 : vector<1x16xf32> to vector<16xf32>
          %mul3A_936 = vector.broadcast %squeeze3A_876 : f32 to vector<16xf32>
          %mul3A_937 = arith.mulf %get3A_935, %mul3A_936 : vector<16xf32>
          %swap3A_938 = arith.index_cast %add3A_874 : i32 to index
          %swap3A_939 = arith.constant 80 : index
          %swap3A_940 = tpu.vector_load %arg7[%swap3A_938, %swap3A_939] {strides = array<i32>} : memref<128x128xf32, #tpu.memory_space<vmem>>, vector<1x16xf32>,
          %swap3A_941 = vector.shape_cast %swap3A_940 : vector<1x16xf32> to vector<16xf32>
          %swap3A_942 = vector.shape_cast %mul3A_937 : vector<16xf32> to vector<1x16xf32>
          tpu.vector_store %arg7[%swap3A_938, %swap3A_939], %swap3A_942 {strides = array<i32>} : memref<128x128xf32, #tpu.memory_space<vmem>>, vector<1x16xf32>,
          %get3A_943 = arith.index_cast %add3A_874 : i32 to index
          %get3A_944 = arith.constant 96 : index
          %get3A_945 = tpu.vector_load %arg7[%get3A_943, %get3A_944] {strides = array<i32>} : memref<128x128xf32, #tpu.memory_space<vmem>>, vector<1x16xf32>,
          %get3A_946 = vector.shape_cast %get3A_945 : vector<1x16xf32> to vector<16xf32>
          %mul3A_947 = vector.broadcast %squeeze3A_876 : f32 to vector<16xf32>
          %mul3A_948 = arith.mulf %get3A_946, %mul3A_947 : vector<16xf32>
          %swap3A_949 = arith.index_cast %add3A_874 : i32 to index
          %swap3A_950 = arith.constant 96 : index
          %swap3A_951 = tpu.vector_load %arg7[%swap3A_949, %swap3A_950] {strides = array<i32>} : memref<128x128xf32, #tpu.memory_space<vmem>>, vector<1x16xf32>,
          %swap3A_952 = vector.shape_cast %swap3A_951 : vector<1x16xf32> to vector<16xf32>
          %swap3A_953 = vector.shape_cast %mul3A_948 : vector<16xf32> to vector<1x16xf32>
          tpu.vector_store %arg7[%swap3A_949, %swap3A_950], %swap3A_953 {strides = array<i32>} : memref<128x128xf32, #tpu.memory_space<vmem>>, vector<1x16xf32>,
          %get3A_954 = arith.index_cast %add3A_874 : i32 to index
          %get3A_955 = arith.constant 112 : index
          %get3A_956 = tpu.vector_load %arg7[%get3A_954, %get3A_955] {strides = array<i32>} : memref<128x128xf32, #tpu.memory_space<vmem>>, vector<1x16xf32>,
          %get3A_957 = vector.shape_cast %get3A_956 : vector<1x16xf32> to vector<16xf32>
          %mul3A_958 = vector.broadcast %squeeze3A_876 : f32 to vector<16xf32>
          %mul3A_959 = arith.mulf %get3A_957, %mul3A_958 : vector<16xf32>
          %swap3A_960 = arith.index_cast %add3A_874 : i32 to index
          %swap3A_961 = arith.constant 112 : index
          %swap3A_962 = tpu.vector_load %arg7[%swap3A_960, %swap3A_961] {strides = array<i32>} : memref<128x128xf32, #tpu.memory_space<vmem>>, vector<1x16xf32>,
          %swap3A_963 = vector.shape_cast %swap3A_962 : vector<1x16xf32> to vector<16xf32>
          %swap3A_964 = vector.shape_cast %mul3A_959 : vector<16xf32> to vector<1x16xf32>
          tpu.vector_store %arg7[%swap3A_960, %swap3A_961], %swap3A_964 {strides = array<i32>} : memref<128x128xf32, #tpu.memory_space<vmem>>, vector<1x16xf32>,
          %add3A_965 = arith.constant 9 : i32
          %add3A_966 = arith.addi %multiple_of3A_136, %add3A_965 : i32
          %slice3A_967 = vector.extract_strided_slice %get3A_139 {offsets = [9], sizes = [1], strides = [1]} : vector<16xf32> to vector<1xf32>
          %squeeze3A_968 = vector.extract %slice3A_967[0] : f32 from vector<1xf32>
          %get3A_969 = arith.index_cast %add3A_966 : i32 to index
          %get3A_970 = arith.constant 0 : index
          %get3A_971 = tpu.vector_load %arg7[%get3A_969, %get3A_970] {strides = array<i32>} : memref<128x128xf32, #tpu.memory_space<vmem>>, vector<1x16xf32>,
          %get3A_972 = vector.shape_cast %get3A_971 : vector<1x16xf32> to vector<16xf32>
          %mul3A_973 = vector.broadcast %squeeze3A_968 : f32 to vector<16xf32>
          %mul3A_974 = arith.mulf %get3A_972, %mul3A_973 : vector<16xf32>
          %swap3A_975 = arith.index_cast %add3A_966 : i32 to index
          %swap3A_976 = arith.constant 0 : index
          %swap3A_977 = tpu.vector_load %arg7[%swap3A_975, %swap3A_976] {strides = array<i32>} : memref<128x128xf32, #tpu.memory_space<vmem>>, vector<1x16xf32>,
          %swap3A_978 = vector.shape_cast %swap3A_977 : vector<1x16xf32> to vector<16xf32>
          %swap3A_979 = vector.shape_cast %mul3A_974 : vector<16xf32> to vector<1x16xf32>
          tpu.vector_store %arg7[%swap3A_975, %swap3A_976], %swap3A_979 {strides = array<i32>} : memref<128x128xf32, #tpu.memory_space<vmem>>, vector<1x16xf32>,
          %get3A_980 = arith.index_cast %add3A_966 : i32 to index
          %get3A_981 = arith.constant 16 : index
          %get3A_982 = tpu.vector_load %arg7[%get3A_980, %get3A_981] {strides = array<i32>} : memref<128x128xf32, #tpu.memory_space<vmem>>, vector<1x16xf32>,
          %get3A_983 = vector.shape_cast %get3A_982 : vector<1x16xf32> to vector<16xf32>
          %mul3A_984 = vector.broadcast %squeeze3A_968 : f32 to vector<16xf32>
          %mul3A_985 = arith.mulf %get3A_983, %mul3A_984 : vector<16xf32>
          %swap3A_986 = arith.index_cast %add3A_966 : i32 to index
          %swap3A_987 = arith.constant 16 : index
          %swap3A_988 = tpu.vector_load %arg7[%swap3A_986, %swap3A_987] {strides = array<i32>} : memref<128x128xf32, #tpu.memory_space<vmem>>, vector<1x16xf32>,
          %swap3A_989 = vector.shape_cast %swap3A_988 : vector<1x16xf32> to vector<16xf32>
          %swap3A_990 = vector.shape_cast %mul3A_985 : vector<16xf32> to vector<1x16xf32>
          tpu.vector_store %arg7[%swap3A_986, %swap3A_987], %swap3A_990 {strides = array<i32>} : memref<128x128xf32, #tpu.memory_space<vmem>>, vector<1x16xf32>,
          %get3A_991 = arith.index_cast %add3A_966 : i32 to index
          %get3A_992 = arith.constant 32 : index
          %get3A_993 = tpu.vector_load %arg7[%get3A_991, %get3A_992] {strides = array<i32>} : memref<128x128xf32, #tpu.memory_space<vmem>>, vector<1x16xf32>,
          %get3A_994 = vector.shape_cast %get3A_993 : vector<1x16xf32> to vector<16xf32>
          %mul3A_995 = vector.broadcast %squeeze3A_968 : f32 to vector<16xf32>
          %mul3A_996 = arith.mulf %get3A_994, %mul3A_995 : vector<16xf32>
          %swap3A_997 = arith.index_cast %add3A_966 : i32 to index
          %swap3A_998 = arith.constant 32 : index
          %swap3A_999 = tpu.vector_load %arg7[%swap3A_997, %swap3A_998] {strides = array<i32>} : memref<128x128xf32, #tpu.memory_space<vmem>>, vector<1x16xf32>,
          %swap3A_1000 = vector.shape_cast %swap3A_999 : vector<1x16xf32> to vector<16xf32>
          %swap3A_1001 = vector.shape_cast %mul3A_996 : vector<16xf32> to vector<1x16xf32>
          tpu.vector_store %arg7[%swap3A_997, %swap3A_998], %swap3A_1001 {strides = array<i32>} : memref<128x128xf32, #tpu.memory_space<vmem>>, vector<1x16xf32>,
          %get3A_1002 = arith.index_cast %add3A_966 : i32 to index
          %get3A_1003 = arith.constant 48 : index
          %get3A_1004 = tpu.vector_load %arg7[%get3A_1002, %get3A_1003] {strides = array<i32>} : memref<128x128xf32, #tpu.memory_space<vmem>>, vector<1x16xf32>,
          %get3A_1005 = vector.shape_cast %get3A_1004 : vector<1x16xf32> to vector<16xf32>
          %mul3A_1006 = vector.broadcast %squeeze3A_968 : f32 to vector<16xf32>
          %mul3A_1007 = arith.mulf %get3A_1005, %mul3A_1006 : vector<16xf32>
          %swap3A_1008 = arith.index_cast %add3A_966 : i32 to index
          %swap3A_1009 = arith.constant 48 : index
          %swap3A_1010 = tpu.vector_load %arg7[%swap3A_1008, %swap3A_1009] {strides = array<i32>} : memref<128x128xf32, #tpu.memory_space<vmem>>, vector<1x16xf32>,
          %swap3A_1011 = vector.shape_cast %swap3A_1010 : vector<1x16xf32> to vector<16xf32>
          %swap3A_1012 = vector.shape_cast %mul3A_1007 : vector<16xf32> to vector<1x16xf32>
          tpu.vector_store %arg7[%swap3A_1008, %swap3A_1009], %swap3A_1012 {strides = array<i32>} : memref<128x128xf32, #tpu.memory_space<vmem>>, vector<1x16xf32>,
          %get3A_1013 = arith.index_cast %add3A_966 : i32 to index
          %get3A_1014 = arith.constant 64 : index
          %get3A_1015 = tpu.vector_load %arg7[%get3A_1013, %get3A_1014] {strides = array<i32>} : memref<128x128xf32, #tpu.memory_space<vmem>>, vector<1x16xf32>,
          %get3A_1016 = vector.shape_cast %get3A_1015 : vector<1x16xf32> to vector<16xf32>
          %mul3A_1017 = vector.broadcast %squeeze3A_968 : f32 to vector<16xf32>
          %mul3A_1018 = arith.mulf %get3A_1016, %mul3A_1017 : vector<16xf32>
          %swap3A_1019 = arith.index_cast %add3A_966 : i32 to index
          %swap3A_1020 = arith.constant 64 : index
          %swap3A_1021 = tpu.vector_load %arg7[%swap3A_1019, %swap3A_1020] {strides = array<i32>} : memref<128x128xf32, #tpu.memory_space<vmem>>, vector<1x16xf32>,
          %swap3A_1022 = vector.shape_cast %swap3A_1021 : vector<1x16xf32> to vector<16xf32>
          %swap3A_1023 = vector.shape_cast %mul3A_1018 : vector<16xf32> to vector<1x16xf32>
          tpu.vector_store %arg7[%swap3A_1019, %swap3A_1020], %swap3A_1023 {strides = array<i32>} : memref<128x128xf32, #tpu.memory_space<vmem>>, vector<1x16xf32>,
          %get3A_1024 = arith.index_cast %add3A_966 : i32 to index
          %get3A_1025 = arith.constant 80 : index
          %get3A_1026 = tpu.vector_load %arg7[%get3A_1024, %get3A_1025] {strides = array<i32>} : memref<128x128xf32, #tpu.memory_space<vmem>>, vector<1x16xf32>,
          %get3A_1027 = vector.shape_cast %get3A_1026 : vector<1x16xf32> to vector<16xf32>
          %mul3A_1028 = vector.broadcast %squeeze3A_968 : f32 to vector<16xf32>
          %mul3A_1029 = arith.mulf %get3A_1027, %mul3A_1028 : vector<16xf32>
          %swap3A_1030 = arith.index_cast %add3A_966 : i32 to index
          %swap3A_1031 = arith.constant 80 : index
          %swap3A_1032 = tpu.vector_load %arg7[%swap3A_1030, %swap3A_1031] {strides = array<i32>} : memref<128x128xf32, #tpu.memory_space<vmem>>, vector<1x16xf32>,
          %swap3A_1033 = vector.shape_cast %swap3A_1032 : vector<1x16xf32> to vector<16xf32>
          %swap3A_1034 = vector.shape_cast %mul3A_1029 : vector<16xf32> to vector<1x16xf32>
          tpu.vector_store %arg7[%swap3A_1030, %swap3A_1031], %swap3A_1034 {strides = array<i32>} : memref<128x128xf32, #tpu.memory_space<vmem>>, vector<1x16xf32>,
          %get3A_1035 = arith.index_cast %add3A_966 : i32 to index
          %get3A_1036 = arith.constant 96 : index
          %get3A_1037 = tpu.vector_load %arg7[%get3A_1035, %get3A_1036] {strides = array<i32>} : memref<128x128xf32, #tpu.memory_space<vmem>>, vector<1x16xf32>,
          %get3A_1038 = vector.shape_cast %get3A_1037 : vector<1x16xf32> to vector<16xf32>
          %mul3A_1039 = vector.broadcast %squeeze3A_968 : f32 to vector<16xf32>
          %mul3A_1040 = arith.mulf %get3A_1038, %mul3A_1039 : vector<16xf32>
          %swap3A_1041 = arith.index_cast %add3A_966 : i32 to index
          %swap3A_1042 = arith.constant 96 : index
          %swap3A_1043 = tpu.vector_load %arg7[%swap3A_1041, %swap3A_1042] {strides = array<i32>} : memref<128x128xf32, #tpu.memory_space<vmem>>, vector<1x16xf32>,
          %swap3A_1044 = vector.shape_cast %swap3A_1043 : vector<1x16xf32> to vector<16xf32>
          %swap3A_1045 = vector.shape_cast %mul3A_1040 : vector<16xf32> to vector<1x16xf32>
          tpu.vector_store %arg7[%swap3A_1041, %swap3A_1042], %swap3A_1045 {strides = array<i32>} : memref<128x128xf32, #tpu.memory_space<vmem>>, vector<1x16xf32>,
          %get3A_1046 = arith.index_cast %add3A_966 : i32 to index
          %get3A_1047 = arith.constant 112 : index
          %get3A_1048 = tpu.vector_load %arg7[%get3A_1046, %get3A_1047] {strides = array<i32>} : memref<128x128xf32, #tpu.memory_space<vmem>>, vector<1x16xf32>,
          %get3A_1049 = vector.shape_cast %get3A_1048 : vector<1x16xf32> to vector<16xf32>
          %mul3A_1050 = vector.broadcast %squeeze3A_968 : f32 to vector<16xf32>
          %mul3A_1051 = arith.mulf %get3A_1049, %mul3A_1050 : vector<16xf32>
          %swap3A_1052 = arith.index_cast %add3A_966 : i32 to index
          %swap3A_1053 = arith.constant 112 : index
          %swap3A_1054 = tpu.vector_load %arg7[%swap3A_1052, %swap3A_1053] {strides = array<i32>} : memref<128x128xf32, #tpu.memory_space<vmem>>, vector<1x16xf32>,
          %swap3A_1055 = vector.shape_cast %swap3A_1054 : vector<1x16xf32> to vector<16xf32>
          %swap3A_1056 = vector.shape_cast %mul3A_1051 : vector<16xf32> to vector<1x16xf32>
          tpu.vector_store %arg7[%swap3A_1052, %swap3A_1053], %swap3A_1056 {strides = array<i32>} : memref<128x128xf32, #tpu.memory_space<vmem>>, vector<1x16xf32>,
          %add3A_1057 = arith.constant 10 : i32
          %add3A_1058 = arith.addi %multiple_of3A_136, %add3A_1057 : i32
          %slice3A_1059 = vector.extract_strided_slice %get3A_139 {offsets = [10], sizes = [1], strides = [1]} : vector<16xf32> to vector<1xf32>
          %squeeze3A_1060 = vector.extract %slice3A_1059[0] : f32 from vector<1xf32>
          %get3A_1061 = arith.index_cast %add3A_1058 : i32 to index
          %get3A_1062 = arith.constant 0 : index
          %get3A_1063 = tpu.vector_load %arg7[%get3A_1061, %get3A_1062] {strides = array<i32>} : memref<128x128xf32, #tpu.memory_space<vmem>>, vector<1x16xf32>,
          %get3A_1064 = vector.shape_cast %get3A_1063 : vector<1x16xf32> to vector<16xf32>
          %mul3A_1065 = vector.broadcast %squeeze3A_1060 : f32 to vector<16xf32>
          %mul3A_1066 = arith.mulf %get3A_1064, %mul3A_1065 : vector<16xf32>
          %swap3A_1067 = arith.index_cast %add3A_1058 : i32 to index
          %swap3A_1068 = arith.constant 0 : index
          %swap3A_1069 = tpu.vector_load %arg7[%swap3A_1067, %swap3A_1068] {strides = array<i32>} : memref<128x128xf32, #tpu.memory_space<vmem>>, vector<1x16xf32>,
          %swap3A_1070 = vector.shape_cast %swap3A_1069 : vector<1x16xf32> to vector<16xf32>
          %swap3A_1071 = vector.shape_cast %mul3A_1066 : vector<16xf32> to vector<1x16xf32>
          tpu.vector_store %arg7[%swap3A_1067, %swap3A_1068], %swap3A_1071 {strides = array<i32>} : memref<128x128xf32, #tpu.memory_space<vmem>>, vector<1x16xf32>,
          %get3A_1072 = arith.index_cast %add3A_1058 : i32 to index
          %get3A_1073 = arith.constant 16 : index
          %get3A_1074 = tpu.vector_load %arg7[%get3A_1072, %get3A_1073] {strides = array<i32>} : memref<128x128xf32, #tpu.memory_space<vmem>>, vector<1x16xf32>,
          %get3A_1075 = vector.shape_cast %get3A_1074 : vector<1x16xf32> to vector<16xf32>
          %mul3A_1076 = vector.broadcast %squeeze3A_1060 : f32 to vector<16xf32>
          %mul3A_1077 = arith.mulf %get3A_1075, %mul3A_1076 : vector<16xf32>
          %swap3A_1078 = arith.index_cast %add3A_1058 : i32 to index
          %swap3A_1079 = arith.constant 16 : index
          %swap3A_1080 = tpu.vector_load %arg7[%swap3A_1078, %swap3A_1079] {strides = array<i32>} : memref<128x128xf32, #tpu.memory_space<vmem>>, vector<1x16xf32>,
          %swap3A_1081 = vector.shape_cast %swap3A_1080 : vector<1x16xf32> to vector<16xf32>
          %swap3A_1082 = vector.shape_cast %mul3A_1077 : vector<16xf32> to vector<1x16xf32>
          tpu.vector_store %arg7[%swap3A_1078, %swap3A_1079], %swap3A_1082 {strides = array<i32>} : memref<128x128xf32, #tpu.memory_space<vmem>>, vector<1x16xf32>,
          %get3A_1083 = arith.index_cast %add3A_1058 : i32 to index
          %get3A_1084 = arith.constant 32 : index
          %get3A_1085 = tpu.vector_load %arg7[%get3A_1083, %get3A_1084] {strides = array<i32>} : memref<128x128xf32, #tpu.memory_space<vmem>>, vector<1x16xf32>,
          %get3A_1086 = vector.shape_cast %get3A_1085 : vector<1x16xf32> to vector<16xf32>
          %mul3A_1087 = vector.broadcast %squeeze3A_1060 : f32 to vector<16xf32>
          %mul3A_1088 = arith.mulf %get3A_1086, %mul3A_1087 : vector<16xf32>
          %swap3A_1089 = arith.index_cast %add3A_1058 : i32 to index
          %swap3A_1090 = arith.constant 32 : index
          %swap3A_1091 = tpu.vector_load %arg7[%swap3A_1089, %swap3A_1090] {strides = array<i32>} : memref<128x128xf32, #tpu.memory_space<vmem>>, vector<1x16xf32>,
          %swap3A_1092 = vector.shape_cast %swap3A_1091 : vector<1x16xf32> to vector<16xf32>
          %swap3A_1093 = vector.shape_cast %mul3A_1088 : vector<16xf32> to vector<1x16xf32>
          tpu.vector_store %arg7[%swap3A_1089, %swap3A_1090], %swap3A_1093 {strides = array<i32>} : memref<128x128xf32, #tpu.memory_space<vmem>>, vector<1x16xf32>,
          %get3A_1094 = arith.index_cast %add3A_1058 : i32 to index
          %get3A_1095 = arith.constant 48 : index
          %get3A_1096 = tpu.vector_load %arg7[%get3A_1094, %get3A_1095] {strides = array<i32>} : memref<128x128xf32, #tpu.memory_space<vmem>>, vector<1x16xf32>,
          %get3A_1097 = vector.shape_cast %get3A_1096 : vector<1x16xf32> to vector<16xf32>
          %mul3A_1098 = vector.broadcast %squeeze3A_1060 : f32 to vector<16xf32>
          %mul3A_1099 = arith.mulf %get3A_1097, %mul3A_1098 : vector<16xf32>
          %swap3A_1100 = arith.index_cast %add3A_1058 : i32 to index
          %swap3A_1101 = arith.constant 48 : index
          %swap3A_1102 = tpu.vector_load %arg7[%swap3A_1100, %swap3A_1101] {strides = array<i32>} : memref<128x128xf32, #tpu.memory_space<vmem>>, vector<1x16xf32>,
          %swap3A_1103 = vector.shape_cast %swap3A_1102 : vector<1x16xf32> to vector<16xf32>
          %swap3A_1104 = vector.shape_cast %mul3A_1099 : vector<16xf32> to vector<1x16xf32>
          tpu.vector_store %arg7[%swap3A_1100, %swap3A_1101], %swap3A_1104 {strides = array<i32>} : memref<128x128xf32, #tpu.memory_space<vmem>>, vector<1x16xf32>,
          %get3A_1105 = arith.index_cast %add3A_1058 : i32 to index
          %get3A_1106 = arith.constant 64 : index
          %get3A_1107 = tpu.vector_load %arg7[%get3A_1105, %get3A_1106] {strides = array<i32>} : memref<128x128xf32, #tpu.memory_space<vmem>>, vector<1x16xf32>,
          %get3A_1108 = vector.shape_cast %get3A_1107 : vector<1x16xf32> to vector<16xf32>
          %mul3A_1109 = vector.broadcast %squeeze3A_1060 : f32 to vector<16xf32>
          %mul3A_1110 = arith.mulf %get3A_1108, %mul3A_1109 : vector<16xf32>
          %swap3A_1111 = arith.index_cast %add3A_1058 : i32 to index
          %swap3A_1112 = arith.constant 64 : index
          %swap3A_1113 = tpu.vector_load %arg7[%swap3A_1111, %swap3A_1112] {strides = array<i32>} : memref<128x128xf32, #tpu.memory_space<vmem>>, vector<1x16xf32>,
          %swap3A_1114 = vector.shape_cast %swap3A_1113 : vector<1x16xf32> to vector<16xf32>
          %swap3A_1115 = vector.shape_cast %mul3A_1110 : vector<16xf32> to vector<1x16xf32>
          tpu.vector_store %arg7[%swap3A_1111, %swap3A_1112], %swap3A_1115 {strides = array<i32>} : memref<128x128xf32, #tpu.memory_space<vmem>>, vector<1x16xf32>,
          %get3A_1116 = arith.index_cast %add3A_1058 : i32 to index
          %get3A_1117 = arith.constant 80 : index
          %get3A_1118 = tpu.vector_load %arg7[%get3A_1116, %get3A_1117] {strides = array<i32>} : memref<128x128xf32, #tpu.memory_space<vmem>>, vector<1x16xf32>,
          %get3A_1119 = vector.shape_cast %get3A_1118 : vector<1x16xf32> to vector<16xf32>
          %mul3A_1120 = vector.broadcast %squeeze3A_1060 : f32 to vector<16xf32>
          %mul3A_1121 = arith.mulf %get3A_1119, %mul3A_1120 : vector<16xf32>
          %swap3A_1122 = arith.index_cast %add3A_1058 : i32 to index
          %swap3A_1123 = arith.constant 80 : index
          %swap3A_1124 = tpu.vector_load %arg7[%swap3A_1122, %swap3A_1123] {strides = array<i32>} : memref<128x128xf32, #tpu.memory_space<vmem>>, vector<1x16xf32>,
          %swap3A_1125 = vector.shape_cast %swap3A_1124 : vector<1x16xf32> to vector<16xf32>
          %swap3A_1126 = vector.shape_cast %mul3A_1121 : vector<16xf32> to vector<1x16xf32>
          tpu.vector_store %arg7[%swap3A_1122, %swap3A_1123], %swap3A_1126 {strides = array<i32>} : memref<128x128xf32, #tpu.memory_space<vmem>>, vector<1x16xf32>,
          %get3A_1127 = arith.index_cast %add3A_1058 : i32 to index
          %get3A_1128 = arith.constant 96 : index
          %get3A_1129 = tpu.vector_load %arg7[%get3A_1127, %get3A_1128] {strides = array<i32>} : memref<128x128xf32, #tpu.memory_space<vmem>>, vector<1x16xf32>,
          %get3A_1130 = vector.shape_cast %get3A_1129 : vector<1x16xf32> to vector<16xf32>
          %mul3A_1131 = vector.broadcast %squeeze3A_1060 : f32 to vector<16xf32>
          %mul3A_1132 = arith.mulf %get3A_1130, %mul3A_1131 : vector<16xf32>
          %swap3A_1133 = arith.index_cast %add3A_1058 : i32 to index
          %swap3A_1134 = arith.constant 96 : index
          %swap3A_1135 = tpu.vector_load %arg7[%swap3A_1133, %swap3A_1134] {strides = array<i32>} : memref<128x128xf32, #tpu.memory_space<vmem>>, vector<1x16xf32>,
          %swap3A_1136 = vector.shape_cast %swap3A_1135 : vector<1x16xf32> to vector<16xf32>
          %swap3A_1137 = vector.shape_cast %mul3A_1132 : vector<16xf32> to vector<1x16xf32>
          tpu.vector_store %arg7[%swap3A_1133, %swap3A_1134], %swap3A_1137 {strides = array<i32>} : memref<128x128xf32, #tpu.memory_space<vmem>>, vector<1x16xf32>,
          %get3A_1138 = arith.index_cast %add3A_1058 : i32 to index
          %get3A_1139 = arith.constant 112 : index
          %get3A_1140 = tpu.vector_load %arg7[%get3A_1138, %get3A_1139] {strides = array<i32>} : memref<128x128xf32, #tpu.memory_space<vmem>>, vector<1x16xf32>,
          %get3A_1141 = vector.shape_cast %get3A_1140 : vector<1x16xf32> to vector<16xf32>
          %mul3A_1142 = vector.broadcast %squeeze3A_1060 : f32 to vector<16xf32>
          %mul3A_1143 = arith.mulf %get3A_1141, %mul3A_1142 : vector<16xf32>
          %swap3A_1144 = arith.index_cast %add3A_1058 : i32 to index
          %swap3A_1145 = arith.constant 112 : index
          %swap3A_1146 = tpu.vector_load %arg7[%swap3A_1144, %swap3A_1145] {strides = array<i32>} : memref<128x128xf32, #tpu.memory_space<vmem>>, vector<1x16xf32>,
          %swap3A_1147 = vector.shape_cast %swap3A_1146 : vector<1x16xf32> to vector<16xf32>
          %swap3A_1148 = vector.shape_cast %mul3A_1143 : vector<16xf32> to vector<1x16xf32>
          tpu.vector_store %arg7[%swap3A_1144, %swap3A_1145], %swap3A_1148 {strides = array<i32>} : memref<128x128xf32, #tpu.memory_space<vmem>>, vector<1x16xf32>,
          %add3A_1149 = arith.constant 11 : i32
          %add3A_1150 = arith.addi %multiple_of3A_136, %add3A_1149 : i32
          %slice3A_1151 = vector.extract_strided_slice %get3A_139 {offsets = [11], sizes = [1], strides = [1]} : vector<16xf32> to vector<1xf32>
          %squeeze3A_1152 = vector.extract %slice3A_1151[0] : f32 from vector<1xf32>
          %get3A_1153 = arith.index_cast %add3A_1150 : i32 to index
          %get3A_1154 = arith.constant 0 : index
          %get3A_1155 = tpu.vector_load %arg7[%get3A_1153, %get3A_1154] {strides = array<i32>} : memref<128x128xf32, #tpu.memory_space<vmem>>, vector<1x16xf32>,
          %get3A_1156 = vector.shape_cast %get3A_1155 : vector<1x16xf32> to vector<16xf32>
          %mul3A_1157 = vector.broadcast %squeeze3A_1152 : f32 to vector<16xf32>
          %mul3A_1158 = arith.mulf %get3A_1156, %mul3A_1157 : vector<16xf32>
          %swap3A_1159 = arith.index_cast %add3A_1150 : i32 to index
          %swap3A_1160 = arith.constant 0 : index
          %swap3A_1161 = tpu.vector_load %arg7[%swap3A_1159, %swap3A_1160] {strides = array<i32>} : memref<128x128xf32, #tpu.memory_space<vmem>>, vector<1x16xf32>,
          %swap3A_1162 = vector.shape_cast %swap3A_1161 : vector<1x16xf32> to vector<16xf32>
          %swap3A_1163 = vector.shape_cast %mul3A_1158 : vector<16xf32> to vector<1x16xf32>
          tpu.vector_store %arg7[%swap3A_1159, %swap3A_1160], %swap3A_1163 {strides = array<i32>} : memref<128x128xf32, #tpu.memory_space<vmem>>, vector<1x16xf32>,
          %get3A_1164 = arith.index_cast %add3A_1150 : i32 to index
          %get3A_1165 = arith.constant 16 : index
          %get3A_1166 = tpu.vector_load %arg7[%get3A_1164, %get3A_1165] {strides = array<i32>} : memref<128x128xf32, #tpu.memory_space<vmem>>, vector<1x16xf32>,
          %get3A_1167 = vector.shape_cast %get3A_1166 : vector<1x16xf32> to vector<16xf32>
          %mul3A_1168 = vector.broadcast %squeeze3A_1152 : f32 to vector<16xf32>
          %mul3A_1169 = arith.mulf %get3A_1167, %mul3A_1168 : vector<16xf32>
          %swap3A_1170 = arith.index_cast %add3A_1150 : i32 to index
          %swap3A_1171 = arith.constant 16 : index
          %swap3A_1172 = tpu.vector_load %arg7[%swap3A_1170, %swap3A_1171] {strides = array<i32>} : memref<128x128xf32, #tpu.memory_space<vmem>>, vector<1x16xf32>,
          %swap3A_1173 = vector.shape_cast %swap3A_1172 : vector<1x16xf32> to vector<16xf32>
          %swap3A_1174 = vector.shape_cast %mul3A_1169 : vector<16xf32> to vector<1x16xf32>
          tpu.vector_store %arg7[%swap3A_1170, %swap3A_1171], %swap3A_1174 {strides = array<i32>} : memref<128x128xf32, #tpu.memory_space<vmem>>, vector<1x16xf32>,
          %get3A_1175 = arith.index_cast %add3A_1150 : i32 to index
          %get3A_1176 = arith.constant 32 : index
          %get3A_1177 = tpu.vector_load %arg7[%get3A_1175, %get3A_1176] {strides = array<i32>} : memref<128x128xf32, #tpu.memory_space<vmem>>, vector<1x16xf32>,
          %get3A_1178 = vector.shape_cast %get3A_1177 : vector<1x16xf32> to vector<16xf32>
          %mul3A_1179 = vector.broadcast %squeeze3A_1152 : f32 to vector<16xf32>
          %mul3A_1180 = arith.mulf %get3A_1178, %mul3A_1179 : vector<16xf32>
          %swap3A_1181 = arith.index_cast %add3A_1150 : i32 to index
          %swap3A_1182 = arith.constant 32 : index
          %swap3A_1183 = tpu.vector_load %arg7[%swap3A_1181, %swap3A_1182] {strides = array<i32>} : memref<128x128xf32, #tpu.memory_space<vmem>>, vector<1x16xf32>,
          %swap3A_1184 = vector.shape_cast %swap3A_1183 : vector<1x16xf32> to vector<16xf32>
          %swap3A_1185 = vector.shape_cast %mul3A_1180 : vector<16xf32> to vector<1x16xf32>
          tpu.vector_store %arg7[%swap3A_1181, %swap3A_1182], %swap3A_1185 {strides = array<i32>} : memref<128x128xf32, #tpu.memory_space<vmem>>, vector<1x16xf32>,
          %get3A_1186 = arith.index_cast %add3A_1150 : i32 to index
          %get3A_1187 = arith.constant 48 : index
          %get3A_1188 = tpu.vector_load %arg7[%get3A_1186, %get3A_1187] {strides = array<i32>} : memref<128x128xf32, #tpu.memory_space<vmem>>, vector<1x16xf32>,
          %get3A_1189 = vector.shape_cast %get3A_1188 : vector<1x16xf32> to vector<16xf32>
          %mul3A_1190 = vector.broadcast %squeeze3A_1152 : f32 to vector<16xf32>
          %mul3A_1191 = arith.mulf %get3A_1189, %mul3A_1190 : vector<16xf32>
          %swap3A_1192 = arith.index_cast %add3A_1150 : i32 to index
          %swap3A_1193 = arith.constant 48 : index
          %swap3A_1194 = tpu.vector_load %arg7[%swap3A_1192, %swap3A_1193] {strides = array<i32>} : memref<128x128xf32, #tpu.memory_space<vmem>>, vector<1x16xf32>,
          %swap3A_1195 = vector.shape_cast %swap3A_1194 : vector<1x16xf32> to vector<16xf32>
          %swap3A_1196 = vector.shape_cast %mul3A_1191 : vector<16xf32> to vector<1x16xf32>
          tpu.vector_store %arg7[%swap3A_1192, %swap3A_1193], %swap3A_1196 {strides = array<i32>} : memref<128x128xf32, #tpu.memory_space<vmem>>, vector<1x16xf32>,
          %get3A_1197 = arith.index_cast %add3A_1150 : i32 to index
          %get3A_1198 = arith.constant 64 : index
          %get3A_1199 = tpu.vector_load %arg7[%get3A_1197, %get3A_1198] {strides = array<i32>} : memref<128x128xf32, #tpu.memory_space<vmem>>, vector<1x16xf32>,
          %get3A_1200 = vector.shape_cast %get3A_1199 : vector<1x16xf32> to vector<16xf32>
          %mul3A_1201 = vector.broadcast %squeeze3A_1152 : f32 to vector<16xf32>
          %mul3A_1202 = arith.mulf %get3A_1200, %mul3A_1201 : vector<16xf32>
          %swap3A_1203 = arith.index_cast %add3A_1150 : i32 to index
          %swap3A_1204 = arith.constant 64 : index
          %swap3A_1205 = tpu.vector_load %arg7[%swap3A_1203, %swap3A_1204] {strides = array<i32>} : memref<128x128xf32, #tpu.memory_space<vmem>>, vector<1x16xf32>,
          %swap3A_1206 = vector.shape_cast %swap3A_1205 : vector<1x16xf32> to vector<16xf32>
          %swap3A_1207 = vector.shape_cast %mul3A_1202 : vector<16xf32> to vector<1x16xf32>
          tpu.vector_store %arg7[%swap3A_1203, %swap3A_1204], %swap3A_1207 {strides = array<i32>} : memref<128x128xf32, #tpu.memory_space<vmem>>, vector<1x16xf32>,
          %get3A_1208 = arith.index_cast %add3A_1150 : i32 to index
          %get3A_1209 = arith.constant 80 : index
          %get3A_1210 = tpu.vector_load %arg7[%get3A_1208, %get3A_1209] {strides = array<i32>} : memref<128x128xf32, #tpu.memory_space<vmem>>, vector<1x16xf32>,
          %get3A_1211 = vector.shape_cast %get3A_1210 : vector<1x16xf32> to vector<16xf32>
          %mul3A_1212 = vector.broadcast %squeeze3A_1152 : f32 to vector<16xf32>
          %mul3A_1213 = arith.mulf %get3A_1211, %mul3A_1212 : vector<16xf32>
          %swap3A_1214 = arith.index_cast %add3A_1150 : i32 to index
          %swap3A_1215 = arith.constant 80 : index
          %swap3A_1216 = tpu.vector_load %arg7[%swap3A_1214, %swap3A_1215] {strides = array<i32>} : memref<128x128xf32, #tpu.memory_space<vmem>>, vector<1x16xf32>,
          %swap3A_1217 = vector.shape_cast %swap3A_1216 : vector<1x16xf32> to vector<16xf32>
          %swap3A_1218 = vector.shape_cast %mul3A_1213 : vector<16xf32> to vector<1x16xf32>
          tpu.vector_store %arg7[%swap3A_1214, %swap3A_1215], %swap3A_1218 {strides = array<i32>} : memref<128x128xf32, #tpu.memory_space<vmem>>, vector<1x16xf32>,
          %get3A_1219 = arith.index_cast %add3A_1150 : i32 to index
          %get3A_1220 = arith.constant 96 : index
          %get3A_1221 = tpu.vector_load %arg7[%get3A_1219, %get3A_1220] {strides = array<i32>} : memref<128x128xf32, #tpu.memory_space<vmem>>, vector<1x16xf32>,
          %get3A_1222 = vector.shape_cast %get3A_1221 : vector<1x16xf32> to vector<16xf32>
          %mul3A_1223 = vector.broadcast %squeeze3A_1152 : f32 to vector<16xf32>
          %mul3A_1224 = arith.mulf %get3A_1222, %mul3A_1223 : vector<16xf32>
          %swap3A_1225 = arith.index_cast %add3A_1150 : i32 to index
          %swap3A_1226 = arith.constant 96 : index
          %swap3A_1227 = tpu.vector_load %arg7[%swap3A_1225, %swap3A_1226] {strides = array<i32>} : memref<128x128xf32, #tpu.memory_space<vmem>>, vector<1x16xf32>,
          %swap3A_1228 = vector.shape_cast %swap3A_1227 : vector<1x16xf32> to vector<16xf32>
          %swap3A_1229 = vector.shape_cast %mul3A_1224 : vector<16xf32> to vector<1x16xf32>
          tpu.vector_store %arg7[%swap3A_1225, %swap3A_1226], %swap3A_1229 {strides = array<i32>} : memref<128x128xf32, #tpu.memory_space<vmem>>, vector<1x16xf32>,
          %get3A_1230 = arith.index_cast %add3A_1150 : i32 to index
          %get3A_1231 = arith.constant 112 : index
          %get3A_1232 = tpu.vector_load %arg7[%get3A_1230, %get3A_1231] {strides = array<i32>} : memref<128x128xf32, #tpu.memory_space<vmem>>, vector<1x16xf32>,
          %get3A_1233 = vector.shape_cast %get3A_1232 : vector<1x16xf32> to vector<16xf32>
          %mul3A_1234 = vector.broadcast %squeeze3A_1152 : f32 to vector<16xf32>
          %mul3A_1235 = arith.mulf %get3A_1233, %mul3A_1234 : vector<16xf32>
          %swap3A_1236 = arith.index_cast %add3A_1150 : i32 to index
          %swap3A_1237 = arith.constant 112 : index
          %swap3A_1238 = tpu.vector_load %arg7[%swap3A_1236, %swap3A_1237] {strides = array<i32>} : memref<128x128xf32, #tpu.memory_space<vmem>>, vector<1x16xf32>,
          %swap3A_1239 = vector.shape_cast %swap3A_1238 : vector<1x16xf32> to vector<16xf32>
          %swap3A_1240 = vector.shape_cast %mul3A_1235 : vector<16xf32> to vector<1x16xf32>
          tpu.vector_store %arg7[%swap3A_1236, %swap3A_1237], %swap3A_1240 {strides = array<i32>} : memref<128x128xf32, #tpu.memory_space<vmem>>, vector<1x16xf32>,
          %add3A_1241 = arith.constant 12 : i32
          %add3A_1242 = arith.addi %multiple_of3A_136, %add3A_1241 : i32
          %slice3A_1243 = vector.extract_strided_slice %get3A_139 {offsets = [12], sizes = [1], strides = [1]} : vector<16xf32> to vector<1xf32>
          %squeeze3A_1244 = vector.extract %slice3A_1243[0] : f32 from vector<1xf32>
          %get3A_1245 = arith.index_cast %add3A_1242 : i32 to index
          %get3A_1246 = arith.constant 0 : index
          %get3A_1247 = tpu.vector_load %arg7[%get3A_1245, %get3A_1246] {strides = array<i32>} : memref<128x128xf32, #tpu.memory_space<vmem>>, vector<1x16xf32>,
          %get3A_1248 = vector.shape_cast %get3A_1247 : vector<1x16xf32> to vector<16xf32>
          %mul3A_1249 = vector.broadcast %squeeze3A_1244 : f32 to vector<16xf32>
          %mul3A_1250 = arith.mulf %get3A_1248, %mul3A_1249 : vector<16xf32>
          %swap3A_1251 = arith.index_cast %add3A_1242 : i32 to index
          %swap3A_1252 = arith.constant 0 : index
          %swap3A_1253 = tpu.vector_load %arg7[%swap3A_1251, %swap3A_1252] {strides = array<i32>} : memref<128x128xf32, #tpu.memory_space<vmem>>, vector<1x16xf32>,
          %swap3A_1254 = vector.shape_cast %swap3A_1253 : vector<1x16xf32> to vector<16xf32>
          %swap3A_1255 = vector.shape_cast %mul3A_1250 : vector<16xf32> to vector<1x16xf32>
          tpu.vector_store %arg7[%swap3A_1251, %swap3A_1252], %swap3A_1255 {strides = array<i32>} : memref<128x128xf32, #tpu.memory_space<vmem>>, vector<1x16xf32>,
          %get3A_1256 = arith.index_cast %add3A_1242 : i32 to index
          %get3A_1257 = arith.constant 16 : index
          %get3A_1258 = tpu.vector_load %arg7[%get3A_1256, %get3A_1257] {strides = array<i32>} : memref<128x128xf32, #tpu.memory_space<vmem>>, vector<1x16xf32>,
          %get3A_1259 = vector.shape_cast %get3A_1258 : vector<1x16xf32> to vector<16xf32>
          %mul3A_1260 = vector.broadcast %squeeze3A_1244 : f32 to vector<16xf32>
          %mul3A_1261 = arith.mulf %get3A_1259, %mul3A_1260 : vector<16xf32>
          %swap3A_1262 = arith.index_cast %add3A_1242 : i32 to index
          %swap3A_1263 = arith.constant 16 : index
          %swap3A_1264 = tpu.vector_load %arg7[%swap3A_1262, %swap3A_1263] {strides = array<i32>} : memref<128x128xf32, #tpu.memory_space<vmem>>, vector<1x16xf32>,
          %swap3A_1265 = vector.shape_cast %swap3A_1264 : vector<1x16xf32> to vector<16xf32>
          %swap3A_1266 = vector.shape_cast %mul3A_1261 : vector<16xf32> to vector<1x16xf32>
          tpu.vector_store %arg7[%swap3A_1262, %swap3A_1263], %swap3A_1266 {strides = array<i32>} : memref<128x128xf32, #tpu.memory_space<vmem>>, vector<1x16xf32>,
          %get3A_1267 = arith.index_cast %add3A_1242 : i32 to index
          %get3A_1268 = arith.constant 32 : index
          %get3A_1269 = tpu.vector_load %arg7[%get3A_1267, %get3A_1268] {strides = array<i32>} : memref<128x128xf32, #tpu.memory_space<vmem>>, vector<1x16xf32>,
          %get3A_1270 = vector.shape_cast %get3A_1269 : vector<1x16xf32> to vector<16xf32>
          %mul3A_1271 = vector.broadcast %squeeze3A_1244 : f32 to vector<16xf32>
          %mul3A_1272 = arith.mulf %get3A_1270, %mul3A_1271 : vector<16xf32>
          %swap3A_1273 = arith.index_cast %add3A_1242 : i32 to index
          %swap3A_1274 = arith.constant 32 : index
          %swap3A_1275 = tpu.vector_load %arg7[%swap3A_1273, %swap3A_1274] {strides = array<i32>} : memref<128x128xf32, #tpu.memory_space<vmem>>, vector<1x16xf32>,
          %swap3A_1276 = vector.shape_cast %swap3A_1275 : vector<1x16xf32> to vector<16xf32>
          %swap3A_1277 = vector.shape_cast %mul3A_1272 : vector<16xf32> to vector<1x16xf32>
          tpu.vector_store %arg7[%swap3A_1273, %swap3A_1274], %swap3A_1277 {strides = array<i32>} : memref<128x128xf32, #tpu.memory_space<vmem>>, vector<1x16xf32>,
          %get3A_1278 = arith.index_cast %add3A_1242 : i32 to index
          %get3A_1279 = arith.constant 48 : index
          %get3A_1280 = tpu.vector_load %arg7[%get3A_1278, %get3A_1279] {strides = array<i32>} : memref<128x128xf32, #tpu.memory_space<vmem>>, vector<1x16xf32>,
          %get3A_1281 = vector.shape_cast %get3A_1280 : vector<1x16xf32> to vector<16xf32>
          %mul3A_1282 = vector.broadcast %squeeze3A_1244 : f32 to vector<16xf32>
          %mul3A_1283 = arith.mulf %get3A_1281, %mul3A_1282 : vector<16xf32>
          %swap3A_1284 = arith.index_cast %add3A_1242 : i32 to index
          %swap3A_1285 = arith.constant 48 : index
          %swap3A_1286 = tpu.vector_load %arg7[%swap3A_1284, %swap3A_1285] {strides = array<i32>} : memref<128x128xf32, #tpu.memory_space<vmem>>, vector<1x16xf32>,
          %swap3A_1287 = vector.shape_cast %swap3A_1286 : vector<1x16xf32> to vector<16xf32>
          %swap3A_1288 = vector.shape_cast %mul3A_1283 : vector<16xf32> to vector<1x16xf32>
          tpu.vector_store %arg7[%swap3A_1284, %swap3A_1285], %swap3A_1288 {strides = array<i32>} : memref<128x128xf32, #tpu.memory_space<vmem>>, vector<1x16xf32>,
          %get3A_1289 = arith.index_cast %add3A_1242 : i32 to index
          %get3A_1290 = arith.constant 64 : index
          %get3A_1291 = tpu.vector_load %arg7[%get3A_1289, %get3A_1290] {strides = array<i32>} : memref<128x128xf32, #tpu.memory_space<vmem>>, vector<1x16xf32>,
          %get3A_1292 = vector.shape_cast %get3A_1291 : vector<1x16xf32> to vector<16xf32>
          %mul3A_1293 = vector.broadcast %squeeze3A_1244 : f32 to vector<16xf32>
          %mul3A_1294 = arith.mulf %get3A_1292, %mul3A_1293 : vector<16xf32>
          %swap3A_1295 = arith.index_cast %add3A_1242 : i32 to index
          %swap3A_1296 = arith.constant 64 : index
          %swap3A_1297 = tpu.vector_load %arg7[%swap3A_1295, %swap3A_1296] {strides = array<i32>} : memref<128x128xf32, #tpu.memory_space<vmem>>, vector<1x16xf32>,
          %swap3A_1298 = vector.shape_cast %swap3A_1297 : vector<1x16xf32> to vector<16xf32>
          %swap3A_1299 = vector.shape_cast %mul3A_1294 : vector<16xf32> to vector<1x16xf32>
          tpu.vector_store %arg7[%swap3A_1295, %swap3A_1296], %swap3A_1299 {strides = array<i32>} : memref<128x128xf32, #tpu.memory_space<vmem>>, vector<1x16xf32>,
          %get3A_1300 = arith.index_cast %add3A_1242 : i32 to index
          %get3A_1301 = arith.constant 80 : index
          %get3A_1302 = tpu.vector_load %arg7[%get3A_1300, %get3A_1301] {strides = array<i32>} : memref<128x128xf32, #tpu.memory_space<vmem>>, vector<1x16xf32>,
          %get3A_1303 = vector.shape_cast %get3A_1302 : vector<1x16xf32> to vector<16xf32>
          %mul3A_1304 = vector.broadcast %squeeze3A_1244 : f32 to vector<16xf32>
          %mul3A_1305 = arith.mulf %get3A_1303, %mul3A_1304 : vector<16xf32>
          %swap3A_1306 = arith.index_cast %add3A_1242 : i32 to index
          %swap3A_1307 = arith.constant 80 : index
          %swap3A_1308 = tpu.vector_load %arg7[%swap3A_1306, %swap3A_1307] {strides = array<i32>} : memref<128x128xf32, #tpu.memory_space<vmem>>, vector<1x16xf32>,
          %swap3A_1309 = vector.shape_cast %swap3A_1308 : vector<1x16xf32> to vector<16xf32>
          %swap3A_1310 = vector.shape_cast %mul3A_1305 : vector<16xf32> to vector<1x16xf32>
          tpu.vector_store %arg7[%swap3A_1306, %swap3A_1307], %swap3A_1310 {strides = array<i32>} : memref<128x128xf32, #tpu.memory_space<vmem>>, vector<1x16xf32>,
          %get3A_1311 = arith.index_cast %add3A_1242 : i32 to index
          %get3A_1312 = arith.constant 96 : index
          %get3A_1313 = tpu.vector_load %arg7[%get3A_1311, %get3A_1312] {strides = array<i32>} : memref<128x128xf32, #tpu.memory_space<vmem>>, vector<1x16xf32>,
          %get3A_1314 = vector.shape_cast %get3A_1313 : vector<1x16xf32> to vector<16xf32>
          %mul3A_1315 = vector.broadcast %squeeze3A_1244 : f32 to vector<16xf32>
          %mul3A_1316 = arith.mulf %get3A_1314, %mul3A_1315 : vector<16xf32>
          %swap3A_1317 = arith.index_cast %add3A_1242 : i32 to index
          %swap3A_1318 = arith.constant 96 : index
          %swap3A_1319 = tpu.vector_load %arg7[%swap3A_1317, %swap3A_1318] {strides = array<i32>} : memref<128x128xf32, #tpu.memory_space<vmem>>, vector<1x16xf32>,
          %swap3A_1320 = vector.shape_cast %swap3A_1319 : vector<1x16xf32> to vector<16xf32>
          %swap3A_1321 = vector.shape_cast %mul3A_1316 : vector<16xf32> to vector<1x16xf32>
          tpu.vector_store %arg7[%swap3A_1317, %swap3A_1318], %swap3A_1321 {strides = array<i32>} : memref<128x128xf32, #tpu.memory_space<vmem>>, vector<1x16xf32>,
          %get3A_1322 = arith.index_cast %add3A_1242 : i32 to index
          %get3A_1323 = arith.constant 112 : index
          %get3A_1324 = tpu.vector_load %arg7[%get3A_1322, %get3A_1323] {strides = array<i32>} : memref<128x128xf32, #tpu.memory_space<vmem>>, vector<1x16xf32>,
          %get3A_1325 = vector.shape_cast %get3A_1324 : vector<1x16xf32> to vector<16xf32>
          %mul3A_1326 = vector.broadcast %squeeze3A_1244 : f32 to vector<16xf32>
          %mul3A_1327 = arith.mulf %get3A_1325, %mul3A_1326 : vector<16xf32>
          %swap3A_1328 = arith.index_cast %add3A_1242 : i32 to index
          %swap3A_1329 = arith.constant 112 : index
          %swap3A_1330 = tpu.vector_load %arg7[%swap3A_1328, %swap3A_1329] {strides = array<i32>} : memref<128x128xf32, #tpu.memory_space<vmem>>, vector<1x16xf32>,
          %swap3A_1331 = vector.shape_cast %swap3A_1330 : vector<1x16xf32> to vector<16xf32>
          %swap3A_1332 = vector.shape_cast %mul3A_1327 : vector<16xf32> to vector<1x16xf32>
          tpu.vector_store %arg7[%swap3A_1328, %swap3A_1329], %swap3A_1332 {strides = array<i32>} : memref<128x128xf32, #tpu.memory_space<vmem>>, vector<1x16xf32>,
          %add3A_1333 = arith.constant 13 : i32
          %add3A_1334 = arith.addi %multiple_of3A_136, %add3A_1333 : i32
          %slice3A_1335 = vector.extract_strided_slice %get3A_139 {offsets = [13], sizes = [1], strides = [1]} : vector<16xf32> to vector<1xf32>
          %squeeze3A_1336 = vector.extract %slice3A_1335[0] : f32 from vector<1xf32>
          %get3A_1337 = arith.index_cast %add3A_1334 : i32 to index
          %get3A_1338 = arith.constant 0 : index
          %get3A_1339 = tpu.vector_load %arg7[%get3A_1337, %get3A_1338] {strides = array<i32>} : memref<128x128xf32, #tpu.memory_space<vmem>>, vector<1x16xf32>,
          %get3A_1340 = vector.shape_cast %get3A_1339 : vector<1x16xf32> to vector<16xf32>
          %mul3A_1341 = vector.broadcast %squeeze3A_1336 : f32 to vector<16xf32>
          %mul3A_1342 = arith.mulf %get3A_1340, %mul3A_1341 : vector<16xf32>
          %swap3A_1343 = arith.index_cast %add3A_1334 : i32 to index
          %swap3A_1344 = arith.constant 0 : index
          %swap3A_1345 = tpu.vector_load %arg7[%swap3A_1343, %swap3A_1344] {strides = array<i32>} : memref<128x128xf32, #tpu.memory_space<vmem>>, vector<1x16xf32>,
          %swap3A_1346 = vector.shape_cast %swap3A_1345 : vector<1x16xf32> to vector<16xf32>
          %swap3A_1347 = vector.shape_cast %mul3A_1342 : vector<16xf32> to vector<1x16xf32>
          tpu.vector_store %arg7[%swap3A_1343, %swap3A_1344], %swap3A_1347 {strides = array<i32>} : memref<128x128xf32, #tpu.memory_space<vmem>>, vector<1x16xf32>,
          %get3A_1348 = arith.index_cast %add3A_1334 : i32 to index
          %get3A_1349 = arith.constant 16 : index
          %get3A_1350 = tpu.vector_load %arg7[%get3A_1348, %get3A_1349] {strides = array<i32>} : memref<128x128xf32, #tpu.memory_space<vmem>>, vector<1x16xf32>,
          %get3A_1351 = vector.shape_cast %get3A_1350 : vector<1x16xf32> to vector<16xf32>
          %mul3A_1352 = vector.broadcast %squeeze3A_1336 : f32 to vector<16xf32>
          %mul3A_1353 = arith.mulf %get3A_1351, %mul3A_1352 : vector<16xf32>
          %swap3A_1354 = arith.index_cast %add3A_1334 : i32 to index
          %swap3A_1355 = arith.constant 16 : index
          %swap3A_1356 = tpu.vector_load %arg7[%swap3A_1354, %swap3A_1355] {strides = array<i32>} : memref<128x128xf32, #tpu.memory_space<vmem>>, vector<1x16xf32>,
          %swap3A_1357 = vector.shape_cast %swap3A_1356 : vector<1x16xf32> to vector<16xf32>
          %swap3A_1358 = vector.shape_cast %mul3A_1353 : vector<16xf32> to vector<1x16xf32>
          tpu.vector_store %arg7[%swap3A_1354, %swap3A_1355], %swap3A_1358 {strides = array<i32>} : memref<128x128xf32, #tpu.memory_space<vmem>>, vector<1x16xf32>,
          %get3A_1359 = arith.index_cast %add3A_1334 : i32 to index
          %get3A_1360 = arith.constant 32 : index
          %get3A_1361 = tpu.vector_load %arg7[%get3A_1359, %get3A_1360] {strides = array<i32>} : memref<128x128xf32, #tpu.memory_space<vmem>>, vector<1x16xf32>,
          %get3A_1362 = vector.shape_cast %get3A_1361 : vector<1x16xf32> to vector<16xf32>
          %mul3A_1363 = vector.broadcast %squeeze3A_1336 : f32 to vector<16xf32>
          %mul3A_1364 = arith.mulf %get3A_1362, %mul3A_1363 : vector<16xf32>
          %swap3A_1365 = arith.index_cast %add3A_1334 : i32 to index
          %swap3A_1366 = arith.constant 32 : index
          %swap3A_1367 = tpu.vector_load %arg7[%swap3A_1365, %swap3A_1366] {strides = array<i32>} : memref<128x128xf32, #tpu.memory_space<vmem>>, vector<1x16xf32>,
          %swap3A_1368 = vector.shape_cast %swap3A_1367 : vector<1x16xf32> to vector<16xf32>
          %swap3A_1369 = vector.shape_cast %mul3A_1364 : vector<16xf32> to vector<1x16xf32>
          tpu.vector_store %arg7[%swap3A_1365, %swap3A_1366], %swap3A_1369 {strides = array<i32>} : memref<128x128xf32, #tpu.memory_space<vmem>>, vector<1x16xf32>,
          %get3A_1370 = arith.index_cast %add3A_1334 : i32 to index
          %get3A_1371 = arith.constant 48 : index
          %get3A_1372 = tpu.vector_load %arg7[%get3A_1370, %get3A_1371] {strides = array<i32>} : memref<128x128xf32, #tpu.memory_space<vmem>>, vector<1x16xf32>,
          %get3A_1373 = vector.shape_cast %get3A_1372 : vector<1x16xf32> to vector<16xf32>
          %mul3A_1374 = vector.broadcast %squeeze3A_1336 : f32 to vector<16xf32>
          %mul3A_1375 = arith.mulf %get3A_1373, %mul3A_1374 : vector<16xf32>
          %swap3A_1376 = arith.index_cast %add3A_1334 : i32 to index
          %swap3A_1377 = arith.constant 48 : index
          %swap3A_1378 = tpu.vector_load %arg7[%swap3A_1376, %swap3A_1377] {strides = array<i32>} : memref<128x128xf32, #tpu.memory_space<vmem>>, vector<1x16xf32>,
          %swap3A_1379 = vector.shape_cast %swap3A_1378 : vector<1x16xf32> to vector<16xf32>
          %swap3A_1380 = vector.shape_cast %mul3A_1375 : vector<16xf32> to vector<1x16xf32>
          tpu.vector_store %arg7[%swap3A_1376, %swap3A_1377], %swap3A_1380 {strides = array<i32>} : memref<128x128xf32, #tpu.memory_space<vmem>>, vector<1x16xf32>,
          %get3A_1381 = arith.index_cast %add3A_1334 : i32 to index
          %get3A_1382 = arith.constant 64 : index
          %get3A_1383 = tpu.vector_load %arg7[%get3A_1381, %get3A_1382] {strides = array<i32>} : memref<128x128xf32, #tpu.memory_space<vmem>>, vector<1x16xf32>,
          %get3A_1384 = vector.shape_cast %get3A_1383 : vector<1x16xf32> to vector<16xf32>
          %mul3A_1385 = vector.broadcast %squeeze3A_1336 : f32 to vector<16xf32>
          %mul3A_1386 = arith.mulf %get3A_1384, %mul3A_1385 : vector<16xf32>
          %swap3A_1387 = arith.index_cast %add3A_1334 : i32 to index
          %swap3A_1388 = arith.constant 64 : index
          %swap3A_1389 = tpu.vector_load %arg7[%swap3A_1387, %swap3A_1388] {strides = array<i32>} : memref<128x128xf32, #tpu.memory_space<vmem>>, vector<1x16xf32>,
          %swap3A_1390 = vector.shape_cast %swap3A_1389 : vector<1x16xf32> to vector<16xf32>
          %swap3A_1391 = vector.shape_cast %mul3A_1386 : vector<16xf32> to vector<1x16xf32>
          tpu.vector_store %arg7[%swap3A_1387, %swap3A_1388], %swap3A_1391 {strides = array<i32>} : memref<128x128xf32, #tpu.memory_space<vmem>>, vector<1x16xf32>,
          %get3A_1392 = arith.index_cast %add3A_1334 : i32 to index
          %get3A_1393 = arith.constant 80 : index
          %get3A_1394 = tpu.vector_load %arg7[%get3A_1392, %get3A_1393] {strides = array<i32>} : memref<128x128xf32, #tpu.memory_space<vmem>>, vector<1x16xf32>,
          %get3A_1395 = vector.shape_cast %get3A_1394 : vector<1x16xf32> to vector<16xf32>
          %mul3A_1396 = vector.broadcast %squeeze3A_1336 : f32 to vector<16xf32>
          %mul3A_1397 = arith.mulf %get3A_1395, %mul3A_1396 : vector<16xf32>
          %swap3A_1398 = arith.index_cast %add3A_1334 : i32 to index
          %swap3A_1399 = arith.constant 80 : index
          %swap3A_1400 = tpu.vector_load %arg7[%swap3A_1398, %swap3A_1399] {strides = array<i32>} : memref<128x128xf32, #tpu.memory_space<vmem>>, vector<1x16xf32>,
          %swap3A_1401 = vector.shape_cast %swap3A_1400 : vector<1x16xf32> to vector<16xf32>
          %swap3A_1402 = vector.shape_cast %mul3A_1397 : vector<16xf32> to vector<1x16xf32>
          tpu.vector_store %arg7[%swap3A_1398, %swap3A_1399], %swap3A_1402 {strides = array<i32>} : memref<128x128xf32, #tpu.memory_space<vmem>>, vector<1x16xf32>,
          %get3A_1403 = arith.index_cast %add3A_1334 : i32 to index
          %get3A_1404 = arith.constant 96 : index
          %get3A_1405 = tpu.vector_load %arg7[%get3A_1403, %get3A_1404] {strides = array<i32>} : memref<128x128xf32, #tpu.memory_space<vmem>>, vector<1x16xf32>,
          %get3A_1406 = vector.shape_cast %get3A_1405 : vector<1x16xf32> to vector<16xf32>
          %mul3A_1407 = vector.broadcast %squeeze3A_1336 : f32 to vector<16xf32>
          %mul3A_1408 = arith.mulf %get3A_1406, %mul3A_1407 : vector<16xf32>
          %swap3A_1409 = arith.index_cast %add3A_1334 : i32 to index
          %swap3A_1410 = arith.constant 96 : index
          %swap3A_1411 = tpu.vector_load %arg7[%swap3A_1409, %swap3A_1410] {strides = array<i32>} : memref<128x128xf32, #tpu.memory_space<vmem>>, vector<1x16xf32>,
          %swap3A_1412 = vector.shape_cast %swap3A_1411 : vector<1x16xf32> to vector<16xf32>
          %swap3A_1413 = vector.shape_cast %mul3A_1408 : vector<16xf32> to vector<1x16xf32>
          tpu.vector_store %arg7[%swap3A_1409, %swap3A_1410], %swap3A_1413 {strides = array<i32>} : memref<128x128xf32, #tpu.memory_space<vmem>>, vector<1x16xf32>,
          %get3A_1414 = arith.index_cast %add3A_1334 : i32 to index
          %get3A_1415 = arith.constant 112 : index
          %get3A_1416 = tpu.vector_load %arg7[%get3A_1414, %get3A_1415] {strides = array<i32>} : memref<128x128xf32, #tpu.memory_space<vmem>>, vector<1x16xf32>,
          %get3A_1417 = vector.shape_cast %get3A_1416 : vector<1x16xf32> to vector<16xf32>
          %mul3A_1418 = vector.broadcast %squeeze3A_1336 : f32 to vector<16xf32>
          %mul3A_1419 = arith.mulf %get3A_1417, %mul3A_1418 : vector<16xf32>
          %swap3A_1420 = arith.index_cast %add3A_1334 : i32 to index
          %swap3A_1421 = arith.constant 112 : index
          %swap3A_1422 = tpu.vector_load %arg7[%swap3A_1420, %swap3A_1421] {strides = array<i32>} : memref<128x128xf32, #tpu.memory_space<vmem>>, vector<1x16xf32>,
          %swap3A_1423 = vector.shape_cast %swap3A_1422 : vector<1x16xf32> to vector<16xf32>
          %swap3A_1424 = vector.shape_cast %mul3A_1419 : vector<16xf32> to vector<1x16xf32>
          tpu.vector_store %arg7[%swap3A_1420, %swap3A_1421], %swap3A_1424 {strides = array<i32>} : memref<128x128xf32, #tpu.memory_space<vmem>>, vector<1x16xf32>,
          %add3A_1425 = arith.constant 14 : i32
          %add3A_1426 = arith.addi %multiple_of3A_136, %add3A_1425 : i32
          %slice3A_1427 = vector.extract_strided_slice %get3A_139 {offsets = [14], sizes = [1], strides = [1]} : vector<16xf32> to vector<1xf32>
          %squeeze3A_1428 = vector.extract %slice3A_1427[0] : f32 from vector<1xf32>
          %get3A_1429 = arith.index_cast %add3A_1426 : i32 to index
          %get3A_1430 = arith.constant 0 : index
          %get3A_1431 = tpu.vector_load %arg7[%get3A_1429, %get3A_1430] {strides = array<i32>} : memref<128x128xf32, #tpu.memory_space<vmem>>, vector<1x16xf32>,
          %get3A_1432 = vector.shape_cast %get3A_1431 : vector<1x16xf32> to vector<16xf32>
          %mul3A_1433 = vector.broadcast %squeeze3A_1428 : f32 to vector<16xf32>
          %mul3A_1434 = arith.mulf %get3A_1432, %mul3A_1433 : vector<16xf32>
          %swap3A_1435 = arith.index_cast %add3A_1426 : i32 to index
          %swap3A_1436 = arith.constant 0 : index
          %swap3A_1437 = tpu.vector_load %arg7[%swap3A_1435, %swap3A_1436] {strides = array<i32>} : memref<128x128xf32, #tpu.memory_space<vmem>>, vector<1x16xf32>,
          %swap3A_1438 = vector.shape_cast %swap3A_1437 : vector<1x16xf32> to vector<16xf32>
          %swap3A_1439 = vector.shape_cast %mul3A_1434 : vector<16xf32> to vector<1x16xf32>
          tpu.vector_store %arg7[%swap3A_1435, %swap3A_1436], %swap3A_1439 {strides = array<i32>} : memref<128x128xf32, #tpu.memory_space<vmem>>, vector<1x16xf32>,
          %get3A_1440 = arith.index_cast %add3A_1426 : i32 to index
          %get3A_1441 = arith.constant 16 : index
          %get3A_1442 = tpu.vector_load %arg7[%get3A_1440, %get3A_1441] {strides = array<i32>} : memref<128x128xf32, #tpu.memory_space<vmem>>, vector<1x16xf32>,
          %get3A_1443 = vector.shape_cast %get3A_1442 : vector<1x16xf32> to vector<16xf32>
          %mul3A_1444 = vector.broadcast %squeeze3A_1428 : f32 to vector<16xf32>
          %mul3A_1445 = arith.mulf %get3A_1443, %mul3A_1444 : vector<16xf32>
          %swap3A_1446 = arith.index_cast %add3A_1426 : i32 to index
          %swap3A_1447 = arith.constant 16 : index
          %swap3A_1448 = tpu.vector_load %arg7[%swap3A_1446, %swap3A_1447] {strides = array<i32>} : memref<128x128xf32, #tpu.memory_space<vmem>>, vector<1x16xf32>,
          %swap3A_1449 = vector.shape_cast %swap3A_1448 : vector<1x16xf32> to vector<16xf32>
          %swap3A_1450 = vector.shape_cast %mul3A_1445 : vector<16xf32> to vector<1x16xf32>
          tpu.vector_store %arg7[%swap3A_1446, %swap3A_1447], %swap3A_1450 {strides = array<i32>} : memref<128x128xf32, #tpu.memory_space<vmem>>, vector<1x16xf32>,
          %get3A_1451 = arith.index_cast %add3A_1426 : i32 to index
          %get3A_1452 = arith.constant 32 : index
          %get3A_1453 = tpu.vector_load %arg7[%get3A_1451, %get3A_1452] {strides = array<i32>} : memref<128x128xf32, #tpu.memory_space<vmem>>, vector<1x16xf32>,
          %get3A_1454 = vector.shape_cast %get3A_1453 : vector<1x16xf32> to vector<16xf32>
          %mul3A_1455 = vector.broadcast %squeeze3A_1428 : f32 to vector<16xf32>
          %mul3A_1456 = arith.mulf %get3A_1454, %mul3A_1455 : vector<16xf32>
          %swap3A_1457 = arith.index_cast %add3A_1426 : i32 to index
          %swap3A_1458 = arith.constant 32 : index
          %swap3A_1459 = tpu.vector_load %arg7[%swap3A_1457, %swap3A_1458] {strides = array<i32>} : memref<128x128xf32, #tpu.memory_space<vmem>>, vector<1x16xf32>,
          %swap3A_1460 = vector.shape_cast %swap3A_1459 : vector<1x16xf32> to vector<16xf32>
          %swap3A_1461 = vector.shape_cast %mul3A_1456 : vector<16xf32> to vector<1x16xf32>
          tpu.vector_store %arg7[%swap3A_1457, %swap3A_1458], %swap3A_1461 {strides = array<i32>} : memref<128x128xf32, #tpu.memory_space<vmem>>, vector<1x16xf32>,
          %get3A_1462 = arith.index_cast %add3A_1426 : i32 to index
          %get3A_1463 = arith.constant 48 : index
          %get3A_1464 = tpu.vector_load %arg7[%get3A_1462, %get3A_1463] {strides = array<i32>} : memref<128x128xf32, #tpu.memory_space<vmem>>, vector<1x16xf32>,
          %get3A_1465 = vector.shape_cast %get3A_1464 : vector<1x16xf32> to vector<16xf32>
          %mul3A_1466 = vector.broadcast %squeeze3A_1428 : f32 to vector<16xf32>
          %mul3A_1467 = arith.mulf %get3A_1465, %mul3A_1466 : vector<16xf32>
          %swap3A_1468 = arith.index_cast %add3A_1426 : i32 to index
          %swap3A_1469 = arith.constant 48 : index
          %swap3A_1470 = tpu.vector_load %arg7[%swap3A_1468, %swap3A_1469] {strides = array<i32>} : memref<128x128xf32, #tpu.memory_space<vmem>>, vector<1x16xf32>,
          %swap3A_1471 = vector.shape_cast %swap3A_1470 : vector<1x16xf32> to vector<16xf32>
          %swap3A_1472 = vector.shape_cast %mul3A_1467 : vector<16xf32> to vector<1x16xf32>
          tpu.vector_store %arg7[%swap3A_1468, %swap3A_1469], %swap3A_1472 {strides = array<i32>} : memref<128x128xf32, #tpu.memory_space<vmem>>, vector<1x16xf32>,
          %get3A_1473 = arith.index_cast %add3A_1426 : i32 to index
          %get3A_1474 = arith.constant 64 : index
          %get3A_1475 = tpu.vector_load %arg7[%get3A_1473, %get3A_1474] {strides = array<i32>} : memref<128x128xf32, #tpu.memory_space<vmem>>, vector<1x16xf32>,
          %get3A_1476 = vector.shape_cast %get3A_1475 : vector<1x16xf32> to vector<16xf32>
          %mul3A_1477 = vector.broadcast %squeeze3A_1428 : f32 to vector<16xf32>
          %mul3A_1478 = arith.mulf %get3A_1476, %mul3A_1477 : vector<16xf32>
          %swap3A_1479 = arith.index_cast %add3A_1426 : i32 to index
          %swap3A_1480 = arith.constant 64 : index
          %swap3A_1481 = tpu.vector_load %arg7[%swap3A_1479, %swap3A_1480] {strides = array<i32>} : memref<128x128xf32, #tpu.memory_space<vmem>>, vector<1x16xf32>,
          %swap3A_1482 = vector.shape_cast %swap3A_1481 : vector<1x16xf32> to vector<16xf32>
          %swap3A_1483 = vector.shape_cast %mul3A_1478 : vector<16xf32> to vector<1x16xf32>
          tpu.vector_store %arg7[%swap3A_1479, %swap3A_1480], %swap3A_1483 {strides = array<i32>} : memref<128x128xf32, #tpu.memory_space<vmem>>, vector<1x16xf32>,
          %get3A_1484 = arith.index_cast %add3A_1426 : i32 to index
          %get3A_1485 = arith.constant 80 : index
          %get3A_1486 = tpu.vector_load %arg7[%get3A_1484, %get3A_1485] {strides = array<i32>} : memref<128x128xf32, #tpu.memory_space<vmem>>, vector<1x16xf32>,
          %get3A_1487 = vector.shape_cast %get3A_1486 : vector<1x16xf32> to vector<16xf32>
          %mul3A_1488 = vector.broadcast %squeeze3A_1428 : f32 to vector<16xf32>
          %mul3A_1489 = arith.mulf %get3A_1487, %mul3A_1488 : vector<16xf32>
          %swap3A_1490 = arith.index_cast %add3A_1426 : i32 to index
          %swap3A_1491 = arith.constant 80 : index
          %swap3A_1492 = tpu.vector_load %arg7[%swap3A_1490, %swap3A_1491] {strides = array<i32>} : memref<128x128xf32, #tpu.memory_space<vmem>>, vector<1x16xf32>,
          %swap3A_1493 = vector.shape_cast %swap3A_1492 : vector<1x16xf32> to vector<16xf32>
          %swap3A_1494 = vector.shape_cast %mul3A_1489 : vector<16xf32> to vector<1x16xf32>
          tpu.vector_store %arg7[%swap3A_1490, %swap3A_1491], %swap3A_1494 {strides = array<i32>} : memref<128x128xf32, #tpu.memory_space<vmem>>, vector<1x16xf32>,
          %get3A_1495 = arith.index_cast %add3A_1426 : i32 to index
          %get3A_1496 = arith.constant 96 : index
          %get3A_1497 = tpu.vector_load %arg7[%get3A_1495, %get3A_1496] {strides = array<i32>} : memref<128x128xf32, #tpu.memory_space<vmem>>, vector<1x16xf32>,
          %get3A_1498 = vector.shape_cast %get3A_1497 : vector<1x16xf32> to vector<16xf32>
          %mul3A_1499 = vector.broadcast %squeeze3A_1428 : f32 to vector<16xf32>
          %mul3A_1500 = arith.mulf %get3A_1498, %mul3A_1499 : vector<16xf32>
          %swap3A_1501 = arith.index_cast %add3A_1426 : i32 to index
          %swap3A_1502 = arith.constant 96 : index
          %swap3A_1503 = tpu.vector_load %arg7[%swap3A_1501, %swap3A_1502] {strides = array<i32>} : memref<128x128xf32, #tpu.memory_space<vmem>>, vector<1x16xf32>,
          %swap3A_1504 = vector.shape_cast %swap3A_1503 : vector<1x16xf32> to vector<16xf32>
          %swap3A_1505 = vector.shape_cast %mul3A_1500 : vector<16xf32> to vector<1x16xf32>
          tpu.vector_store %arg7[%swap3A_1501, %swap3A_1502], %swap3A_1505 {strides = array<i32>} : memref<128x128xf32, #tpu.memory_space<vmem>>, vector<1x16xf32>,
          %get3A_1506 = arith.index_cast %add3A_1426 : i32 to index
          %get3A_1507 = arith.constant 112 : index
          %get3A_1508 = tpu.vector_load %arg7[%get3A_1506, %get3A_1507] {strides = array<i32>} : memref<128x128xf32, #tpu.memory_space<vmem>>, vector<1x16xf32>,
          %get3A_1509 = vector.shape_cast %get3A_1508 : vector<1x16xf32> to vector<16xf32>
          %mul3A_1510 = vector.broadcast %squeeze3A_1428 : f32 to vector<16xf32>
          %mul3A_1511 = arith.mulf %get3A_1509, %mul3A_1510 : vector<16xf32>
          %swap3A_1512 = arith.index_cast %add3A_1426 : i32 to index
          %swap3A_1513 = arith.constant 112 : index
          %swap3A_1514 = tpu.vector_load %arg7[%swap3A_1512, %swap3A_1513] {strides = array<i32>} : memref<128x128xf32, #tpu.memory_space<vmem>>, vector<1x16xf32>,
          %swap3A_1515 = vector.shape_cast %swap3A_1514 : vector<1x16xf32> to vector<16xf32>
          %swap3A_1516 = vector.shape_cast %mul3A_1511 : vector<16xf32> to vector<1x16xf32>
          tpu.vector_store %arg7[%swap3A_1512, %swap3A_1513], %swap3A_1516 {strides = array<i32>} : memref<128x128xf32, #tpu.memory_space<vmem>>, vector<1x16xf32>,
          %add3A_1517 = arith.constant 15 : i32
          %add3A_1518 = arith.addi %multiple_of3A_136, %add3A_1517 : i32
          %slice3A_1519 = vector.extract_strided_slice %get3A_139 {offsets = [15], sizes = [1], strides = [1]} : vector<16xf32> to vector<1xf32>
          %squeeze3A_1520 = vector.extract %slice3A_1519[0] : f32 from vector<1xf32>
          %get3A_1521 = arith.index_cast %add3A_1518 : i32 to index
          %get3A_1522 = arith.constant 0 : index
          %get3A_1523 = tpu.vector_load %arg7[%get3A_1521, %get3A_1522] {strides = array<i32>} : memref<128x128xf32, #tpu.memory_space<vmem>>, vector<1x16xf32>,
          %get3A_1524 = vector.shape_cast %get3A_1523 : vector<1x16xf32> to vector<16xf32>
          %mul3A_1525 = vector.broadcast %squeeze3A_1520 : f32 to vector<16xf32>
          %mul3A_1526 = arith.mulf %get3A_1524, %mul3A_1525 : vector<16xf32>
          %swap3A_1527 = arith.index_cast %add3A_1518 : i32 to index
          %swap3A_1528 = arith.constant 0 : index
          %swap3A_1529 = tpu.vector_load %arg7[%swap3A_1527, %swap3A_1528] {strides = array<i32>} : memref<128x128xf32, #tpu.memory_space<vmem>>, vector<1x16xf32>,
          %swap3A_1530 = vector.shape_cast %swap3A_1529 : vector<1x16xf32> to vector<16xf32>
          %swap3A_1531 = vector.shape_cast %mul3A_1526 : vector<16xf32> to vector<1x16xf32>
          tpu.vector_store %arg7[%swap3A_1527, %swap3A_1528], %swap3A_1531 {strides = array<i32>} : memref<128x128xf32, #tpu.memory_space<vmem>>, vector<1x16xf32>,
          %get3A_1532 = arith.index_cast %add3A_1518 : i32 to index
          %get3A_1533 = arith.constant 16 : index
          %get3A_1534 = tpu.vector_load %arg7[%get3A_1532, %get3A_1533] {strides = array<i32>} : memref<128x128xf32, #tpu.memory_space<vmem>>, vector<1x16xf32>,
          %get3A_1535 = vector.shape_cast %get3A_1534 : vector<1x16xf32> to vector<16xf32>
          %mul3A_1536 = vector.broadcast %squeeze3A_1520 : f32 to vector<16xf32>
          %mul3A_1537 = arith.mulf %get3A_1535, %mul3A_1536 : vector<16xf32>
          %swap3A_1538 = arith.index_cast %add3A_1518 : i32 to index
          %swap3A_1539 = arith.constant 16 : index
          %swap3A_1540 = tpu.vector_load %arg7[%swap3A_1538, %swap3A_1539] {strides = array<i32>} : memref<128x128xf32, #tpu.memory_space<vmem>>, vector<1x16xf32>,
          %swap3A_1541 = vector.shape_cast %swap3A_1540 : vector<1x16xf32> to vector<16xf32>
          %swap3A_1542 = vector.shape_cast %mul3A_1537 : vector<16xf32> to vector<1x16xf32>
          tpu.vector_store %arg7[%swap3A_1538, %swap3A_1539], %swap3A_1542 {strides = array<i32>} : memref<128x128xf32, #tpu.memory_space<vmem>>, vector<1x16xf32>,
          %get3A_1543 = arith.index_cast %add3A_1518 : i32 to index
          %get3A_1544 = arith.constant 32 : index
          %get3A_1545 = tpu.vector_load %arg7[%get3A_1543, %get3A_1544] {strides = array<i32>} : memref<128x128xf32, #tpu.memory_space<vmem>>, vector<1x16xf32>,
          %get3A_1546 = vector.shape_cast %get3A_1545 : vector<1x16xf32> to vector<16xf32>
          %mul3A_1547 = vector.broadcast %squeeze3A_1520 : f32 to vector<16xf32>
          %mul3A_1548 = arith.mulf %get3A_1546, %mul3A_1547 : vector<16xf32>
          %swap3A_1549 = arith.index_cast %add3A_1518 : i32 to index
          %swap3A_1550 = arith.constant 32 : index
          %swap3A_1551 = tpu.vector_load %arg7[%swap3A_1549, %swap3A_1550] {strides = array<i32>} : memref<128x128xf32, #tpu.memory_space<vmem>>, vector<1x16xf32>,
          %swap3A_1552 = vector.shape_cast %swap3A_1551 : vector<1x16xf32> to vector<16xf32>
          %swap3A_1553 = vector.shape_cast %mul3A_1548 : vector<16xf32> to vector<1x16xf32>
          tpu.vector_store %arg7[%swap3A_1549, %swap3A_1550], %swap3A_1553 {strides = array<i32>} : memref<128x128xf32, #tpu.memory_space<vmem>>, vector<1x16xf32>,
          %get3A_1554 = arith.index_cast %add3A_1518 : i32 to index
          %get3A_1555 = arith.constant 48 : index
          %get3A_1556 = tpu.vector_load %arg7[%get3A_1554, %get3A_1555] {strides = array<i32>} : memref<128x128xf32, #tpu.memory_space<vmem>>, vector<1x16xf32>,
          %get3A_1557 = vector.shape_cast %get3A_1556 : vector<1x16xf32> to vector<16xf32>
          %mul3A_1558 = vector.broadcast %squeeze3A_1520 : f32 to vector<16xf32>
          %mul3A_1559 = arith.mulf %get3A_1557, %mul3A_1558 : vector<16xf32>
          %swap3A_1560 = arith.index_cast %add3A_1518 : i32 to index
          %swap3A_1561 = arith.constant 48 : index
          %swap3A_1562 = tpu.vector_load %arg7[%swap3A_1560, %swap3A_1561] {strides = array<i32>} : memref<128x128xf32, #tpu.memory_space<vmem>>, vector<1x16xf32>,
          %swap3A_1563 = vector.shape_cast %swap3A_1562 : vector<1x16xf32> to vector<16xf32>
          %swap3A_1564 = vector.shape_cast %mul3A_1559 : vector<16xf32> to vector<1x16xf32>
          tpu.vector_store %arg7[%swap3A_1560, %swap3A_1561], %swap3A_1564 {strides = array<i32>} : memref<128x128xf32, #tpu.memory_space<vmem>>, vector<1x16xf32>,
          %get3A_1565 = arith.index_cast %add3A_1518 : i32 to index
          %get3A_1566 = arith.constant 64 : index
          %get3A_1567 = tpu.vector_load %arg7[%get3A_1565, %get3A_1566] {strides = array<i32>} : memref<128x128xf32, #tpu.memory_space<vmem>>, vector<1x16xf32>,
          %get3A_1568 = vector.shape_cast %get3A_1567 : vector<1x16xf32> to vector<16xf32>
          %mul3A_1569 = vector.broadcast %squeeze3A_1520 : f32 to vector<16xf32>
          %mul3A_1570 = arith.mulf %get3A_1568, %mul3A_1569 : vector<16xf32>
          %swap3A_1571 = arith.index_cast %add3A_1518 : i32 to index
          %swap3A_1572 = arith.constant 64 : index
          %swap3A_1573 = tpu.vector_load %arg7[%swap3A_1571, %swap3A_1572] {strides = array<i32>} : memref<128x128xf32, #tpu.memory_space<vmem>>, vector<1x16xf32>,
          %swap3A_1574 = vector.shape_cast %swap3A_1573 : vector<1x16xf32> to vector<16xf32>
          %swap3A_1575 = vector.shape_cast %mul3A_1570 : vector<16xf32> to vector<1x16xf32>
          tpu.vector_store %arg7[%swap3A_1571, %swap3A_1572], %swap3A_1575 {strides = array<i32>} : memref<128x128xf32, #tpu.memory_space<vmem>>, vector<1x16xf32>,
          %get3A_1576 = arith.index_cast %add3A_1518 : i32 to index
          %get3A_1577 = arith.constant 80 : index
          %get3A_1578 = tpu.vector_load %arg7[%get3A_1576, %get3A_1577] {strides = array<i32>} : memref<128x128xf32, #tpu.memory_space<vmem>>, vector<1x16xf32>,
          %get3A_1579 = vector.shape_cast %get3A_1578 : vector<1x16xf32> to vector<16xf32>
          %mul3A_1580 = vector.broadcast %squeeze3A_1520 : f32 to vector<16xf32>
          %mul3A_1581 = arith.mulf %get3A_1579, %mul3A_1580 : vector<16xf32>
          %swap3A_1582 = arith.index_cast %add3A_1518 : i32 to index
          %swap3A_1583 = arith.constant 80 : index
          %swap3A_1584 = tpu.vector_load %arg7[%swap3A_1582, %swap3A_1583] {strides = array<i32>} : memref<128x128xf32, #tpu.memory_space<vmem>>, vector<1x16xf32>,
          %swap3A_1585 = vector.shape_cast %swap3A_1584 : vector<1x16xf32> to vector<16xf32>
          %swap3A_1586 = vector.shape_cast %mul3A_1581 : vector<16xf32> to vector<1x16xf32>
          tpu.vector_store %arg7[%swap3A_1582, %swap3A_1583], %swap3A_1586 {strides = array<i32>} : memref<128x128xf32, #tpu.memory_space<vmem>>, vector<1x16xf32>,
          %get3A_1587 = arith.index_cast %add3A_1518 : i32 to index
          %get3A_1588 = arith.constant 96 : index
          %get3A_1589 = tpu.vector_load %arg7[%get3A_1587, %get3A_1588] {strides = array<i32>} : memref<128x128xf32, #tpu.memory_space<vmem>>, vector<1x16xf32>,
          %get3A_1590 = vector.shape_cast %get3A_1589 : vector<1x16xf32> to vector<16xf32>
          %mul3A_1591 = vector.broadcast %squeeze3A_1520 : f32 to vector<16xf32>
          %mul3A_1592 = arith.mulf %get3A_1590, %mul3A_1591 : vector<16xf32>
          %swap3A_1593 = arith.index_cast %add3A_1518 : i32 to index
          %swap3A_1594 = arith.constant 96 : index
          %swap3A_1595 = tpu.vector_load %arg7[%swap3A_1593, %swap3A_1594] {strides = array<i32>} : memref<128x128xf32, #tpu.memory_space<vmem>>, vector<1x16xf32>,
          %swap3A_1596 = vector.shape_cast %swap3A_1595 : vector<1x16xf32> to vector<16xf32>
          %swap3A_1597 = vector.shape_cast %mul3A_1592 : vector<16xf32> to vector<1x16xf32>
          tpu.vector_store %arg7[%swap3A_1593, %swap3A_1594], %swap3A_1597 {strides = array<i32>} : memref<128x128xf32, #tpu.memory_space<vmem>>, vector<1x16xf32>,
          %get3A_1598 = arith.index_cast %add3A_1518 : i32 to index
          %get3A_1599 = arith.constant 112 : index
          %get3A_1600 = tpu.vector_load %arg7[%get3A_1598, %get3A_1599] {strides = array<i32>} : memref<128x128xf32, #tpu.memory_space<vmem>>, vector<1x16xf32>,
          %get3A_1601 = vector.shape_cast %get3A_1600 : vector<1x16xf32> to vector<16xf32>
          %mul3A_1602 = vector.broadcast %squeeze3A_1520 : f32 to vector<16xf32>
          %mul3A_1603 = arith.mulf %get3A_1601, %mul3A_1602 : vector<16xf32>
          %swap3A_1604 = arith.index_cast %add3A_1518 : i32 to index
          %swap3A_1605 = arith.constant 112 : index
          %swap3A_1606 = tpu.vector_load %arg7[%swap3A_1604, %swap3A_1605] {strides = array<i32>} : memref<128x128xf32, #tpu.memory_space<vmem>>, vector<1x16xf32>,
          %swap3A_1607 = vector.shape_cast %swap3A_1606 : vector<1x16xf32> to vector<16xf32>
          %swap3A_1608 = vector.shape_cast %mul3A_1603 : vector<16xf32> to vector<1x16xf32>
          tpu.vector_store %arg7[%swap3A_1604, %swap3A_1605], %swap3A_1608 {strides = array<i32>} : memref<128x128xf32, #tpu.memory_space<vmem>>, vector<1x16xf32>,
          %scan3A_1609 = arith.constant 0 : i32
          scf.yield %scan3A_1609 : i32
        }
        %scan3A_131 = arith.constant 8 : i32
        "tpu.region"() ({
          %run_scoped3A = tpu.sem_alloc : memref<!tpu.dma_semaphore, #tpu.memory_space<semaphore_mem>>
          %dma_start3A_132 = arith.constant 0 : i32
          %dma_start3A_133 = tpu.memref_slice %arg10[%select_n3A_114, %dma_start3A_132] : memref<8x128xi32, #tpu.memory_space<vmem>> -> memref<1x128xi32, #tpu.memory_space<vmem>>
          %dma_start3A_134 = tpu.memref_squeeze %dma_start3A_133 : memref<1x128xi32, #tpu.memory_space<vmem>> -> memref<128xi32, #tpu.memory_space<vmem>>
          %dma_start3A_135 = arith.constant 0 : i32
          %dma_start3A_136 = arith.constant 0 : i32
          %dma_start3A_137 = tpu.memref_slice %arg12[%dma_start3A_135, %dma_start3A_136] : memref<10112x128xf32, #tpu.memory_space<vmem_shared>> -> memref<10112x128xf32, #tpu.memory_space<vmem_shared>>
          tpu.enqueue_indirect_dma source(%arg7 : memref<128x128xf32, #tpu.memory_space<vmem>>) target(%dma_start3A_137 : memref<10112x128xf32, #tpu.memory_space<vmem_shared>>) offsets(%dma_start3A_134 : memref<128xi32, #tpu.memory_space<vmem>>) semaphore(%run_scoped3A : memref<!tpu.dma_semaphore, #tpu.memory_space<semaphore_mem>>) {add = true}
          %dma_wait3A_138 = arith.constant 0 : i32
          %dma_wait3A_139 = tpu.memref_slice %arg10[%select_n3A_114, %dma_wait3A_138] : memref<8x128xi32, #tpu.memory_space<vmem>> -> memref<1x128xi32, #tpu.memory_space<vmem>>
          %dma_wait3A_140 = tpu.memref_squeeze %dma_wait3A_139 : memref<1x128xi32, #tpu.memory_space<vmem>> -> memref<128xi32, #tpu.memory_space<vmem>>
          %dma_wait3A_141 = arith.constant 0 : i32
          %dma_wait3A_142 = arith.constant 0 : i32
          %dma_wait3A_143 = tpu.memref_slice %arg12[%dma_wait3A_141, %dma_wait3A_142] : memref<10112x128xf32, #tpu.memory_space<vmem_shared>> -> memref<10112x128xf32, #tpu.memory_space<vmem_shared>>
          tpu.wait_indirect_dma semaphore(%run_scoped3A : memref<!tpu.dma_semaphore, #tpu.memory_space<semaphore_mem>>) src(%arg7 : memref<128x128xf32, #tpu.memory_space<vmem>>) dst(%dma_wait3A_143 : memref<10112x128xf32, #tpu.memory_space<vmem_shared>>)
          tpu.yield
        }) : () -> ()
      } else {
      }
      %scan3A_98 = arith.constant 0 : i32
      scf.yield %scan3A_98 : i32
    }
    %scan3A_73 = arith.constant 80 : i32
    %barrier3A_74 = arith.constant 0 : index
    tpu.barrier barrier_id(%barrier3A_74)
    "tpu.region"() ({
      %run_scoped3A = tpu.sem_alloc : memref<!tpu.dma_semaphore, #tpu.memory_space<semaphore_mem>>
      %dma_start3A = arith.constant 0 : i32
      %dma_start3A_75 = tpu.memref_slice %arg6[%arg0, %multiple_of3A_56, %dma_start3A] : memref<2x10112x128xf32, #tpu.memory_space<hbm>> -> memref<1x632x128xf32, #tpu.memory_space<hbm>>
      %dma_start3A_76 = tpu.memref_squeeze %dma_start3A_75 : memref<1x632x128xf32, #tpu.memory_space<hbm>> -> memref<632x128xf32, #tpu.memory_space<hbm>>
      %dma_start3A_77 = arith.constant 0 : i32
      %dma_start3A_78 = tpu.memref_slice %arg12[%multiple_of3A_56, %dma_start3A_77] : memref<10112x128xf32, #tpu.memory_space<vmem_shared>> -> memref<632x128xf32, #tpu.memory_space<vmem_shared>>
      tpu.enqueue_dma source(%dma_start3A_78 : memref<632x128xf32, #tpu.memory_space<vmem_shared>>) target(%dma_start3A_76 : memref<632x128xf32, #tpu.memory_space<hbm>>) target_semaphore(%run_scoped3A : memref<!tpu.dma_semaphore, #tpu.memory_space<semaphore_mem>>)
      %dma_wait3A = arith.constant 0 : i32
      %dma_wait3A_79 = tpu.memref_slice %arg6[%arg0, %multiple_of3A_56, %dma_wait3A] : memref<2x10112x128xf32, #tpu.memory_space<hbm>> -> memref<1x632x128xf32, #tpu.memory_space<hbm>>
      %dma_wait3A_80 = tpu.memref_squeeze %dma_wait3A_79 : memref<1x632x128xf32, #tpu.memory_space<hbm>> -> memref<632x128xf32, #tpu.memory_space<hbm>>
      %dma_wait3A_81 = arith.constant 0 : i32
      %dma_wait3A_82 = tpu.memref_slice %arg12[%multiple_of3A_56, %dma_wait3A_81] : memref<10112x128xf32, #tpu.memory_space<vmem_shared>> -> memref<632x128xf32, #tpu.memory_space<vmem_shared>>
      tpu.wait_dma2 semaphore(%run_scoped3A : memref<!tpu.dma_semaphore, #tpu.memory_space<semaphore_mem>>) src(%dma_wait3A_82 : memref<632x128xf32, #tpu.memory_space<vmem_shared>>) dst(%dma_wait3A_80 : memref<632x128xf32, #tpu.memory_space<hbm>>)
      tpu.yield
    }) : () -> ()
    return
  }
}

module attributes {stable_mosaic.version = 14 : i64} {
  func.func @wk(%arg0: i32, %arg1: memref<4096x16xf32, #tpu.memory_space<vmem>>, %arg2: memref<32x128xf32, #tpu.memory_space<vmem>>) attributes {dimension_semantics = [#tpu.dimension_semantics<arbitrary>], iteration_bounds = array<i64: 80>, scalar_prefetch = 0 : i64, scratch_operands = 0 : i64, tpu.core_type = #tpu.core_type<tc>, window_params = [{transform_indices = @transform_0, window_bounds = array<i64: 4096, 16>}, {transform_indices = @transform_1, window_bounds = array<i64: 32, 128>}]} {
    %get3A = arith.constant 0 : index
    %get3A_0 = arith.constant 0 : index
    %get3A_1 = vector.load %arg1[%get3A, %get3A_0] : memref<4096x16xf32, #tpu.memory_space<vmem>>, vector<4096x16xf32>
    %reshape3A = vector.shape_cast %get3A_1 : vector<4096x16xf32> to vector<32x128x16xf32>
    %reduce_sum3A = arith.constant dense<0.000000e+00> : vector<32x128xf32>
    %reduce_sum3A_2 = vector.multi_reduction <add>, %reshape3A, %reduce_sum3A [2] : vector<32x128x16xf32> to vector<32x128xf32>
    %swap3A = arith.constant 0 : index
    %swap3A_3 = arith.constant 0 : index
    %swap3A_4 = vector.load %arg2[%swap3A, %swap3A_3] : memref<32x128xf32, #tpu.memory_space<vmem>>, vector<32x128xf32>
    tpu.vector_store %arg2[%swap3A, %swap3A_3], %reduce_sum3A_2 {strides = array<i32>} : memref<32x128xf32, #tpu.memory_space<vmem>>, vector<32x128xf32>,
    return
  }
  func.func @transform_0(%arg0: i32) -> (i32, i32) {
    %min3A = arith.constant 78 : i32
    %min3A_0 = arith.minsi %arg0, %min3A : i32
    %c0_i32 = arith.constant 0 : i32
    %c0_i32_1 = arith.constant 0 : i32
    return %min3A_0, %c0_i32 : i32, i32
  }
  func.func @transform_1(%arg0: i32) -> (i32, i32) {
    %c0_i32 = arith.constant 0 : i32
    %c0_i32_0 = arith.constant 0 : i32
    return %arg0, %c0_i32 : i32, i32
  }
}

module attributes {stable_mosaic.version = 14 : i64} {
  func.func @add_k(%arg0: i32, %arg1: memref<2x1000x128xf32, #tpu.memory_space<vmem>>, %arg2: memref<1000x128xf32, #tpu.memory_space<vmem>>) attributes {dimension_semantics = [#tpu.dimension_semantics<arbitrary>], iteration_bounds = array<i64: 10>, scalar_prefetch = 0 : i64, scratch_operands = 0 : i64, tpu.core_type = #tpu.core_type<tc>, window_params = [{transform_indices = @transform_0, window_bounds = array<i64: 2, 1000, 128>}, {transform_indices = @transform_1, window_bounds = array<i64: 1000, 128>}]} {
    %get3A = arith.constant 0 : index
    %get3A_0 = arith.constant 0 : index
    %get3A_1 = arith.constant 0 : index
    %get3A_2 = vector.load %arg1[%get3A, %get3A_0, %get3A_1] : memref<2x1000x128xf32, #tpu.memory_space<vmem>>, vector<1x1000x128xf32>
    %get3A_3 = vector.shape_cast %get3A_2 : vector<1x1000x128xf32> to vector<1000x128xf32>
    %get3A_4 = arith.constant 1 : index
    %get3A_5 = arith.constant 0 : index
    %get3A_6 = arith.constant 0 : index
    %get3A_7 = vector.load %arg1[%get3A_4, %get3A_5, %get3A_6] : memref<2x1000x128xf32, #tpu.memory_space<vmem>>, vector<1x1000x128xf32>
    %get3A_8 = vector.shape_cast %get3A_7 : vector<1x1000x128xf32> to vector<1000x128xf32>
    %add3A = arith.addf %get3A_3, %get3A_8 : vector<1000x128xf32>
    %swap3A = arith.constant 0 : index
    %swap3A_9 = arith.constant 0 : index
    %swap3A_10 = vector.load %arg2[%swap3A, %swap3A_9] : memref<1000x128xf32, #tpu.memory_space<vmem>>, vector<1000x128xf32>
    tpu.vector_store %arg2[%swap3A, %swap3A_9], %add3A {strides = array<i32>} : memref<1000x128xf32, #tpu.memory_space<vmem>>, vector<1000x128xf32>,
    return
  }
  func.func @transform_0(%arg0: i32) -> (i32, i32, i32) {
    %c0_i32 = arith.constant 0 : i32
    %c0_i32_0 = arith.constant 0 : i32
    %c0_i32_1 = arith.constant 0 : i32
    return %c0_i32, %arg0, %c0_i32_0 : i32, i32, i32
  }
  func.func @transform_1(%arg0: i32) -> (i32, i32) {
    %c0_i32 = arith.constant 0 : i32
    %c0_i32_0 = arith.constant 0 : i32
    return %arg0, %c0_i32 : i32, i32
  }
}

</mosaic_0001>

<sc_bundles>
// kernel: kernel.5.cloned.1.call-start
scs
__scs_entry_jumppad:
0x0: {  	(pc) =	sbr.rel $0x88, $3  }
0x1: {  	(tag) =	ssettag $0x0;
	lr =	simm.s32 $0x1  }
0x2: {  	[smem:$0x3F9E] =	sst lr;
	_ =	strace $0xD0000000  }
0x3: {  	_ = 	snop  }
0x4: {  	_ = 	snop  }
0x5: {  	_ = 	snop  }
0x6: {  	_ = 	snop  }
0x7: {  	_ = 	snop  }
__scs_overlays_trampoline_lowered:
0x8: {  	[smem:$0x3FAD] =	sst s0  }
0x9: {  	[smem:$0x3FAE] =	sst s1  }
0xa: {  	[smem:$0x3FAF] =	sst s2  }
0xb: {  	[smem:$0x3FB0] =	sst s3  }
0xc: {  	[smem:$0x3FB1] =	sst s4  }
0xd: {  	[smem:$0x3FB2] =	sst s5  }
0xe: {  	[smem:$0x3FB3] =	sst s6  }
0xf: {  	[smem:$0x3FB4] =	sst s7  }
0x10: {  	[smem:$0x3FB5] =	sst s8  }
0x11: {  	[smem:$0x3FB6] =	sst s9;
	s0 =	simm.s32 @!p0 $0x0  }
0x12: {  	s1 =	sld [smem:$0x3F9C];
	s0 =	simm.s32 @p0 $0x1  }
0x13: {  	[smem:$0x3FB7] =	sst s0;
	s0 =	simm.s32 @!p1 $0x0  }
0x14: {  	s2 =	sld [smem:$0x3F9B];
	s0 =	simm.s32 @p1 $0x1  }
0x15: {  	[smem:$0x3FB8] =	sst s0;
	s0 =	simm.s32 @!p2 $0x0  }
0x16: {  	s3 =	sld [smem:$0x3FDB];
	s0 =	simm.s32 @p2 $0x1  }
0x17: {  	s4 =	simm.s32 $0x1BF5;
	[smem:$0x3FBA] =	sst s0  }
0x18: {  	s0 =	sld [smem:$0x3F9D];
	_ =	swait.ge [sflag:s4], $0x0  }
0x19: {  	s7 =	sld [smem:$0x3F9E]  }
0x1a: {  	s8 =	sadd.s32 $0xFFFFE003, lr  }
0x1b: {  	s9 =	sadd.s32 $0xFFFFFEF7, lr;
	s5 =	simm.s32 $0xFFFFFFFF;
	p2 =	slt.u32 s8, $0xFFFFF086  }
0x1c: {  	p1 =	slt.u32 s9, $0xF7A;
	s5 =	simm.s32 @!p2 $0x0  }
0x1d: {  	s5 =	simm.s32 @p1 $0x1;
	p0 =	seq.s32 s7, s2  }
0x1e: {  	s7 =	smul.u32 @!p0 $0xF7A, s2;
	p2 =	seq.s32 @!p0 s5, $0x0  }
0x1f: {  	s9 =	smul.u32 $0xF7A, s1;
	s8 =	simm.s32 @!p0 $0x1BF5;
	p2 =	por !p2, p0  }
0x20: {  	[sflag:s8] =	ssyncset.s32 @!p0 $0xFFFFF086;
	s6 =	sadd.s32 @!p0 s3, s7;
	s7 =	simm.s32 @!p0 $0x108  }
0x21: {  	s3 =	sadd.s32 s3, s9;
	s6 =	sadd.s32 @!p0 $0x88, s6;
	s7 =	simm.s32 @p2 $0x1082  }
0x22: {  	[simem:s7], [sflag:s8] =	dma.local @!p0 [hbm:s6], $0xF7A  }
0x23: {  	s9 =	sor.u32 $0xD0000000, s2;
	s6 =	simm.s32 $0x108;
	_ =	swait.ge @!p0 [sflag:s8], $0x0  }
0x24: {  	s3 =	sadd.s32 $0x88, s3;
	s6 =	simm.s32 @!p1 $0x1082;
	[sflag:s4] =	ssyncset.s32 $0xFFFFF086  }
0x25: {  	[simem:s6], [sflag:s4] =	dma.local [hbm:s3], $0xF7A  }
0x26: {  	[smem:$0x3F9E] =	sst s1;
	(tag) =	ssettag s2;
	_ =	strace s9  }
0x27: {  	s1 =	sld [smem:$0x3FAE]  }
0x28: {  	s2 =	sld [smem:$0x3FAF]  }
0x29: {  	s4 =	sld [smem:$0x3FB1]  }
0x2a: {  	p0 =	seq.s32 s5, $0x0;
	s5 =	sld [smem:$0x3FB2]  }
0x2b: {  	s6 =	sld [smem:$0x3FB3]  }
0x2c: {  	s7 =	sld [smem:$0x3FB4]  }
0x2d: {  	s3 =	simm.s32 $0x108;
	s8 =	sld [smem:$0x3FB5]  }
0x2e: {  	s3 =	simm.s32 @!p0 $0x1082;
	s9 =	sld [smem:$0x3FB6]  }
0x2f: {  	lr =	sadd.s32 s0, s3;
	s0 =	sld [smem:$0x3FAD]  }
0x30: {  	s3 =	sld [smem:$0x3FB0]  }
0x31: {  	[smem:$0x3FB9] =	sst s10  }
0x32: {  	s10 =	sld [smem:$0x3FB7];
	_ =	sdelay $0x3  }
0x33: {  	p0 =	seq.s32 s10, $0x1;
	s10 =	sld [smem:$0x3FB9];
	_ =	sdelay $0x3  }
0x34: {  	[smem:$0x3FB9] =	sst s10  }
0x35: {  	s10 =	sld [smem:$0x3FB8];
	_ =	sdelay $0x3  }
0x36: {  	p1 =	seq.s32 s10, $0x1;
	s10 =	sld [smem:$0x3FB9];
	_ =	sdelay $0x3  }
0x37: {  	[smem:$0x3FB9] =	sst s10  }
0x38: {  	s10 =	sld [smem:$0x3FBA]  }
0x39: {  	_ = 	snop;
	(pc) =	sbr.ind lr, $3  }
0x3a: {  	_ = 	snop  }
0x3b: {  	_ = 	snop  }
0x3c: {  	p2 =	seq.s32 s10, $0x1;
	s10 =	sld [smem:$0x3FB9]  }
0x3d: {  	_ =	shalt  }
0x3e: {  	_ =	shalt  }
0x3f: {  	_ =	shalt  }
0x40: {  	_ =	shalt  }
0x41: {  	_ =	shalt  }
0x42: {  	_ =	shalt  }
0x43: {  	_ =	shalt  }
0x44: {  	_ =	shalt  }
0x45: {  	_ =	shalt  }
0x46: {  	_ =	shalt  }
0x47: {  	_ =	shalt  }
0x48: {  	_ =	shalt  }
0x49: {  	_ =	shalt  }
0x4a: {  	_ =	shalt  }
0x4b: {  	_ =	shalt  }
0x4c: {  	_ =	shalt  }
0x4d: {  	_ =	shalt  }
0x4e: {  	_ =	shalt  }
0x4f: {  	_ =	shalt  }
0x50: {  	_ =	shalt  }
0x51: {  	_ =	shalt  }
0x52: {  	_ =	shalt  }
0x53: {  	_ =	shalt  }
0x54: {  	_ =	shalt  }
0x55: {  	_ =	shalt  }
0x56: {  	_ =	shalt  }
0x57: {  	_ =	shalt  }
0x58: {  	_ =	shalt  }
0x59: {  	_ =	shalt  }
0x5a: {  	_ =	shalt  }
0x5b: {  	_ =	shalt  }
0x5c: {  	_ =	shalt  }
0x5d: {  	_ =	shalt  }
0x5e: {  	_ =	shalt  }
0x5f: {  	_ =	shalt  }
0x60: {  	_ =	shalt  }
0x61: {  	_ =	shalt  }
0x62: {  	_ =	shalt  }
0x63: {  	_ =	shalt  }
0x64: {  	_ =	shalt  }
0x65: {  	_ =	shalt  }
0x66: {  	_ =	shalt  }
0x67: {  	_ =	shalt  }
0x68: {  	_ =	shalt  }
0x69: {  	_ =	shalt  }
0x6a: {  	_ =	shalt  }
0x6b: {  	_ =	shalt  }
0x6c: {  	_ =	shalt  }
0x6d: {  	_ =	shalt  }
0x6e: {  	_ =	shalt  }
0x6f: {  	_ =	shalt  }
0x70: {  	_ =	shalt  }
0x71: {  	_ =	shalt  }
0x72: {  	_ =	shalt  }
0x73: {  	_ =	shalt  }
0x74: {  	_ =	shalt  }
0x75: {  	_ =	shalt  }
0x76: {  	_ =	shalt  }
0x77: {  	_ =	shalt  }
0x78: {  	_ =	shalt  }
0x79: {  	_ =	shalt  }
0x7a: {  	_ =	shalt  }
0x7b: {  	_ =	shalt  }
0x7c: {  	_ =	shalt  }
0x7d: {  	_ =	shalt  }
0x7e: {  	_ =	shalt  }
0x7f: {  	_ =	shalt  }
0x80: {  	_ =	shalt  }
0x81: {  	_ =	shalt  }
0x82: {  	_ =	shalt  }
0x83: {  	_ =	shalt  }
0x84: {  	_ =	shalt  }
0x85: {  	_ =	shalt  }
0x86: {  	_ =	shalt  }
0x87: {  	_ =	shalt  }
.Lfunc_end0:
.L_simem_size_0:
called_computation_lowered:
.L_overlay_start_0:
0x88: {  	s2 =	sld [smem:$0x3FD9]  }
0x89: {  	s3 =	sld [smem:$0x3FFE];
	_ =	sdelay $0x1  }
0x8a: {  	s1 =	srdreg.scid  }
0x8b: {  	s0 =	sand.u32 $0x1, s1  }
0x8c: {  	s17 =	sshll.u32 s0, $0xA;
	s2 =	sadd.s32 s3, s2  }
0x8d: {  	s2 =	sadd.s32 s2, s17  }
0x8e: {  	[smem:$0x3FC5] =	sst s2  }
0x8f: {  	_ = 	snop  }
0x90: {  	s2 =	sld [smem:$0x3FC9]  }
0x91: {  	s18 =	sld [smem:$0x3FD0];
	(tm) =	ssettm $0x1  }
0x92: {  	s4 =	sld [smem:$0x3FFB];
	_ =	sdelay $0x3  }
0x93: {  	_ =	strace s4  }
0x94: {  	s4 =	sld [smem:$0x3FFC];
	_ =	sdelay $0x3  }
0x95: {  	_ =	strace s4  }
0x96: {  	s4 =	sld [smem:$0x3FFD];
	_ =	sdelay $0x3  }
0x97: {  	_ =	strace s4  }
0x98: {  	_ =	strace $0x8FFFFFFF  }
0x99: {  	s19 =	sld [smem:$0x3FDB];
	_ =	sdelay $0x1  }
0x9a: {  	s5 =	simm.s32 $_scs_section_size  }
0x9b: {  	s6 =	simm.s32 $_size__tile_overlayer_lowered;
	s7 =	simm.s32 $_tile_overlayer_lowered  }
0x9c: {  	s22 =	simm.s32 $0x1BFF;
	s21 =	sshll.u32 s7, $0x1;
	s4 =	sadd.s32 s5, s19  }
0x9d: {  	s8 =	simm.s32 $0x0;
	s20 =	sshll.u32 s6, $0x1;
	s6 =	sadd.s32 s21, s4  }
0x9e: {  	[timem:s8], [sflag:s22] =	dma.local [hbm:s6], s20  }
0x9f: {  	_ =	swait.ge [sflag:s22], s20  }
0xa0: {  	s5 =	ssub.s32 $0x0, s20;
	[sflag:s22] =	ssyncset.done $0x0  }
0xa1: {  	[sflag:s22] =	ssyncadd.s32 s5;
	_ =	sdelay $0x1  }
0xa2: {  	s23 =	simm.s32 $0x1B8B  }
0xa3: {  	_ =	swait.ge [sflag:s23], $0x1  }
0xa4: {  	[sflag:s23] =	ssyncset.done $0x0  }
0xa5: {  	s25 =	simm.s32 $0x1B8E;
	s24 =	sld [smem:$0x3FFE];
	[sflag:s23] =	ssyncadd.s32 $0xFFFFFFFF  }
0xa6: {  	s26 =	simm.s32 $execute0_lowered;
	[smem:$0x3FD2] =	sst s25  }
0xa7: {  	s6 =	sshll.u32 s26, $0x1;
	_ =	strace $0x80000046;
	[dreg:$0x1] =	wrdreg $0xFFFFFFFF  }
0xa8: {  	s28 =	simm.s32 $_size_execute0_lowered;
	s4 =	sadd.s32 s4, s6;
	[dreg:$0x0] =	wrdreg $0x0  }
0xa9: {  	s6 =	sshll.u32 s28, $0x1;
	[dreg:$0x2] =	wrdreg s4  }
0xaa: {  	[dreg:$0x3] =	wrdreg s6  }
0xab: {  	[dreg:$0x4] =	wrdreg $0xC0  }
0xac: {  	_ =	task [dreg:s8], $0x5FFFF  }
0xad: {  	[dreg:$0x1] =	wrdreg $0xFFFFFFFF  }
0xae: {  	[dreg:$0x0] =	wrdreg $0x60  }
0xaf: {  	[dreg:$0x2] =	wrdreg s2  }
0xb0: {  	[dreg:$0x3] =	wrdreg s24  }
0xb1: {  	[dreg:$0x4] =	wrdreg s18  }
0xb2: {  	[dreg:$0x5] =	wrdreg $0x4C000  }
0xb3: {  	[dreg:$0x6] =	wrdreg $0x9  }
0xb4: {  	_ =	task.clear_ibuf [dreg:s8], $0x7FFFF;
	_ =	strace $0x90000046  }
0xb5: {  	s29 =	simm.s32 $0x9;
	_ =	strace $0x80000048  }
0xb6: {  	_ =	swait.ge [sflag:s29], $0x1  }
0xb7: {  	[sflag:s29] =	ssyncadd.s32 $0xFFFFFFFF  }
0xb8: {  	_ =	strace $0x90000048  }
0xb9: {  	_ =	sfence  }
0xba: {  	s30 =	sld [smem:$0x0];
	_ =	sdelay $0x2  }
0xbb: {  	s31 =	sshll.u32 s1, $0xD;
	s1 =	sshrl.u32 s1, $0x2  }
0xbc: {  	s3 =	sand.u32 $0x4000, s31;
	s1 =	sadd.s32 s1, s30  }
0xbd: {  	s0 =	sor.u32 s3, s0;
	s1 =	sshll.u32 s1, $0x11  }
0xbe: {  	s0 =	sor.u32 s1, s0  }
0xbf: {  	s0 =	sadd.s32 $0x8F2B, s0  }
0xc0: {  	[sflag:s0] =	ssyncadd.remote.s32 $0x1  }
0xc1: {  	_ =	sfence.sel $0xFFFF  }
0xc2: {  	[dreg:$0x0] =	wrdreg $0xFFFFFFFF;
	(pc) =	sbr.abs _section_cstart, $3  }
0xc3: {  	[dreg:$0x1] =	wrdreg $0xFFFFFFFF  }
0xc4: {  	_ =	task.clear_ibuf [dreg:s8], $0x2FFFF;
	_ =	strace $0x9FFFFFFF  }
0xc5: {  	(tm) =	ssettm $0x7FFFFFFF  }
tec
execute0_lowered:
.L_overlay_start_1:
0x0: {  	(tag) =	ssettag $0x1  }
0x1: {  	s1 =	rddreg [dreg:$0x0]  }
0x2: {  	s9 =	rddreg [dreg:$0x1]  }
0x3: {  	s2 =	rddreg [dreg:$0x2]  }
0x4: {  	s3 =	rddreg [dreg:$0x3]  }
0x5: {  	s4 =	srdreg.scid;
	s0 =	rddreg [dreg:$0x4];
	s5 =	simm.s32 $0x0  }
0x6: {  	s17 =	simm.s32 $0x2;
	s18 =	simm.s32 $0x80;
	s10 =	sand.u32 $0x1, s4  }
0x7: {  	s19 =	simm.s32 $0x1;
	s4 =	stileid.u32;
	s7 =	smul.u32 $0x13C000, s10  }
0x8: {  	s21 =	simm.s32 $0x0;
	[smem:$0x7FF] =	sst s5;
	s8 =	smul.u32 $0x13C00, s4  }
0x9: {  	s6 =	sshll.u32 s4, $0x1;
	_ =	strace $0x80000047;
	s28 =	smul.u32 $0x4F000, s4  }
0xa: {  	s29 =	ssub.s32 $0x2, s10;
	s20 =	sshll.u32 s4, $0x6;
	s11 =	sor.u32 s10, s6  }
0xb: {  	s6 =	sadd.s32 $0xA200, s9;
	s12 =	sadd.s32 s8, s7;
	s7 =	smul.u32 $0x2800, s11  }
0xc: {  	s31 =	sshrl.u32 s29, $0x1;
	s20 =	sor.u32 $0x1C02, s20;
	s8 =	sadd.s32 $0x200, s9  }
.Ltmp0:
0xd: {  	s16 =	ssub.s32 s29, s31;
	s30 =	ssub.s32 $0x4E200, s7;
	(pc) =	sbr.rel .LBB2_1-.Ltmp0, $4  }
0xe: {  	s26 =	sshrl.u32 s12, $0x3;
	s12 =	sshrl.u32 s28, $0x2;
	s10 =	sshrl.u32 s30, $0x7  }
0xf: {  	s15 =	sadd.s32 s26, s9;
	s9 =	smin.u32 s10, $0x50;
	s10 =	sadd.s32 s12, s3  }
0x10: {  	s16 =	smax.u32 s16, $0x1;
	s15 =	sadd.s32 $0x14200, s15;
	s11 =	sadd.s32 $0x4000, s10  }
0x11: {  	v0 =	vimm.f32 $0.0e+00;
	s12 =	sadd.s32 $0x8000, s10;
	s13 =	sadd.s32 $0xC000, s10;
	s14 =	sadd.s32 $0x10000, s10  }
.LBB2_9:
0x12: {  	s21 =	sadd.s32 $0x1, s21  }
0x13: {  	p0 =	sne.s32 s21, s16  }
.Ltmp1:
0x14: {  	[bflag:$0x0] =	sbarrier.arrive $0xFFFF;
	s22 =	sshrl.u32 s10, $0x3;
	(pc) =	sbr.rel @!p0 .LBB2_10-.Ltmp1, $4  }
0x15: {  	[hbm:s15], [sflag:s20] =	dma.local [spmem:s22], $0x2780  }
0x16: {  	_ =	swait.ge [sflag:s17], $0x2780  }
0x17: {  	[sflag:s17] =	ssyncset.done $0x0  }
0x18: {  	[sflag:s17] =	ssyncadd.s32 $0xFFFFD880  }
.LBB2_1:
0x19: {  	s22 =	simm.s32 $0x0;
	s23 =	simm.s32 $0x200  }
.LBB2_2:
0x1a: {  	p0 =	sne.s32 s23, $0xFE00;
	[tilespmem:s22+$0x70] =	vst v0  }
0x1b: {  	[tilespmem:s22+$0x0] =	vst v0  }
0x1c: {  	[tilespmem:s22+$0x10] =	vst v0  }
.Ltmp2:
0x1d: {  	[tilespmem:s22+$0x20] =	vst v0;
	(pc) =	sbr.rel @p0 .LBB2_2-.Ltmp2, $4  }
0x1e: {  	[tilespmem:s22+$0x30] =	vst v0  }
0x1f: {  	[tilespmem:s22+$0x40] =	vst v0  }
0x20: {  	[tilespmem:s22+$0x50] =	vst v0  }
0x21: {  	[tilespmem:s22+$0x60] =	vst v0;
	s22 =	sshra.s32 s23, $0x2;
	s23 =	sadd.s32 $0x200, s23  }
0x22: {  	[tilespmem:s22+$0x70] =	vst v0  }
0x23: {  	[tilespmem:s22+$0x0] =	vst v0  }
0x24: {  	[tilespmem:s22+$0x10] =	vst v0  }
0x25: {  	[tilespmem:s22+$0x20] =	vst v0  }
0x26: {  	[tilespmem:s22+$0x30] =	vst v0  }
0x27: {  	[tilespmem:s22+$0x40] =	vst v0  }
0x28: {  	[tilespmem:s22+$0x50] =	vst v0  }
0x29: {  	[tilespmem:s22+$0x60] =	vst v0;
	s22 =	simm.s32 $0x0  }
0x2a: {  	[spmem:s10] =	stream.linear.scatter [tilespmem:s22], [sflag:$0x2], $0x4000, $0x38;
	[tilespmem:$0x18800] =	vst v63  }
0x2b: {  	_ =	swait.ge [sflag:s17], $0x4000  }
0x2c: {  	[sflag:s17] =	ssyncset.done $0x0  }
0x2d: {  	[sflag:s17] =	ssyncadd.s32 $0xFFFFC000  }
0x2e: {  	[spmem:s11] =	stream.linear.scatter [tilespmem:s22], [sflag:$0x2], $0x4000, $0x38;
	[tilespmem:$0x18800] =	vst v63  }
0x2f: {  	_ =	swait.ge [sflag:s17], $0x4000  }
0x30: {  	[sflag:s17] =	ssyncset.done $0x0  }
0x31: {  	[sflag:s17] =	ssyncadd.s32 $0xFFFFC000  }
0x32: {  	[spmem:s12] =	stream.linear.scatter [tilespmem:s22], [sflag:$0x2], $0x4000, $0x38;
	[tilespmem:$0x18800] =	vst v63  }
0x33: {  	_ =	swait.ge [sflag:s17], $0x4000  }
0x34: {  	[sflag:s17] =	ssyncset.done $0x0  }
0x35: {  	[sflag:s17] =	ssyncadd.s32 $0xFFFFC000  }
0x36: {  	[spmem:s13] =	stream.linear.scatter [tilespmem:s22], [sflag:$0x2], $0x4000, $0x38;
	[tilespmem:$0x18800] =	vst v63  }
0x37: {  	_ =	swait.ge [sflag:s17], $0x4000  }
0x38: {  	[sflag:s17] =	ssyncset.done $0x0  }
0x39: {  	[sflag:s17] =	ssyncadd.s32 $0xFFFFC000  }
0x3a: {  	[spmem:s14] =	stream.linear.scatter [tilespmem:s22], [sflag:$0x2], $0x3C00, $0x38;
	[tilespmem:$0x18800] =	vst v63  }
.Ltmp3:
0x3b: {  	_ =	swait.ge [sflag:s17], $0x3C00;
	(pc) =	sbr.rel .LBB2_4-.Ltmp3, $3  }
0x3c: {  	[sflag:s17] =	ssyncset.done $0x0  }
0x3d: {  	[sflag:s17] =	ssyncadd.s32 $0xFFFFC400  }
0x3e: {  	[bflag:$0x0] =	sbarrier.arrive $0xFFFF;
	_ =	sdelay $0x1  }
.LBB2_8:
0x3f: {  	s22 =	sadd.s32 $0x1, s22  }
0x40: {  	p0 =	sne.s32 s22, $0x50  }
.Ltmp4:
0x41: {  	_ = 	snop;
	(pc) =	sbr.rel @!p0 .LBB2_9-.Ltmp4, $1  }
0x42: {  	_ =	sdelay $0x3  }
.LBB2_4:
0x43: {  	s23 =	sand.u32 $0x7, s22  }
0x44: {  	p0 =	sne.s32 s23, $0x0  }
0x45: {  	s24 =	sshll.u32 @!p0 s22, $0x7  }
0x46: {  	s24 =	sadd.s32 @!p0 s7, s24  }
0x47: {  	s24 =	sshrl.u32 @!p0 s24, $0x3  }
0x48: {  	s26 =	simm.s32 @!p0 $0x0;
	s28 =	simm.s32 @!p0 $0x4400;
	s25 =	sadd.s32 @!p0 s6, s24  }
0x49: {  	[tilespmem:s28], [sflag:$0x3] =	stream.linear.gather @!p0 [hbm4b:s25+s26], $0x400, $0x38;
	[tilespmem:$0x18800] =	vst v63  }
0x4a: {  	s25 =	simm.s32 @!p0 $0x3  }
0x4b: {  	_ =	swait.ge @!p0 [sflag:s25], $0x400  }
0x4c: {  	[sflag:s25] =	ssyncset.done @!p0 $0x0  }
0x4d: {  	s29 =	simm.s32 @!p0 $0x4800;
	s28 =	sadd.s32 @!p0 s2, s24;
	[sflag:s25] =	ssyncadd.s32 @!p0 $0xFFFFFC00  }
0x4e: {  	[tilespmem:s29], [sflag:$0x3] =	stream.linear.gather @!p0 [hbm4b:s28+s26], $0x400, $0x38;
	[tilespmem:$0x18800] =	vst v63  }
0x4f: {  	_ =	swait.ge @!p0 [sflag:s25], $0x400  }
0x50: {  	p1 =	sge.u32 s22, s9;
	s24 =	sadd.s32 @!p0 s8, s24;
	[sflag:s25] =	ssyncset.done @!p0 $0x0  }
.Ltmp5:
0x51: {  	s28 =	simm.s32 @!p0 $0x4000;
	[sflag:s25] =	ssyncadd.s32 @!p0 $0xFFFFFC00;
	(pc) =	sbr.rel @p1 .LBB2_8-.Ltmp5, $4  }
0x52: {  	[tilespmem:s28], [sflag:$0x3] =	stream.linear.gather @!p0 [hbm4b:s24+s26], $0x400, $0x38;
	[tilespmem:$0x18800] =	vst v63  }
0x53: {  	_ =	swait.ge @!p0 [sflag:s25], $0x400  }
0x54: {  	[sflag:s25] =	ssyncset.done @!p0 $0x0  }
0x55: {  	[sflag:s25] =	ssyncadd.s32 @!p0 $0xFFFFFC00  }
0x56: {  	s23 =	sshll.u32 s23, $0x7  }
0x57: {  	s24 =	sor.u32 $0x4000, s23  }
0x58: {  	s29 =	simm.s32 $0x0;
	s25 =	sor.u32 $0x4400, s23;
	v1 =	vmov s24  }
0x59: {  	[tilespmem:s29], [sflag:$0x1] =	stream.indirect.gather [hbm4b:s1+s18], $0x80, s25, s18, $0xb8;
	[tilespmem:$0x18800] =	vst v63  }
0x5a: {  	_ =	swait.ge [sflag:s19], $0x4000  }
0x5b: {  	s30 =	simm.s32 $0x0;
	[sflag:s19] =	ssyncset.done $0x0  }
0x5c: {  	s31 =	simm.s32 $0x0;
	s24 =	sand.u32 $0x3FFFFFF0, s30;
	[sflag:s19] =	ssyncadd.s32 $0xFFFFC000  }
0x5d: {  	v2 =	vld.idx.msk [tilespmem:v1+s24+$0x0 ss:$0x1], $0xffff;
	s24 =	sand.u32 $0x3FFFF800, s31  }
0x5e: {  	v8 =	vld [tilespmem:s24+$0xC0]  }
0x5f: {  	v4 =	vld [tilespmem:s24+$0x20]  }
0x60: {  	v5 =	vld [tilespmem:s24+$0x30]  }
0x61: {  	v11 =	vld [tilespmem:s24+$0x60]  }
0x62: {  	v12 =	vld [tilespmem:s24+$0x70];
	v3 =	vbroadcast v2, $0x0  }
0x63: {  	v13 =	vld [tilespmem:s24+$0x80]  }
0x64: {  	v14 =	vld [tilespmem:s24+$0x90];
	v4 =	vmul.f32 v4, v3  }
0x65: {  	v15 =	vld [tilespmem:s24+$0xA0];
	v5 =	vmul.f32 v5, v3  }
0x66: {  	v10 =	vld [tilespmem:s24+$0xB0];
	v21 =	vbroadcast v2, $0x1;
	v20 =	vmul.f32 v11, v3;
	[tilespmem:s24+$0x20] =	vst v4  }
0x67: {  	v9 =	vld [tilespmem:s24+$0xD0];
	v12 =	vmul.f32 v12, v3;
	[tilespmem:s24+$0x30] =	vst v5  }
0x68: {  	v7 =	vld [tilespmem:s24+$0x570];
	v13 =	vmul.f32 v13, v21;
	[tilespmem:s24+$0x60] =	vst v20  }
0x69: {  	v23 =	vld [tilespmem:s24+$0xF0];
	v14 =	vmul.f32 v14, v21;
	[tilespmem:s24+$0x70] =	vst v12  }
0x6a: {  	v24 =	vld [tilespmem:s24+$0x100];
	v15 =	vmul.f32 v15, v21;
	[tilespmem:s24+$0x80] =	vst v13  }
0x6b: {  	v25 =	vld [tilespmem:s24+$0x110];
	v10 =	vmul.f32 v10, v21;
	[tilespmem:s24+$0x90] =	vst v14  }
0x6c: {  	v22 =	vld [tilespmem:s24+$0xE0];
	v8 =	vmul.f32 v8, v21;
	[tilespmem:s24+$0xA0] =	vst v15  }
0x6d: {  	v26 =	vld [tilespmem:s24+$0x120];
	v16 =	vbroadcast v2, $0x2;
	v9 =	vmul.f32 v9, v21;
	[tilespmem:s24+$0xB0] =	vst v10  }
0x6e: {  	v27 =	vld [tilespmem:s24+$0x130];
	v11 =	vmul.f32 v23, v21;
	[tilespmem:s24+$0xC0] =	vst v8  }
0x6f: {  	v28 =	vld [tilespmem:s24+$0x140];
	v6 =	vbroadcast v2, $0xA;
	v30 =	vmul.f32 v24, v16;
	[tilespmem:s24+$0xD0] =	vst v9  }
0x70: {  	v29 =	vld [tilespmem:s24+$0x150];
	v32 =	vmul.f32 v25, v16;
	[tilespmem:s24+$0xF0] =	vst v11  }
0x71: {  	v31 =	vld [tilespmem:s24+$0x160];
	v4 =	vmul.f32 v7, v6;
	[tilespmem:s24+$0x100] =	vst v30  }
0x72: {  	v33 =	vld [tilespmem:s24+$0x170];
	v12 =	vmul.f32 v22, v21;
	[tilespmem:s24+$0x110] =	vst v32  }
0x73: {  	v34 =	vld [tilespmem:s24+$0x180];
	v10 =	vmul.f32 v26, v16;
	[tilespmem:s24+$0x570] =	vst v4  }
0x74: {  	v35 =	vld [tilespmem:s24+$0x190];
	v8 =	vmul.f32 v27, v16;
	[tilespmem:s24+$0xE0] =	vst v12  }
0x75: {  	v36 =	vld [tilespmem:s24+$0x1A0];
	v9 =	vmul.f32 v28, v16;
	[tilespmem:s24+$0x120] =	vst v10  }
0x76: {  	v37 =	vld [tilespmem:s24+$0x1B0];
	v39 =	vbroadcast v2, $0x3;
	v11 =	vmul.f32 v31, v16;
	[tilespmem:s24+$0x130] =	vst v8  }
0x77: {  	v38 =	vld [tilespmem:s24+$0x1C0];
	v13 =	vmul.f32 v33, v16;
	[tilespmem:s24+$0x140] =	vst v9  }
0x78: {  	v40 =	vld [tilespmem:s24+$0x1D0];
	v14 =	vmul.f32 v34, v39;
	[tilespmem:s24+$0x160] =	vst v11  }
0x79: {  	v41 =	vld [tilespmem:s24+$0x1E0];
	v12 =	vmul.f32 v29, v16;
	[tilespmem:s24+$0x170] =	vst v13  }
0x7a: {  	v42 =	vld [tilespmem:s24+$0x1F0];
	v10 =	vmul.f32 v35, v39;
	[tilespmem:s24+$0x180] =	vst v14  }
0x7b: {  	v43 =	vld [tilespmem:s24+$0x200];
	v8 =	vmul.f32 v36, v39;
	[tilespmem:s24+$0x150] =	vst v12  }
0x7c: {  	v44 =	vld [tilespmem:s24+$0x210];
	v9 =	vmul.f32 v37, v39;
	[tilespmem:s24+$0x190] =	vst v10  }
0x7d: {  	v45 =	vld [tilespmem:s24+$0x220];
	v11 =	vmul.f32 v40, v39;
	[tilespmem:s24+$0x1A0] =	vst v8  }
0x7e: {  	v46 =	vld [tilespmem:s24+$0x230];
	v13 =	vmul.f32 v41, v39;
	[tilespmem:s24+$0x1B0] =	vst v9  }
0x7f: {  	v47 =	vld [tilespmem:s24+$0x240];
	v48 =	vbroadcast v2, $0x4;
	v14 =	vmul.f32 v42, v39;
	[tilespmem:s24+$0x1D0] =	vst v11  }
0x80: {  	v49 =	vld [tilespmem:s24+$0x250];
	v12 =	vmul.f32 v38, v39;
	[tilespmem:s24+$0x1E0] =	vst v13  }
0x81: {  	v50 =	vld [tilespmem:s24+$0x260];
	v10 =	vmul.f32 v43, v48;
	[tilespmem:s24+$0x1F0] =	vst v14  }
0x82: {  	v51 =	vld [tilespmem:s24+$0x270];
	v8 =	vmul.f32 v44, v48;
	[tilespmem:s24+$0x1C0] =	vst v12  }
0x83: {  	v52 =	vld [tilespmem:s24+$0x280];
	v9 =	vmul.f32 v45, v48;
	[tilespmem:s24+$0x200] =	vst v10  }
0x84: {  	v53 =	vld [tilespmem:s24+$0x290];
	v11 =	vmul.f32 v47, v48;
	[tilespmem:s24+$0x210] =	vst v8  }
0x85: {  	v54 =	vld [tilespmem:s24+$0x2A0];
	v13 =	vmul.f32 v49, v48;
	[tilespmem:s24+$0x220] =	vst v9  }
0x86: {  	v55 =	vld [tilespmem:s24+$0x2B0];
	v14 =	vmul.f32 v50, v48;
	[tilespmem:s24+$0x240] =	vst v11  }
0x87: {  	v56 =	vld [tilespmem:s24+$0x2C0];
	v57 =	vbroadcast v2, $0x5;
	v12 =	vmul.f32 v46, v48;
	[tilespmem:s24+$0x250] =	vst v13  }
0x88: {  	v58 =	vld [tilespmem:s24+$0x2D0];
	v10 =	vmul.f32 v51, v48;
	[tilespmem:s24+$0x260] =	vst v14  }
0x89: {  	v59 =	vld [tilespmem:s24+$0x2E0];
	v8 =	vmul.f32 v52, v57;
	[tilespmem:s24+$0x230] =	vst v12  }
0x8a: {  	v60 =	vld [tilespmem:s24+$0x2F0];
	v9 =	vmul.f32 v53, v57;
	[tilespmem:s24+$0x270] =	vst v10  }
0x8b: {  	v61 =	vld [tilespmem:s24+$0x300];
	v11 =	vmul.f32 v55, v57;
	[tilespmem:s24+$0x280] =	vst v8  }
0x8c: {  	v62 =	vld [tilespmem:s24+$0x310];
	v13 =	vmul.f32 v56, v57;
	[tilespmem:s24+$0x290] =	vst v9  }
0x8d: {  	v63 =	vld [tilespmem:s24+$0x320];
	v14 =	vmul.f32 v58, v57;
	[tilespmem:s24+$0x2B0] =	vst v11  }
0x8e: {  	v20 =	vld [tilespmem:s24+$0x330];
	v12 =	vmul.f32 v54, v57;
	[tilespmem:s24+$0x2C0] =	vst v13  }
0x8f: {  	v21 =	vld [tilespmem:s24+$0x340];
	v22 =	vbroadcast v2, $0x6;
	v10 =	vmul.f32 v59, v57;
	[tilespmem:s24+$0x2D0] =	vst v14  }
0x90: {  	v23 =	vld [tilespmem:s24+$0x350];
	v8 =	vmul.f32 v60, v57;
	[tilespmem:s24+$0x2A0] =	vst v12  }
0x91: {  	v24 =	vld [tilespmem:s24+$0x360];
	v9 =	vmul.f32 v61, v22;
	[tilespmem:s24+$0x2E0] =	vst v10  }
0x92: {  	v25 =	vld [tilespmem:s24+$0x370];
	v11 =	vmul.f32 v63, v22;
	[tilespmem:s24+$0x2F0] =	vst v8  }
0x93: {  	v5 =	vld [tilespmem:s24+$0x580];
	v13 =	vmul.f32 v20, v22;
	[tilespmem:s24+$0x300] =	vst v9  }
0x94: {  	v27 =	vld [tilespmem:s24+$0x390];
	v14 =	vmul.f32 v21, v22;
	[tilespmem:s24+$0x320] =	vst v11  }
0x95: {  	v28 =	vld [tilespmem:s24+$0x3A0];
	v12 =	vmul.f32 v62, v22;
	[tilespmem:s24+$0x330] =	vst v13  }
0x96: {  	v29 =	vld [tilespmem:s24+$0x3B0];
	v10 =	vmul.f32 v23, v22;
	[tilespmem:s24+$0x340] =	vst v14  }
0x97: {  	v31 =	vbroadcast v2, $0x7;
	v53 =	vld [tilespmem:s24+$0x500];
	v8 =	vmul.f32 v24, v22;
	[tilespmem:s24+$0x310] =	vst v12  }
0x98: {  	v58 =	vld [tilespmem:s24+$0x550];
	v9 =	vmul.f32 v25, v22;
	[tilespmem:s24+$0x350] =	vst v10  }
0x99: {  	v26 =	vld [tilespmem:s24+$0x380];
	v11 =	vmul.f32 v27, v31;
	[tilespmem:s24+$0x360] =	vst v8  }
0x9a: {  	v30 =	vld [tilespmem:s24+$0x3C0];
	v13 =	vmul.f32 v28, v31;
	[tilespmem:s24+$0x370] =	vst v9  }
0x9b: {  	v32 =	vld [tilespmem:s24+$0x3D0];
	v14 =	vmul.f32 v29, v31;
	[tilespmem:s24+$0x390] =	vst v11  }
0x9c: {  	v33 =	vld [tilespmem:s24+$0x3E0];
	v59 =	vmul.f32 v53, v6;
	[tilespmem:s24+$0x3A0] =	vst v13  }
0x9d: {  	v35 =	vld [tilespmem:s24+$0x400];
	v21 =	vmul.f32 v58, v6;
	[tilespmem:s24+$0x3B0] =	vst v14  }
0x9e: {  	v36 =	vld [tilespmem:s24+$0x410];
	v12 =	vmul.f32 v26, v31;
	[tilespmem:s24+$0x500] =	vst v59  }
0x9f: {  	v37 =	vld [tilespmem:s24+$0x420];
	v10 =	vmul.f32 v30, v31;
	[tilespmem:s24+$0x550] =	vst v21  }
0xa0: {  	v7 =	vld [tilespmem:s24+$0x590];
	v40 =	vbroadcast v2, $0x8;
	v8 =	vmul.f32 v32, v31;
	[tilespmem:s24+$0x380] =	vst v12  }
0xa1: {  	v34 =	vld [tilespmem:s24+$0x3F0];
	v9 =	vmul.f32 v33, v31;
	[tilespmem:s24+$0x3C0] =	vst v10  }
0xa2: {  	v57 =	vld [tilespmem:s24+$0x540];
	v11 =	vmul.f32 v35, v40;
	[tilespmem:s24+$0x3D0] =	vst v8  }
0xa3: {  	v61 =	vld [tilespmem:s24+$0x0];
	v24 =	vbroadcast v2, $0xB;
	v13 =	vmul.f32 v36, v40;
	[tilespmem:s24+$0x3E0] =	vst v9  }
0xa4: {  	v4 =	vld [tilespmem:s24+$0x7D0];
	v14 =	vmul.f32 v37, v40;
	[tilespmem:s24+$0x400] =	vst v11  }
0xa5: {  	v38 =	vld [tilespmem:s24+$0x430];
	v5 =	vmul.f32 v5, v24;
	[tilespmem:s24+$0x410] =	vst v13  }
0xa6: {  	v39 =	vld [tilespmem:s24+$0x440];
	v7 =	vmul.f32 v7, v24;
	[tilespmem:s24+$0x420] =	vst v14  }
0xa7: {  	v41 =	vld [tilespmem:s24+$0x450];
	v19 =	vmul.f32 v57, v6;
	[tilespmem:s24+$0x580] =	vst v5  }
0xa8: {  	v43 =	vld [tilespmem:s24+$0x470];
	v25 =	vmul.f32 v3, v61;
	[tilespmem:s24+$0x590] =	vst v7  }
0xa9: {  	v44 =	vld [tilespmem:s24+$0x480];
	v12 =	vmul.f32 v34, v31;
	[tilespmem:s24+$0x540] =	vst v19  }
0xaa: {  	v45 =	vld [tilespmem:s24+$0x490];
	v10 =	vmul.f32 v38, v40;
	[tilespmem:s24+$0x0] =	vst v25  }
0xab: {  	v27 =	vld [tilespmem:s24+$0x5D0];
	v8 =	vmul.f32 v39, v40;
	[tilespmem:s24+$0x3F0] =	vst v12  }
0xac: {  	v49 =	vbroadcast v2, $0x9;
	v29 =	vld [tilespmem:s24+$0x5F0];
	v9 =	vmul.f32 v41, v40;
	[tilespmem:s24+$0x430] =	vst v10  }
0xad: {  	v42 =	vld [tilespmem:s24+$0x460];
	v11 =	vmul.f32 v43, v40;
	[tilespmem:s24+$0x440] =	vst v8  }
0xae: {  	v46 =	vld [tilespmem:s24+$0x4A0];
	v13 =	vmul.f32 v44, v49;
	[tilespmem:s24+$0x450] =	vst v9  }
0xaf: {  	v47 =	vld [tilespmem:s24+$0x4B0];
	v14 =	vmul.f32 v45, v49;
	[tilespmem:s24+$0x470] =	vst v11  }
0xb0: {  	v48 =	vld [tilespmem:s24+$0x4C0];
	v32 =	vmul.f32 v27, v24;
	[tilespmem:s24+$0x480] =	vst v13  }
0xb1: {  	v51 =	vld [tilespmem:s24+$0x4E0];
	v7 =	vmul.f32 v29, v24;
	[tilespmem:s24+$0x490] =	vst v14  }
0xb2: {  	v52 =	vld [tilespmem:s24+$0x4F0];
	v12 =	vmul.f32 v42, v40;
	[tilespmem:s24+$0x5D0] =	vst v32  }
0xb3: {  	v10 =	vmul.f32 v46, v49;
	[tilespmem:s24+$0x5F0] =	vst v7  }
0xb4: {  	v28 =	vld [tilespmem:s24+$0x5E0];
	v8 =	vmul.f32 v47, v49;
	[tilespmem:s24+$0x460] =	vst v12  }
0xb5: {  	v30 =	vld [tilespmem:s24+$0x600];
	v9 =	vmul.f32 v48, v49;
	[tilespmem:s24+$0x4A0] =	vst v10  }
0xb6: {  	v50 =	vld [tilespmem:s24+$0x4D0];
	v5 =	vbroadcast v2, $0xF;
	v11 =	vmul.f32 v51, v49;
	[tilespmem:s24+$0x4B0] =	vst v8  }
0xb7: {  	v54 =	vld [tilespmem:s24+$0x510];
	v13 =	vmul.f32 v52, v49;
	[tilespmem:s24+$0x4C0] =	vst v9  }
0xb8: {  	v55 =	vld [tilespmem:s24+$0x520];
	v35 =	vbroadcast v2, $0xC;
	v4 =	vmul.f32 v4, v5;
	[tilespmem:s24+$0x4E0] =	vst v11  }
0xb9: {  	v56 =	vld [tilespmem:s24+$0x530];
	v40 =	vmul.f32 v28, v24;
	[tilespmem:s24+$0x4F0] =	vst v13  }
0xba: {  	v60 =	vld [tilespmem:s24+$0x560];
	v16 =	vmul.f32 v30, v35;
	[tilespmem:s24+$0x7D0] =	vst v4  }
0xbb: {  	v62 =	vld [tilespmem:s24+$0x10];
	v12 =	vmul.f32 v50, v49;
	[tilespmem:s24+$0x5E0] =	vst v40  }
0xbc: {  	v63 =	vld [tilespmem:s24+$0x40];
	v10 =	vmul.f32 v54, v6;
	[tilespmem:s24+$0x600] =	vst v16  }
0xbd: {  	v20 =	vld [tilespmem:s24+$0x50];
	v8 =	vmul.f32 v55, v6;
	[tilespmem:s24+$0x4D0] =	vst v12  }
0xbe: {  	v33 =	vld [tilespmem:s24+$0x630];
	v9 =	vmul.f32 v56, v6;
	[tilespmem:s24+$0x510] =	vst v10  }
0xbf: {  	v61 =	vld [tilespmem:s24+$0x7F0];
	v6 =	vmul.f32 v60, v6;
	[tilespmem:s24+$0x520] =	vst v8  }
0xc0: {  	v38 =	vld [tilespmem:s24+$0x670];
	v13 =	vmul.f32 v62, v3;
	[tilespmem:s24+$0x530] =	vst v9  }
0xc1: {  	v22 =	vld [tilespmem:s24+$0x5A0];
	v4 =	vmul.f32 v63, v3;
	[tilespmem:s24+$0x560] =	vst v6  }
0xc2: {  	v23 =	vld [tilespmem:s24+$0x5B0];
	v3 =	vmul.f32 v20, v3;
	[tilespmem:s24+$0x10] =	vst v13  }
0xc3: {  	v26 =	vld [tilespmem:s24+$0x5C0];
	v62 =	vmul.f32 v33, v35;
	[tilespmem:s24+$0x40] =	vst v4  }
0xc4: {  	v31 =	vld [tilespmem:s24+$0x610];
	v63 =	vmul.f32 v61, v5;
	[tilespmem:s24+$0x50] =	vst v3  }
0xc5: {  	v34 =	vld [tilespmem:s24+$0x640];
	v16 =	vmul.f32 v38, v35;
	[tilespmem:s24+$0x630] =	vst v62  }
0xc6: {  	v41 =	vld [tilespmem:s24+$0x6A0];
	v8 =	vmul.f32 v22, v24;
	[tilespmem:s24+$0x7F0] =	vst v63  }
0xc7: {  	v46 =	vld [tilespmem:s24+$0x6E0];
	v9 =	vmul.f32 v23, v24;
	[tilespmem:s24+$0x670] =	vst v16  }
0xc8: {  	v6 =	vmul.f32 v26, v24;
	v3 =	vld [tilespmem:s24+$0x690];
	[tilespmem:s24+$0x5A0] =	vst v8  }
0xc9: {  	v36 =	vld [tilespmem:s24+$0x650];
	v44 =	vbroadcast v2, $0xD;
	v10 =	vmul.f32 v31, v35;
	[tilespmem:s24+$0x5B0] =	vst v9  }
0xca: {  	v37 =	vld [tilespmem:s24+$0x660];
	v13 =	vmul.f32 v34, v35;
	[tilespmem:s24+$0x5C0] =	vst v6  }
0xcb: {  	v39 =	vld [tilespmem:s24+$0x680];
	v12 =	vmul.f32 v41, v44;
	[tilespmem:s24+$0x610] =	vst v10  }
0xcc: {  	v42 =	vld [tilespmem:s24+$0x6B0];
	v51 =	vmul.f32 v46, v44;
	[tilespmem:s24+$0x640] =	vst v13  }
0xcd: {  	v48 =	vld [tilespmem:s24+$0x710];
	[tilespmem:s24+$0x6A0] =	vst v12;
	v3 =	vmul.f32 v3, v44  }
0xce: {  	v49 =	vld [tilespmem:s24+$0x720];
	v9 =	vmul.f32 v36, v35;
	[tilespmem:s24+$0x6E0] =	vst v51  }
0xcf: {  	v6 =	vmul.f32 v37, v35;
	[tilespmem:s24+$0x690] =	vst v3;
	v3 =	vld [tilespmem:s24+$0x700]  }
0xd0: {  	v2 =	vbroadcast v2, $0xE;
	v50 =	vld [tilespmem:s24+$0x730];
	v10 =	vmul.f32 v39, v44;
	[tilespmem:s24+$0x650] =	vst v9  }
0xd1: {  	v45 =	vld [tilespmem:s24+$0x6D0];
	v13 =	vmul.f32 v42, v44;
	[tilespmem:s24+$0x660] =	vst v6  }
0xd2: {  	v47 =	vld [tilespmem:s24+$0x6F0];
	v12 =	vmul.f32 v48, v2;
	[tilespmem:s24+$0x680] =	vst v10  }
0xd3: {  	v43 =	vld [tilespmem:s24+$0x6C0];
	v11 =	vmul.f32 v49, v2;
	[tilespmem:s24+$0x6B0] =	vst v13  }
0xd4: {  	v55 =	vld [tilespmem:s24+$0x780];
	[tilespmem:s24+$0x710] =	vst v12;
	v3 =	vmul.f32 v3, v2  }
0xd5: {  	v57 =	vld [tilespmem:s24+$0x7A0];
	v7 =	vmul.f32 v50, v2;
	[tilespmem:s24+$0x720] =	vst v11  }
0xd6: {  	v6 =	vmul.f32 v45, v44;
	[tilespmem:s24+$0x700] =	vst v3;
	v3 =	vld [tilespmem:s24+$0x770]  }
0xd7: {  	v52 =	vld [tilespmem:s24+$0x740];
	v10 =	vmul.f32 v47, v44;
	[tilespmem:s24+$0x730] =	vst v7  }
0xd8: {  	v56 =	vld [tilespmem:s24+$0x790];
	v9 =	vmul.f32 v43, v44;
	[tilespmem:s24+$0x6D0] =	vst v6  }
0xd9: {  	v54 =	vld [tilespmem:s24+$0x760];
	v12 =	vmul.f32 v55, v5;
	[tilespmem:s24+$0x6F0] =	vst v10  }
0xda: {  	v58 =	vld [tilespmem:s24+$0x7B0];
	v7 =	vmul.f32 v57, v5;
	[tilespmem:s24+$0x6C0] =	vst v9  }
0xdb: {  	v53 =	vld [tilespmem:s24+$0x750];
	[tilespmem:s24+$0x780] =	vst v12;
	v3 =	vmul.f32 v3, v2  }
0xdc: {  	v59 =	vld [tilespmem:s24+$0x7C0];
	v6 =	vmul.f32 v52, v2;
	[tilespmem:s24+$0x7A0] =	vst v7  }
0xdd: {  	v60 =	vld [tilespmem:s24+$0x7E0];
	[tilespmem:s24+$0x770] =	vst v3;
	v3 =	vmul.f32 v56, v5  }
0xde: {  	v10 =	vmul.f32 v54, v2;
	[tilespmem:s24+$0x740] =	vst v6  }
0xdf: {  	v4 =	vld [tilespmem:s24+$0x620];
	[tilespmem:s24+$0x790] =	vst v3;
	v3 =	vmul.f32 v58, v5  }
0xe0: {  	[tilespmem:s24+$0x760] =	vst v10;
	v2 =	vmul.f32 v53, v2  }
0xe1: {  	[tilespmem:s24+$0x7B0] =	vst v3;
	v3 =	vmul.f32 v59, v5  }
0xe2: {  	[tilespmem:s24+$0x750] =	vst v2;
	v5 =	vmul.f32 v60, v5  }
0xe3: {  	[tilespmem:s24+$0x7C0] =	vst v3  }
0xe4: {  	s25 =	simm.s32 $0x1;
	v3 =	vmul.f32 v4, v35;
	[tilespmem:s24+$0x7E0] =	vst v5  }
.LBB2_6:
0xe5: {  	s26 =	sshll.u32 s25, $0x4  }
0xe6: {  	p0 =	sne.s32 s25, $0x7;
	[tilespmem:s24+$0x620] =	vst v3;
	s24 =	smov.u32 s25;
	s25 =	sadd.s32 $0x1, s25  }
0xe7: {  	s26 =	sand.u32 $0x3FFFFFF0, s26  }
0xe8: {  	v2 =	vld.idx.msk [tilespmem:v1+s26+$0x0 ss:$0x1], $0xffff  }
0xe9: {  	s24 =	sshll.u32 s24, $0xB  }
0xea: {  	s24 =	sand.u32 $0x3FFFF800, s24  }
0xeb: {  	v9 =	vld [tilespmem:s24+$0xC0]  }
0xec: {  	v10 =	vld [tilespmem:s24+$0xD0]  }
0xed: {  	v11 =	vld [tilespmem:s24+$0xB0]  }
0xee: {  	v3 =	vbroadcast v2, $0x0;
	v8 =	vbroadcast v2, $0x4;
	v4 =	vld [tilespmem:s24+$0x20]  }
0xef: {  	v6 =	vld [tilespmem:s24+$0x30]  }
0xf0: {  	v7 =	vld [tilespmem:s24+$0x570]  }
0xf1: {  	v12 =	vld [tilespmem:s24+$0x60]  }
0xf2: {  	v13 =	vld [tilespmem:s24+$0x70]  }
0xf3: {  	v5 =	vbroadcast v2, $0xA;
	v4 =	vmul.f32 v4, v3;
	v14 =	vld [tilespmem:s24+$0x80]  }
0xf4: {  	v6 =	vmul.f32 v6, v3;
	v15 =	vld [tilespmem:s24+$0x90]  }
0xf5: {  	[tilespmem:s24+$0x20] =	vst v4;
	v16 =	vld [tilespmem:s24+$0xA0];
	v4 =	vmul.f32 v7, v5  }
0xf6: {  	[tilespmem:s24+$0x30] =	vst v6;
	v7 =	vmul.f32 v12, v3;
	v12 =	vbroadcast v2, $0x1;
	v6 =	vld [tilespmem:s24+$0x580]  }
0xf7: {  	v13 =	vmul.f32 v13, v3;
	[tilespmem:s24+$0x570] =	vst v4;
	v4 =	vld [tilespmem:s24+$0x7D0]  }
0xf8: {  	[tilespmem:s24+$0x60] =	vst v7;
	v14 =	vmul.f32 v14, v12;
	v7 =	vld [tilespmem:s24+$0x590]  }
0xf9: {  	[tilespmem:s24+$0x70] =	vst v13;
	v13 =	vmul.f32 v15, v12;
	v15 =	vld [tilespmem:s24+$0xE0]  }
0xfa: {  	[tilespmem:s24+$0x80] =	vst v14;
	v14 =	vmul.f32 v16, v12;
	v16 =	vld [tilespmem:s24+$0xF0]  }
0xfb: {  	v11 =	vmul.f32 v11, v12;
	[tilespmem:s24+$0x90] =	vst v13;
	v13 =	vld [tilespmem:s24+$0x100]  }
0xfc: {  	v9 =	vmul.f32 v9, v12;
	[tilespmem:s24+$0xA0] =	vst v14;
	v14 =	vld [tilespmem:s24+$0x110]  }
0xfd: {  	v10 =	vmul.f32 v10, v12;
	[tilespmem:s24+$0xB0] =	vst v11;
	v11 =	vld [tilespmem:s24+$0x120]  }
0xfe: {  	[tilespmem:s24+$0xC0] =	vst v9;
	v9 =	vmul.f32 v15, v12;
	v15 =	vbroadcast v2, $0x2;
	v17 =	vld [tilespmem:s24+$0x130]  }
0xff: {  	[tilespmem:s24+$0xD0] =	vst v10;
	v10 =	vmul.f32 v16, v12;
	v12 =	vld [tilespmem:s24+$0x140]  }
0x100: {  	[tilespmem:s24+$0xE0] =	vst v9;
	v9 =	vmul.f32 v13, v15;
	v13 =	vld [tilespmem:s24+$0x150]  }
0x101: {  	[tilespmem:s24+$0xF0] =	vst v10;
	v10 =	vmul.f32 v14, v15;
	v14 =	vld [tilespmem:s24+$0x160]  }
0x102: {  	[tilespmem:s24+$0x100] =	vst v9;
	v9 =	vmul.f32 v11, v15;
	v11 =	vld [tilespmem:s24+$0x170]  }
0x103: {  	[tilespmem:s24+$0x110] =	vst v10;
	v10 =	vmul.f32 v17, v15;
	v16 =	vld [tilespmem:s24+$0x180]  }
0x104: {  	[tilespmem:s24+$0x120] =	vst v9;
	v9 =	vmul.f32 v12, v15;
	v12 =	vld [tilespmem:s24+$0x190]  }
0x105: {  	[tilespmem:s24+$0x130] =	vst v10;
	v10 =	vmul.f32 v13, v15;
	v13 =	vld [tilespmem:s24+$0x1A0]  }
0x106: {  	[tilespmem:s24+$0x140] =	vst v9;
	v9 =	vmul.f32 v14, v15;
	v14 =	vbroadcast v2, $0x3;
	v17 =	vld [tilespmem:s24+$0x1B0]  }
0x107: {  	[tilespmem:s24+$0x150] =	vst v10;
	v10 =	vmul.f32 v11, v15;
	v11 =	vld [tilespmem:s24+$0x1C0]  }
0x108: {  	[tilespmem:s24+$0x160] =	vst v9;
	v9 =	vmul.f32 v16, v14;
	v15 =	vld [tilespmem:s24+$0x1D0]  }
0x109: {  	[tilespmem:s24+$0x170] =	vst v10;
	v10 =	vmul.f32 v12, v14;
	v12 =	vld [tilespmem:s24+$0x1E0]  }
0x10a: {  	[tilespmem:s24+$0x180] =	vst v9;
	v9 =	vmul.f32 v13, v14;
	v13 =	vld [tilespmem:s24+$0x1F0]  }
0x10b: {  	[tilespmem:s24+$0x190] =	vst v10;
	v10 =	vmul.f32 v17, v14;
	v16 =	vld [tilespmem:s24+$0x200]  }
0x10c: {  	[tilespmem:s24+$0x1A0] =	vst v9;
	v9 =	vmul.f32 v11, v14;
	v11 =	vld [tilespmem:s24+$0x210]  }
0x10d: {  	[tilespmem:s24+$0x1B0] =	vst v10;
	v10 =	vmul.f32 v15, v14;
	v15 =	vld [tilespmem:s24+$0x220]  }
0x10e: {  	[tilespmem:s24+$0x1C0] =	vst v9;
	v9 =	vmul.f32 v12, v14;
	v12 =	vld [tilespmem:s24+$0x230]  }
0x10f: {  	[tilespmem:s24+$0x1D0] =	vst v10;
	v10 =	vmul.f32 v13, v14;
	v13 =	vld [tilespmem:s24+$0x240]  }
0x110: {  	[tilespmem:s24+$0x1E0] =	vst v9;
	v9 =	vmul.f32 v16, v8;
	v14 =	vld [tilespmem:s24+$0x250]  }
0x111: {  	[tilespmem:s24+$0x1F0] =	vst v10;
	v10 =	vmul.f32 v11, v8;
	v11 =	vld [tilespmem:s24+$0x260]  }
0x112: {  	[tilespmem:s24+$0x200] =	vst v9;
	v9 =	vmul.f32 v15, v8;
	v15 =	vld [tilespmem:s24+$0x270]  }
0x113: {  	[tilespmem:s24+$0x210] =	vst v10;
	v10 =	vmul.f32 v12, v8;
	v12 =	vld [tilespmem:s24+$0x280]  }
0x114: {  	[tilespmem:s24+$0x220] =	vst v9;
	v9 =	vmul.f32 v13, v8;
	v13 =	vld [tilespmem:s24+$0x290]  }
0x115: {  	[tilespmem:s24+$0x230] =	vst v10;
	v10 =	vmul.f32 v14, v8;
	v14 =	vld [tilespmem:s24+$0x2A0]  }
0x116: {  	[tilespmem:s24+$0x240] =	vst v9;
	v9 =	vmul.f32 v11, v8;
	v11 =	vbroadcast v2, $0x5;
	v16 =	vld [tilespmem:s24+$0x2B0]  }
0x117: {  	[tilespmem:s24+$0x250] =	vst v10;
	v8 =	vmul.f32 v15, v8;
	v10 =	vld [tilespmem:s24+$0x2C0]  }
0x118: {  	[tilespmem:s24+$0x260] =	vst v9;
	v9 =	vmul.f32 v12, v11;
	v12 =	vld [tilespmem:s24+$0x2D0]  }
0x119: {  	[tilespmem:s24+$0x270] =	vst v8;
	v8 =	vmul.f32 v13, v11;
	v13 =	vld [tilespmem:s24+$0x2E0]  }
0x11a: {  	[tilespmem:s24+$0x280] =	vst v9;
	v9 =	vmul.f32 v14, v11;
	v14 =	vld [tilespmem:s24+$0x2F0]  }
0x11b: {  	[tilespmem:s24+$0x290] =	vst v8;
	v8 =	vmul.f32 v16, v11;
	v15 =	vld [tilespmem:s24+$0x300]  }
0x11c: {  	[tilespmem:s24+$0x2A0] =	vst v9;
	v9 =	vmul.f32 v10, v11;
	v10 =	vld [tilespmem:s24+$0x310]  }
0x11d: {  	[tilespmem:s24+$0x2B0] =	vst v8;
	v8 =	vmul.f32 v12, v11;
	v12 =	vld [tilespmem:s24+$0x320]  }
0x11e: {  	[tilespmem:s24+$0x2C0] =	vst v9;
	v9 =	vmul.f32 v13, v11;
	v13 =	vbroadcast v2, $0x6;
	v16 =	vld [tilespmem:s24+$0x330]  }
0x11f: {  	[tilespmem:s24+$0x2D0] =	vst v8;
	v8 =	vmul.f32 v14, v11;
	v11 =	vld [tilespmem:s24+$0x340]  }
0x120: {  	[tilespmem:s24+$0x2E0] =	vst v9;
	v9 =	vmul.f32 v15, v13;
	v14 =	vld [tilespmem:s24+$0x350]  }
0x121: {  	[tilespmem:s24+$0x2F0] =	vst v8;
	v8 =	vmul.f32 v10, v13;
	v10 =	vld [tilespmem:s24+$0x360]  }
0x122: {  	[tilespmem:s24+$0x300] =	vst v9;
	v9 =	vmul.f32 v12, v13;
	v12 =	vld [tilespmem:s24+$0x370]  }
0x123: {  	[tilespmem:s24+$0x310] =	vst v8;
	v8 =	vmul.f32 v16, v13;
	v15 =	vld [tilespmem:s24+$0x380]  }
0x124: {  	[tilespmem:s24+$0x320] =	vst v9;
	v9 =	vmul.f32 v11, v13;
	v11 =	vld [tilespmem:s24+$0x390]  }
0x125: {  	[tilespmem:s24+$0x330] =	vst v8;
	v8 =	vmul.f32 v14, v13;
	v14 =	vld [tilespmem:s24+$0x3A0]  }
0x126: {  	[tilespmem:s24+$0x340] =	vst v9;
	v9 =	vmul.f32 v10, v13;
	v10 =	vbroadcast v2, $0x7;
	v16 =	vld [tilespmem:s24+$0x3B0]  }
0x127: {  	[tilespmem:s24+$0x350] =	vst v8;
	v8 =	vmul.f32 v12, v13;
	v12 =	vld [tilespmem:s24+$0x3C0]  }
0x128: {  	[tilespmem:s24+$0x360] =	vst v9;
	v9 =	vmul.f32 v15, v10;
	v13 =	vld [tilespmem:s24+$0x3D0]  }
0x129: {  	[tilespmem:s24+$0x370] =	vst v8;
	v8 =	vmul.f32 v11, v10;
	v11 =	vld [tilespmem:s24+$0x3E0]  }
0x12a: {  	[tilespmem:s24+$0x380] =	vst v9;
	v9 =	vmul.f32 v14, v10;
	v14 =	vld [tilespmem:s24+$0x3F0]  }
0x12b: {  	[tilespmem:s24+$0x390] =	vst v8;
	v8 =	vmul.f32 v16, v10;
	v15 =	vld [tilespmem:s24+$0x400]  }
0x12c: {  	[tilespmem:s24+$0x3A0] =	vst v9;
	v9 =	vmul.f32 v12, v10;
	v12 =	vld [tilespmem:s24+$0x410]  }
0x12d: {  	[tilespmem:s24+$0x3B0] =	vst v8;
	v8 =	vmul.f32 v13, v10;
	v13 =	vld [tilespmem:s24+$0x420]  }
0x12e: {  	[tilespmem:s24+$0x3C0] =	vst v9;
	v9 =	vmul.f32 v11, v10;
	v11 =	vbroadcast v2, $0x8;
	v16 =	vld [tilespmem:s24+$0x430]  }
0x12f: {  	[tilespmem:s24+$0x3D0] =	vst v8;
	v8 =	vmul.f32 v14, v10;
	v10 =	vld [tilespmem:s24+$0x440]  }
0x130: {  	[tilespmem:s24+$0x3E0] =	vst v9;
	v9 =	vmul.f32 v15, v11;
	v14 =	vld [tilespmem:s24+$0x450]  }
0x131: {  	[tilespmem:s24+$0x3F0] =	vst v8;
	v8 =	vmul.f32 v12, v11;
	v12 =	vld [tilespmem:s24+$0x460]  }
0x132: {  	[tilespmem:s24+$0x400] =	vst v9;
	v9 =	vmul.f32 v13, v11;
	v13 =	vld [tilespmem:s24+$0x470]  }
0x133: {  	[tilespmem:s24+$0x410] =	vst v8;
	v8 =	vmul.f32 v16, v11;
	v15 =	vld [tilespmem:s24+$0x480]  }
0x134: {  	[tilespmem:s24+$0x420] =	vst v9;
	v9 =	vmul.f32 v10, v11;
	v10 =	vld [tilespmem:s24+$0x490]  }
0x135: {  	[tilespmem:s24+$0x430] =	vst v8;
	v8 =	vmul.f32 v14, v11;
	v14 =	vld [tilespmem:s24+$0x4A0]  }
0x136: {  	[tilespmem:s24+$0x440] =	vst v9;
	v9 =	vmul.f32 v12, v11;
	v12 =	vbroadcast v2, $0x9;
	v16 =	vld [tilespmem:s24+$0x4B0]  }
0x137: {  	[tilespmem:s24+$0x450] =	vst v8;
	v8 =	vmul.f32 v13, v11;
	v11 =	vld [tilespmem:s24+$0x4C0]  }
0x138: {  	[tilespmem:s24+$0x460] =	vst v9;
	v9 =	vmul.f32 v15, v12;
	v13 =	vld [tilespmem:s24+$0x4D0]  }
0x139: {  	[tilespmem:s24+$0x470] =	vst v8;
	v8 =	vmul.f32 v10, v12;
	v10 =	vld [tilespmem:s24+$0x4E0]  }
0x13a: {  	[tilespmem:s24+$0x480] =	vst v9;
	v9 =	vmul.f32 v14, v12;
	v14 =	vld [tilespmem:s24+$0x4F0]  }
0x13b: {  	[tilespmem:s24+$0x490] =	vst v8;
	v8 =	vmul.f32 v16, v12;
	v15 =	vld [tilespmem:s24+$0x500]  }
0x13c: {  	[tilespmem:s24+$0x4A0] =	vst v9;
	v9 =	vmul.f32 v11, v12;
	v11 =	vld [tilespmem:s24+$0x510]  }
0x13d: {  	[tilespmem:s24+$0x4B0] =	vst v8;
	v8 =	vmul.f32 v13, v12;
	v13 =	vld [tilespmem:s24+$0x520]  }
0x13e: {  	[tilespmem:s24+$0x4C0] =	vst v9;
	v9 =	vmul.f32 v10, v12;
	v10 =	vld [tilespmem:s24+$0x530]  }
0x13f: {  	[tilespmem:s24+$0x4D0] =	vst v8;
	v8 =	vmul.f32 v14, v12;
	v12 =	vld [tilespmem:s24+$0x540]  }
0x140: {  	[tilespmem:s24+$0x4E0] =	vst v9;
	v9 =	vmul.f32 v15, v5;
	v14 =	vld [tilespmem:s24+$0x550]  }
0x141: {  	[tilespmem:s24+$0x4F0] =	vst v8;
	v8 =	vmul.f32 v11, v5;
	v11 =	vld [tilespmem:s24+$0x560]  }
0x142: {  	v15 =	vld [tilespmem:s24+$0x0];
	[tilespmem:s24+$0x500] =	vst v9;
	v9 =	vmul.f32 v13, v5  }
0x143: {  	v13 =	vld [tilespmem:s24+$0x10];
	[tilespmem:s24+$0x510] =	vst v8;
	v8 =	vmul.f32 v10, v5  }
0x144: {  	v10 =	vld [tilespmem:s24+$0x40];
	[tilespmem:s24+$0x520] =	vst v9;
	v9 =	vmul.f32 v12, v5  }
0x145: {  	v12 =	vld [tilespmem:s24+$0x50];
	[tilespmem:s24+$0x530] =	vst v8;
	v8 =	vmul.f32 v14, v5  }
0x146: {  	[tilespmem:s24+$0x540] =	vst v9;
	v9 =	vmul.f32 v11, v5;
	v11 =	vbroadcast v2, $0xB;
	v14 =	vld [tilespmem:s24+$0x5A0]  }
0x147: {  	v5 =	vbroadcast v2, $0xF;
	v15 =	vmul.f32 v3, v15;
	[tilespmem:s24+$0x550] =	vst v8;
	v8 =	vld [tilespmem:s24+$0x5B0]  }
0x148: {  	v13 =	vmul.f32 v13, v3;
	[tilespmem:s24+$0x560] =	vst v9;
	v6 =	vmul.f32 v6, v11;
	v9 =	vld [tilespmem:s24+$0x5C0]  }
0x149: {  	v7 =	vmul.f32 v7, v11;
	[tilespmem:s24+$0x0] =	vst v15;
	v10 =	vmul.f32 v10, v3;
	v15 =	vld [tilespmem:s24+$0x5D0]  }
0x14a: {  	v4 =	vmul.f32 v4, v5;
	v12 =	vmul.f32 v12, v3;
	[tilespmem:s24+$0x580] =	vst v6;
	v3 =	vld [tilespmem:s24+$0x5E0]  }
0x14b: {  	[tilespmem:s24+$0x590] =	vst v7;
	v6 =	vmul.f32 v14, v11;
	v7 =	vld [tilespmem:s24+$0x5F0]  }
0x14c: {  	v8 =	vmul.f32 v8, v11;
	v14 =	vld [tilespmem:s24+$0x600];
	[tilespmem:s24+$0x7D0] =	vst v4  }
0x14d: {  	[tilespmem:s24+$0x10] =	vst v13;
	v4 =	vmul.f32 v9, v11;
	v9 =	vld [tilespmem:s24+$0x610]  }
0x14e: {  	[tilespmem:s24+$0x40] =	vst v10;
	v10 =	vmul.f32 v15, v11;
	v13 =	vld [tilespmem:s24+$0x620]  }
0x14f: {  	v15 =	vbroadcast v2, $0xC;
	[tilespmem:s24+$0x5A0] =	vst v6;
	v6 =	vmul.f32 v3, v11;
	v16 =	vld [tilespmem:s24+$0x630]  }
0x150: {  	[tilespmem:s24+$0x5D0] =	vst v10;
	v7 =	vmul.f32 v7, v11;
	v10 =	vld [tilespmem:s24+$0x640]  }
0x151: {  	[tilespmem:s24+$0x5B0] =	vst v8;
	v3 =	vmul.f32 v14, v15;
	v8 =	vld [tilespmem:s24+$0x650]  }
0x152: {  	[tilespmem:s24+$0x5C0] =	vst v4;
	v4 =	vmul.f32 v9, v15;
	v9 =	vld [tilespmem:s24+$0x660]  }
0x153: {  	[tilespmem:s24+$0x600] =	vst v3;
	v3 =	vmul.f32 v13, v15;
	v11 =	vld [tilespmem:s24+$0x670]  }
0x154: {  	[tilespmem:s24+$0x610] =	vst v4;
	v4 =	vld [tilespmem:s24+$0x680]  }
0x155: {  	[tilespmem:s24+$0x50] =	vst v12;
	v10 =	vmul.f32 v10, v15;
	v12 =	vld [tilespmem:s24+$0x690]  }
0x156: {  	[tilespmem:s24+$0x5E0] =	vst v6;
	v6 =	vmul.f32 v8, v15;
	v8 =	vld [tilespmem:s24+$0x6A0]  }
0x157: {  	[tilespmem:s24+$0x640] =	vst v10;
	v9 =	vmul.f32 v9, v15;
	v10 =	vbroadcast v2, $0xD;
	v13 =	vld [tilespmem:s24+$0x6B0]  }
0x158: {  	[tilespmem:s24+$0x650] =	vst v6;
	v6 =	vmul.f32 v11, v15;
	v11 =	vld [tilespmem:s24+$0x6C0]  }
0x159: {  	[tilespmem:s24+$0x660] =	vst v9;
	v4 =	vmul.f32 v4, v10;
	v9 =	vld [tilespmem:s24+$0x6D0]  }
0x15a: {  	[tilespmem:s24+$0x670] =	vst v6;
	v6 =	vmul.f32 v12, v10;
	v12 =	vld [tilespmem:s24+$0x6E0]  }
0x15b: {  	[tilespmem:s24+$0x680] =	vst v4;
	v4 =	vmul.f32 v8, v10;
	v8 =	vld [tilespmem:s24+$0x6F0]  }
0x15c: {  	[tilespmem:s24+$0x690] =	vst v6;
	v6 =	vmul.f32 v13, v10;
	v13 =	vld [tilespmem:s24+$0x700]  }
0x15d: {  	[tilespmem:s24+$0x6A0] =	vst v4;
	v4 =	vmul.f32 v11, v10;
	v11 =	vld [tilespmem:s24+$0x710]  }
0x15e: {  	[tilespmem:s24+$0x6B0] =	vst v6;
	v6 =	vmul.f32 v9, v10;
	v9 =	vld [tilespmem:s24+$0x720]  }
0x15f: {  	v2 =	vbroadcast v2, $0xE;
	[tilespmem:s24+$0x5F0] =	vst v7;
	v7 =	vmul.f32 v12, v10;
	v12 =	vld [tilespmem:s24+$0x730]  }
0x160: {  	[tilespmem:s24+$0x6D0] =	vst v6;
	v6 =	vmul.f32 v8, v10;
	v8 =	vld [tilespmem:s24+$0x740]  }
0x161: {  	[tilespmem:s24+$0x6E0] =	vst v7;
	v7 =	vmul.f32 v13, v2;
	v10 =	vld [tilespmem:s24+$0x750]  }
0x162: {  	[tilespmem:s24+$0x6F0] =	vst v6;
	v6 =	vmul.f32 v11, v2;
	v11 =	vld [tilespmem:s24+$0x760]  }
0x163: {  	[tilespmem:s24+$0x700] =	vst v7;
	v7 =	vmul.f32 v9, v2;
	v9 =	vld [tilespmem:s24+$0x770]  }
0x164: {  	[tilespmem:s24+$0x710] =	vst v6;
	v6 =	vmul.f32 v12, v2;
	v12 =	vld [tilespmem:s24+$0x780]  }
0x165: {  	[tilespmem:s24+$0x720] =	vst v7;
	v7 =	vmul.f32 v8, v2;
	v8 =	vld [tilespmem:s24+$0x790]  }
0x166: {  	[tilespmem:s24+$0x730] =	vst v6;
	v6 =	vmul.f32 v10, v2;
	v10 =	vld [tilespmem:s24+$0x7A0]  }
0x167: {  	[tilespmem:s24+$0x740] =	vst v7;
	v7 =	vmul.f32 v11, v2;
	v11 =	vld [tilespmem:s24+$0x7B0]  }
0x168: {  	[tilespmem:s24+$0x6C0] =	vst v4;
	v2 =	vmul.f32 v9, v2;
	v4 =	vld [tilespmem:s24+$0x7C0]  }
0x169: {  	[tilespmem:s24+$0x760] =	vst v7;
	v7 =	vmul.f32 v12, v5;
	v9 =	vld [tilespmem:s24+$0x7E0]  }
0x16a: {  	[tilespmem:s24+$0x770] =	vst v2;
	v2 =	vmul.f32 v8, v5;
	v8 =	vld [tilespmem:s24+$0x7F0]  }
0x16b: {  	[tilespmem:s24+$0x780] =	vst v7;
	v7 =	vmul.f32 v10, v5  }
0x16c: {  	[tilespmem:s24+$0x790] =	vst v2;
	v2 =	vmul.f32 v11, v5  }
0x16d: {  	v10 =	vmul.f32 v16, v15;
	[tilespmem:s24+$0x7A0] =	vst v7  }
0x16e: {  	[tilespmem:s24+$0x7B0] =	vst v2;
	v2 =	vmul.f32 v4, v5  }
.Ltmp6:
0x16f: {  	[tilespmem:s24+$0x630] =	vst v10;
	v4 =	vmul.f32 v8, v5;
	(pc) =	sbr.rel @p0 .LBB2_6-.Ltmp6, $4  }
0x170: {  	[tilespmem:s24+$0x7C0] =	vst v2  }
0x171: {  	v2 =	vmul.f32 v9, v5;
	[tilespmem:s24+$0x7F0] =	vst v4  }
0x172: {  	[tilespmem:s24+$0x750] =	vst v6  }
0x173: {  	[tilespmem:s24+$0x7E0] =	vst v2  }
.Ltmp7:
0x174: {  	[tilespmem:s24+$0x620] =	vst v3;
	s23 =	sor.u32 $0x4800, s23;
	(pc) =	sbr.rel .LBB2_8-.Ltmp7, $4  }
0x175: {  	[spmem:s3] =	stream.indirect.scatter.add.f32 [tilespmem:s5], [sflag:$0x2], $0x80, s23, s18, $0xb8;
	[tilespmem:$0x18800] =	vst v63  }
0x176: {  	_ =	swait.ge [sflag:s17], $0x4000  }
0x177: {  	[sflag:s17] =	ssyncset.done $0x0  }
0x178: {  	[sflag:s17] =	ssyncadd.s32 $0xFFFFC000  }
.LBB2_10:
0x179: {  	_ =	sfence.sel $0x180000  }
0x17a: {  	[bflag:$0x0] =	sbarrier.arrive $0xFFFF  }
0x17b: {  	p0 =	sne.s32 s4, $0x0;
	_ =	strace $0x90000047  }
0x17c: {  	s0 =	sadd.s32 @!p0 $0x100000, s0;
	[bflag:$0x2] =	sbarrier.arrive $0xFFFF  }
0x17d: {  	[sflag:s0] =	ssyncadd.tile.s32 @!p0 $0x1;
	_ =	shalt  }
.Lfunc_end2:
_tile_overlayer_lowered:
.L_overlay_start_2:
0x17e: {  	(tag) =	ssettag $0x2  }
0x17f: {  	s0 =	rddreg [dreg:$0x0];
	s2 =	stileid.u32  }
0x180: {  	s1 =	rddreg [dreg:$0x1];
	p0 =	sne.s32 s2, $0x0  }
0x181: {  	s3 =	rddreg [dreg:$0x2];
	[bflag:$0x3] =	sbarrier.arrive $0xFFFF;
	s2 =	simm.s32 @!p0 $0x1C02  }
0x182: {  	[timem:s3], [sflag:s2] =	dma.local @!p0 [hbm:s0], s1  }
0x183: {  	s0 =	simm.s32 @!p0 $0x2  }
0x184: {  	_ =	swait.ge @!p0 [sflag:s0], s1  }
0x185: {  	s1 =	ssub.s32 @!p0 $0x0, s1;
	[sflag:s0] =	ssyncset.done @!p0 $0x0  }
0x186: {  	[sflag:s0] =	ssyncadd.s32 @!p0 s1  }
0x187: {  	[bflag:$0x3] =	sbarrier.arrive $0xFFFF  }
0x188: {  	_ =	shalt  }

</sc_bundles>
